<compile_context>
chip_gen: v7x
topology: tpu7x:2x2x1
jax: 0.10.2.dev20260603
libtpu: 0.0.44.dev20260713+nightly
codegen_flags: <defaults>
</compile_context>

<pallas_src>
import jax
import jax.numpy as jnp
from jax import lax
from jax.experimental import pallas as pl
from jax.experimental.pallas import tpu as pltpu
from jax.experimental.pallas import tpu_sc as plsc

N = 10000
E = 320000
D_IN = 128
D_HID = 128
D_OUT = 64

NP = 10240
RPT = NP // 16
CH = 128
K0 = 120
K1 = 40
TCH = 16 * (K0 + K1)
EP = TCH * CH
BR = 512


def _make_deg():
    mesh = plsc.VectorSubcoreMesh(core_axis_name="c", subcore_axis_name="s")

    def body(dst_hbm, z_hbm, out_hbm, idx_d, ones, table, sem):
        cid = lax.axis_index("c")
        sid = lax.axis_index("s")
        r0 = sid * RPT
        pltpu.sync_copy(z_hbm.at[pl.ds(r0, RPT)], table.at[pl.ds(r0, RPT)])
        for j in range(CH // 16):
            ones[pl.ds(j * 16, 16)] = jnp.ones((16,), jnp.float32)
        plsc.subcore_barrier()

        def run(K, cbase):
            pltpu.sync_copy(dst_hbm.at[pl.ds(cbase, K)], idx_d.at[pl.ds(0, K)])

            def fire(i, carry):
                pltpu.async_copy(ones, table.at[idx_d.at[i]], sem, add=True)
                return carry

            lax.fori_loop(0, K, fire, 0)

            def drain(i, carry):
                pltpu.make_async_copy(ones, table.at[idx_d.at[i]], sem).wait()
                return carry

            lax.fori_loop(0, K, drain, 0)

        @pl.when(cid == 0)
        def _():
            run(K0, sid * K0)

        @pl.when(cid != 0)
        def _():
            run(K1, 16 * K0 + sid * K1)

        plsc.subcore_barrier()
        pltpu.sync_copy(table.at[pl.ds(r0, RPT)], out_hbm.at[cid, pl.ds(r0, RPT)])

    return pl.kernel(
        body,
        out_type=jax.ShapeDtypeStruct((2, NP), jnp.float32),
        mesh=mesh,
        scratch_types=[
            pltpu.VMEM((K0, CH), jnp.int32),
            pltpu.VMEM((CH,), jnp.float32),
            pltpu.VMEM_SHARED((NP,), jnp.float32),
            pltpu.SemaphoreType.DMA,
        ],
    )


def _make_agg(d):
    mesh = plsc.VectorSubcoreMesh(core_axis_name="c", subcore_axis_name="s")

    def body(y_hbm, src_hbm, dst_hbm, z_hbm, out_hbm,
             idx_s, idx_d0, idx_d1, rows0, rows1, table, sem0, sem1):
        cid = lax.axis_index("c")
        sid = lax.axis_index("s")
        r0 = sid * RPT
        pltpu.sync_copy(z_hbm.at[pl.ds(r0, RPT)], table.at[pl.ds(r0, RPT)])
        plsc.subcore_barrier()

        def run(K, cbase):
            pltpu.sync_copy(src_hbm.at[pl.ds(cbase, K)], idx_s.at[pl.ds(0, K)])

            def fetch(i, idx_d, rows, sem):
                pltpu.async_copy(dst_hbm.at[cbase + i], idx_d, sem)
                pltpu.async_copy(y_hbm.at[idx_s.at[i]], rows, sem)

            def drain(i, idx_d, rows, sem):
                pltpu.make_async_copy(dst_hbm.at[cbase + i], idx_d, sem).wait()
                pltpu.make_async_copy(y_hbm.at[idx_s.at[i]], rows, sem).wait()

            fetch(0, idx_d0, rows0, sem0)

            def step(g, carry):
                i0 = 2 * g
                i1 = 2 * g + 1
                fetch(i1, idx_d1, rows1, sem1)
                drain(i0, idx_d0, rows0, sem0)
                pltpu.sync_copy(rows0, table.at[idx_d0], add=True)

                @pl.when(i1 + 1 < K)
                def _():
                    fetch(i1 + 1, idx_d0, rows0, sem0)

                drain(i1, idx_d1, rows1, sem1)
                pltpu.sync_copy(rows1, table.at[idx_d1], add=True)
                return carry

            lax.fori_loop(0, K // 2, step, 0)

        @pl.when(cid == 0)
        def _():
            run(K0, sid * K0)

        @pl.when(cid != 0)
        def _():
            run(K1, 16 * K0 + sid * K1)

        plsc.subcore_barrier()
        pltpu.sync_copy(table.at[pl.ds(r0, RPT)], out_hbm.at[cid, pl.ds(r0, RPT)])

    return pl.kernel(
        body,
        out_type=jax.ShapeDtypeStruct((2, NP, d), jnp.float32),
        mesh=mesh,
        scratch_types=[
            pltpu.VMEM((K0, CH), jnp.int32),
            pltpu.VMEM((CH,), jnp.int32),
            pltpu.VMEM((CH,), jnp.int32),
            pltpu.VMEM((CH, d), jnp.float32),
            pltpu.VMEM((CH, d), jnp.float32),
            pltpu.VMEM_SHARED((NP, d), jnp.float32),
            pltpu.SemaphoreType.DMA,
            pltpu.SemaphoreType.DMA,
        ],
    )


_deg = _make_deg()
_agg_hid = _make_agg(D_HID)


def _dinv_of(dp_ref):
    deg = dp_ref[0, :] + dp_ref[1, :] + 1.0
    return lax.rsqrt(jnp.maximum(deg, 1e-12))


def _mm1_body(dp_ref, x_ref, w_ref, o_ref):
    dinv = _dinv_of(dp_ref)
    xw = jnp.dot(x_ref[...], w_ref[...], preferred_element_type=jnp.float32)
    o_ref[...] = xw * dinv[:, None]


def _mm2_body(dp_ref, a_ref, y_ref, b_ref, w_ref, o_ref):
    dinv = _dinv_of(dp_ref)
    h = (a_ref[0] + a_ref[1] + y_ref[...]) * dinv[:, None] + b_ref[...]
    h = jnp.maximum(h, 0.0)
    hw = jnp.dot(h, w_ref[...], preferred_element_type=jnp.float32)
    o_ref[...] = hw * dinv[:, None]


def _fin_body(dp_ref, a_ref, y_ref, b_ref, o_ref):
    dinv = _dinv_of(dp_ref)
    o_ref[...] = (a_ref[0] + a_ref[1] + y_ref[...]) * dinv[:, None] + b_ref[...]


def kernel(x, edge_index, W1, b1, W2, b2):
    src = edge_index[0].astype(jnp.int32)
    dst = edge_index[1].astype(jnp.int32)
    pad = jnp.full((EP - E,), N, jnp.int32)
    srcp = jnp.concatenate([src, pad]).reshape(TCH, CH)
    dstp = jnp.concatenate([dst, pad]).reshape(TCH, CH)
    xp = jnp.pad(x, ((0, NP - N), (0, 0)))
    z1 = jnp.zeros((NP,), jnp.float32)
    zh = jnp.zeros((NP, D_HID), jnp.float32)
    b1r = b1.reshape(1, D_HID)
    b2r = jnp.pad(b2, (0, D_HID - D_OUT)).reshape(1, D_HID)
    W2p = jnp.pad(W2, ((0, 0), (0, D_HID - D_OUT)))

    dp = _deg(dstp, z1)

    grid = (NP // BR,)
    y1 = pl.pallas_call(
        _mm1_body,
        grid=grid,
        in_specs=[
            pl.BlockSpec((2, BR), lambda i: (0, i)),
            pl.BlockSpec((BR, D_IN), lambda i: (i, 0)),
            pl.BlockSpec((D_IN, D_HID), lambda i: (0, 0)),
        ],
        out_specs=pl.BlockSpec((BR, D_HID), lambda i: (i, 0)),
        out_shape=jax.ShapeDtypeStruct((NP, D_HID), jnp.float32),
    )(dp, xp, W1)

    a1 = _agg_hid(y1, srcp, dstp, zh)

    y2 = pl.pallas_call(
        _mm2_body,
        grid=grid,
        in_specs=[
            pl.BlockSpec((2, BR), lambda i: (0, i)),
            pl.BlockSpec((2, BR, D_HID), lambda i: (0, i, 0)),
            pl.BlockSpec((BR, D_HID), lambda i: (i, 0)),
            pl.BlockSpec((1, D_HID), lambda i: (0, 0)),
            pl.BlockSpec((D_HID, D_HID), lambda i: (0, 0)),
        ],
        out_specs=pl.BlockSpec((BR, D_HID), lambda i: (i, 0)),
        out_shape=jax.ShapeDtypeStruct((NP, D_HID), jnp.float32),
    )(dp, a1, y1, b1r, W2p)

    a2 = _agg_hid(y2, srcp, dstp, zh)

    out = pl.pallas_call(
        _fin_body,
        grid=grid,
        in_specs=[
            pl.BlockSpec((2, BR), lambda i: (0, i)),
            pl.BlockSpec((2, BR, D_HID), lambda i: (0, i, 0)),
            pl.BlockSpec((BR, D_HID), lambda i: (i, 0)),
            pl.BlockSpec((1, D_HID), lambda i: (0, 0)),
        ],
        out_specs=pl.BlockSpec((BR, D_HID), lambda i: (i, 0)),
        out_shape=jax.ShapeDtypeStruct((NP, D_HID), jnp.float32),
    )(dp, a2, y2, b2r)

    return out[:N, :D_OUT]

# --- scband reference (transcript-rebuilt; emitter-appended) ---
"""Pipeline reference for scband-gcn-3186865734223 (READ-ONLY COPY).

The authoritative reference and input builder live on the scoring server;
editing this copy changes nothing except your own understanding.
"""

import jax, jax.numpy as jnp
import numpy as np

N_NODES = 10000
N_EDGES = 320000
D_IN = 128
D_HID = 128
D_OUT = 64


def gcn_conv(x, edge_index, W, b):
    # Faithful PyG GCNConv: add self-loops, symmetric deg^{-1/2} normalization,
    # linear transform, scatter-add aggregation, then bias.
    N = x.shape[0]
    loop = jnp.arange(N, dtype=edge_index.dtype)
    src = jnp.concatenate([edge_index[0], loop])
    dst = jnp.concatenate([edge_index[1], loop])
    deg = jnp.zeros((N,), x.dtype).at[dst].add(jnp.ones_like(dst, x.dtype))
    dinv = jax.lax.rsqrt(jnp.maximum(deg, 1e-12))
    norm = dinv[src] * dinv[dst]
    xw = x @ W
    msg = jnp.take(xw, src, axis=0) * norm[:, None]
    out = jnp.zeros((N, W.shape[1]), x.dtype).at[dst].add(msg)
    return out + b


def setup_inputs(seed: int = 0) -> dict:
    key = jax.random.key(seed)
    k_x, k_e, k_w1, k_w2 = jax.random.split(key, 4)
    x = jax.random.normal(k_x, (N_NODES, D_IN), dtype=jnp.float32)
    edge_index = jax.random.randint(k_e, (2, N_EDGES), 0, N_NODES, dtype=jnp.int64)
    W1 = jax.random.normal(k_w1, (D_IN, D_HID), dtype=jnp.float32) * 0.05
    b1 = jnp.zeros((D_HID,), dtype=jnp.float32)
    W2 = jax.random.normal(k_w2, (D_HID, D_OUT), dtype=jnp.float32) * 0.05
    b2 = jnp.zeros((D_OUT,), dtype=jnp.float32)
    return {"x": x, "edge_index": edge_index, "W1": W1, "b1": b1, "W2": W2, "b2": b2}


def reference(x, edge_index, W1, b1, W2, b2):
    h = gcn_conv(x, edge_index, W1, b1)
    h = jax.nn.relu(h)
    out = gcn_conv(h, edge_index, W2, b2)
    return out

if __name__ == "__main__":
    import jax
    _d = setup_inputs()
    print(jax.jit(kernel)(*tuple(_d.values())))

</pallas_src>

<mosaic_0001>
#map = affine_map<(d0, d1) -> (0, 0)>
#map1 = affine_map<(d0, d1) -> (0)>
module attributes {stable_mosaic.version = 14 : i64} {
  func.func @body(%arg0: i32, %arg1: i32, %arg2: memref<2560x128xi32, #tpu.memory_space<hbm>>, %arg3: memref<10240xf32, #tpu.memory_space<hbm>>, %arg4: memref<2x10240xf32, #tpu.memory_space<hbm>>, %arg5: memref<120x128xi32, #tpu.memory_space<vmem>>, %arg6: memref<128xf32, #tpu.memory_space<vmem>>, %arg7: memref<10240xf32, #tpu.memory_space<vmem_shared>>, %arg8: memref<!tpu.dma_semaphore, #tpu.memory_space<semaphore_mem>>) attributes {dimension_semantics = [#tpu.dimension_semantics<core_parallel>, #tpu.dimension_semantics<subcore_parallel>], iteration_bounds = array<i64: 2, 16>, scalar_prefetch = 0 : i64, scratch_operands = 4 : i64, tpu.core_type = #tpu.core_type<sc_vector_subcore>, window_params = [{transform_indices = #map}, {transform_indices = #map1}, {transform_indices = #map}]} {
    %mul3A = arith.constant 640 : i32
    %mul3A_0 = arith.muli %arg1, %mul3A : i32
    "tpu.region"() ({
      %run_scoped3A = tpu.sem_alloc : memref<!tpu.dma_semaphore, #tpu.memory_space<semaphore_mem>>
      %dma_start3A = tpu.memref_slice %arg7[%mul3A_0] : memref<10240xf32, #tpu.memory_space<vmem_shared>> -> memref<640xf32, #tpu.memory_space<vmem_shared>>
      %dma_start3A_54 = tpu.memref_slice %arg3[%mul3A_0] : memref<10240xf32, #tpu.memory_space<hbm>> -> memref<640xf32, #tpu.memory_space<hbm>>
      tpu.enqueue_dma source(%dma_start3A_54 : memref<640xf32, #tpu.memory_space<hbm>>) target(%dma_start3A : memref<640xf32, #tpu.memory_space<vmem_shared>>) target_semaphore(%run_scoped3A : memref<!tpu.dma_semaphore, #tpu.memory_space<semaphore_mem>>)
      %dma_wait3A = tpu.memref_slice %arg7[%mul3A_0] : memref<10240xf32, #tpu.memory_space<vmem_shared>> -> memref<640xf32, #tpu.memory_space<vmem_shared>>
      %dma_wait3A_55 = tpu.memref_slice %arg3[%mul3A_0] : memref<10240xf32, #tpu.memory_space<hbm>> -> memref<640xf32, #tpu.memory_space<hbm>>
      tpu.wait_dma2 semaphore(%run_scoped3A : memref<!tpu.dma_semaphore, #tpu.memory_space<semaphore_mem>>) src(%dma_wait3A_55 : memref<640xf32, #tpu.memory_space<hbm>>) dst(%dma_wait3A : memref<640xf32, #tpu.memory_space<vmem_shared>>)
      tpu.yield
    }) : () -> ()
    %broadcast_in_dim3A = arith.constant 1.000000e+00 : f32
    %broadcast_in_dim3A_1 = vector.broadcast %broadcast_in_dim3A : f32 to vector<16xf32>
    %swap3A = arith.constant 0 : index
    %swap3A_2 = tpu.vector_load %arg6[%swap3A] {strides = array<i32>} : memref<128xf32, #tpu.memory_space<vmem>>, vector<16xf32>,
    %swap3A_3 = vector.shape_cast %swap3A_2 : vector<16xf32> to vector<16xf32>
    %swap3A_4 = vector.shape_cast %broadcast_in_dim3A_1 : vector<16xf32> to vector<16xf32>
    tpu.vector_store %arg6[%swap3A], %swap3A_4 {strides = array<i32>} : memref<128xf32, #tpu.memory_space<vmem>>, vector<16xf32>,
    %broadcast_in_dim3A_5 = arith.constant 1.000000e+00 : f32
    %broadcast_in_dim3A_6 = vector.broadcast %broadcast_in_dim3A_5 : f32 to vector<16xf32>
    %swap3A_7 = arith.constant 16 : index
    %swap3A_8 = tpu.vector_load %arg6[%swap3A_7] {strides = array<i32>} : memref<128xf32, #tpu.memory_space<vmem>>, vector<16xf32>,
    %swap3A_9 = vector.shape_cast %swap3A_8 : vector<16xf32> to vector<16xf32>
    %swap3A_10 = vector.shape_cast %broadcast_in_dim3A_6 : vector<16xf32> to vector<16xf32>
    tpu.vector_store %arg6[%swap3A_7], %swap3A_10 {strides = array<i32>} : memref<128xf32, #tpu.memory_space<vmem>>, vector<16xf32>,
    %broadcast_in_dim3A_11 = arith.constant 1.000000e+00 : f32
    %broadcast_in_dim3A_12 = vector.broadcast %broadcast_in_dim3A_11 : f32 to vector<16xf32>
    %swap3A_13 = arith.constant 32 : index
    %swap3A_14 = tpu.vector_load %arg6[%swap3A_13] {strides = array<i32>} : memref<128xf32, #tpu.memory_space<vmem>>, vector<16xf32>,
    %swap3A_15 = vector.shape_cast %swap3A_14 : vector<16xf32> to vector<16xf32>
    %swap3A_16 = vector.shape_cast %broadcast_in_dim3A_12 : vector<16xf32> to vector<16xf32>
    tpu.vector_store %arg6[%swap3A_13], %swap3A_16 {strides = array<i32>} : memref<128xf32, #tpu.memory_space<vmem>>, vector<16xf32>,
    %broadcast_in_dim3A_17 = arith.constant 1.000000e+00 : f32
    %broadcast_in_dim3A_18 = vector.broadcast %broadcast_in_dim3A_17 : f32 to vector<16xf32>
    %swap3A_19 = arith.constant 48 : index
    %swap3A_20 = tpu.vector_load %arg6[%swap3A_19] {strides = array<i32>} : memref<128xf32, #tpu.memory_space<vmem>>, vector<16xf32>,
    %swap3A_21 = vector.shape_cast %swap3A_20 : vector<16xf32> to vector<16xf32>
    %swap3A_22 = vector.shape_cast %broadcast_in_dim3A_18 : vector<16xf32> to vector<16xf32>
    tpu.vector_store %arg6[%swap3A_19], %swap3A_22 {strides = array<i32>} : memref<128xf32, #tpu.memory_space<vmem>>, vector<16xf32>,
    %broadcast_in_dim3A_23 = arith.constant 1.000000e+00 : f32
    %broadcast_in_dim3A_24 = vector.broadcast %broadcast_in_dim3A_23 : f32 to vector<16xf32>
    %swap3A_25 = arith.constant 64 : index
    %swap3A_26 = tpu.vector_load %arg6[%swap3A_25] {strides = array<i32>} : memref<128xf32, #tpu.memory_space<vmem>>, vector<16xf32>,
    %swap3A_27 = vector.shape_cast %swap3A_26 : vector<16xf32> to vector<16xf32>
    %swap3A_28 = vector.shape_cast %broadcast_in_dim3A_24 : vector<16xf32> to vector<16xf32>
    tpu.vector_store %arg6[%swap3A_25], %swap3A_28 {strides = array<i32>} : memref<128xf32, #tpu.memory_space<vmem>>, vector<16xf32>,
    %broadcast_in_dim3A_29 = arith.constant 1.000000e+00 : f32
    %broadcast_in_dim3A_30 = vector.broadcast %broadcast_in_dim3A_29 : f32 to vector<16xf32>
    %swap3A_31 = arith.constant 80 : index
    %swap3A_32 = tpu.vector_load %arg6[%swap3A_31] {strides = array<i32>} : memref<128xf32, #tpu.memory_space<vmem>>, vector<16xf32>,
    %swap3A_33 = vector.shape_cast %swap3A_32 : vector<16xf32> to vector<16xf32>
    %swap3A_34 = vector.shape_cast %broadcast_in_dim3A_30 : vector<16xf32> to vector<16xf32>
    tpu.vector_store %arg6[%swap3A_31], %swap3A_34 {strides = array<i32>} : memref<128xf32, #tpu.memory_space<vmem>>, vector<16xf32>,
    %broadcast_in_dim3A_35 = arith.constant 1.000000e+00 : f32
    %broadcast_in_dim3A_36 = vector.broadcast %broadcast_in_dim3A_35 : f32 to vector<16xf32>
    %swap3A_37 = arith.constant 96 : index
    %swap3A_38 = tpu.vector_load %arg6[%swap3A_37] {strides = array<i32>} : memref<128xf32, #tpu.memory_space<vmem>>, vector<16xf32>,
    %swap3A_39 = vector.shape_cast %swap3A_38 : vector<16xf32> to vector<16xf32>
    %swap3A_40 = vector.shape_cast %broadcast_in_dim3A_36 : vector<16xf32> to vector<16xf32>
    tpu.vector_store %arg6[%swap3A_37], %swap3A_40 {strides = array<i32>} : memref<128xf32, #tpu.memory_space<vmem>>, vector<16xf32>,
    %broadcast_in_dim3A_41 = arith.constant 1.000000e+00 : f32
    %broadcast_in_dim3A_42 = vector.broadcast %broadcast_in_dim3A_41 : f32 to vector<16xf32>
    %swap3A_43 = arith.constant 112 : index
    %swap3A_44 = tpu.vector_load %arg6[%swap3A_43] {strides = array<i32>} : memref<128xf32, #tpu.memory_space<vmem>>, vector<16xf32>,
    %swap3A_45 = vector.shape_cast %swap3A_44 : vector<16xf32> to vector<16xf32>
    %swap3A_46 = vector.shape_cast %broadcast_in_dim3A_42 : vector<16xf32> to vector<16xf32>
    tpu.vector_store %arg6[%swap3A_43], %swap3A_46 {strides = array<i32>} : memref<128xf32, #tpu.memory_space<vmem>>, vector<16xf32>,
    %barrier3A = arith.constant 0 : index
    tpu.barrier barrier_id(%barrier3A)
    %eq3A = arith.constant 0 : i32
    %eq3A_47 = arith.cmpi eq, %arg0, %eq3A : i32
    %convert_element_type3A = arith.extui %eq3A_47 : i1 to i32
    %cond3A = arith.constant 0 : i32
    %cond3A_48 = arith.cmpi ne, %convert_element_type3A, %cond3A : i32
    scf.if %cond3A_48 {
      %mul3A_54 = arith.constant 120 : i32
      %mul3A_55 = arith.muli %arg1, %mul3A_54 : i32
      "tpu.region"() ({
        %run_scoped3A = tpu.sem_alloc : memref<!tpu.dma_semaphore, #tpu.memory_space<semaphore_mem>>
        %dma_start3A = arith.constant 0 : i32
        %dma_start3A_67 = arith.constant 0 : i32
        %dma_start3A_68 = tpu.memref_slice %arg5[%dma_start3A, %dma_start3A_67] : memref<120x128xi32, #tpu.memory_space<vmem>> -> memref<120x128xi32, #tpu.memory_space<vmem>>
        %dma_start3A_69 = arith.constant 0 : i32
        %dma_start3A_70 = tpu.memref_slice %arg2[%mul3A_55, %dma_start3A_69] : memref<2560x128xi32, #tpu.memory_space<hbm>> -> memref<120x128xi32, #tpu.memory_space<hbm>>
        %dma_start3A_71 = arith.constant 0 : i32
        %dma_start3A_72 = arith.constant 0 : i32
        %dma_start3A_73 = tpu.memref_slice %arg5[%dma_start3A_71, %dma_start3A_72] : memref<120x128xi32, #tpu.memory_space<vmem>> -> memref<120x128xi32, #tpu.memory_space<vmem>>
        %dma_start3A_74 = arith.constant 0 : i32
        %dma_start3A_75 = tpu.memref_slice %arg2[%mul3A_55, %dma_start3A_74] : memref<2560x128xi32, #tpu.memory_space<hbm>> -> memref<120x128xi32, #tpu.memory_space<hbm>>
        tpu.enqueue_dma source(%dma_start3A_75 : memref<120x128xi32, #tpu.memory_space<hbm>>) target(%dma_start3A_73 : memref<120x128xi32, #tpu.memory_space<vmem>>) target_semaphore(%run_scoped3A : memref<!tpu.dma_semaphore, #tpu.memory_space<semaphore_mem>>)
        %dma_wait3A = arith.constant 0 : i32
        %dma_wait3A_76 = arith.constant 0 : i32
        %dma_wait3A_77 = tpu.memref_slice %arg5[%dma_wait3A, %dma_wait3A_76] : memref<120x128xi32, #tpu.memory_space<vmem>> -> memref<120x128xi32, #tpu.memory_space<vmem>>
        %dma_wait3A_78 = arith.constant 0 : i32
        %dma_wait3A_79 = tpu.memref_slice %arg2[%mul3A_55, %dma_wait3A_78] : memref<2560x128xi32, #tpu.memory_space<hbm>> -> memref<120x128xi32, #tpu.memory_space<hbm>>
        %dma_wait3A_80 = arith.constant 0 : i32
        %dma_wait3A_81 = arith.constant 0 : i32
        %dma_wait3A_82 = tpu.memref_slice %arg5[%dma_wait3A_80, %dma_wait3A_81] : memref<120x128xi32, #tpu.memory_space<vmem>> -> memref<120x128xi32, #tpu.memory_space<vmem>>
        %dma_wait3A_83 = arith.constant 0 : i32
        %dma_wait3A_84 = tpu.memref_slice %arg2[%mul3A_55, %dma_wait3A_83] : memref<2560x128xi32, #tpu.memory_space<hbm>> -> memref<120x128xi32, #tpu.memory_space<hbm>>
        tpu.wait_dma2 semaphore(%run_scoped3A : memref<!tpu.dma_semaphore, #tpu.memory_space<semaphore_mem>>) src(%dma_wait3A_84 : memref<120x128xi32, #tpu.memory_space<hbm>>) dst(%dma_wait3A_82 : memref<120x128xi32, #tpu.memory_space<vmem>>)
        tpu.yield
      }) : () -> ()
      %scan3A = arith.constant 0 : i32
      %scan3A_56 = arith.constant 0 : i32
      %scan3A_57 = arith.constant 120 : i32
      %scan3A_58 = arith.addi %scan3A_56, %scan3A_57 : i32
      %scan3A_59 = arith.constant 1 : i32
      scf.for %scan3A_67 = %scan3A_56 to %scan3A_58 step %scan3A_59  : i32 {
        %dma_start3A = arith.constant 0 : i32
        %dma_start3A_68 = tpu.memref_slice %arg5[%scan3A_67, %dma_start3A] : memref<120x128xi32, #tpu.memory_space<vmem>> -> memref<1x128xi32, #tpu.memory_space<vmem>>
        %dma_start3A_69 = tpu.memref_squeeze %dma_start3A_68 : memref<1x128xi32, #tpu.memory_space<vmem>> -> memref<128xi32, #tpu.memory_space<vmem>>
        %dma_start3A_70 = arith.constant 0 : i32
        %dma_start3A_71 = tpu.memref_slice %arg7[%dma_start3A_70] : memref<10240xf32, #tpu.memory_space<vmem_shared>> -> memref<10240xf32, #tpu.memory_space<vmem_shared>>
        tpu.enqueue_indirect_dma source(%arg6 : memref<128xf32, #tpu.memory_space<vmem>>) target(%dma_start3A_71 : memref<10240xf32, #tpu.memory_space<vmem_shared>>) offsets(%dma_start3A_69 : memref<128xi32, #tpu.memory_space<vmem>>) semaphore(%arg8 : memref<!tpu.dma_semaphore, #tpu.memory_space<semaphore_mem>>) {add = true}
      }
      %scan3A_60 = arith.constant 120 : i32
      %scan3A_61 = arith.constant 0 : i32
      %scan3A_62 = arith.constant 0 : i32
      %scan3A_63 = arith.constant 120 : i32
      %scan3A_64 = arith.addi %scan3A_62, %scan3A_63 : i32
      %scan3A_65 = arith.constant 1 : i32
      scf.for %scan3A_67 = %scan3A_62 to %scan3A_64 step %scan3A_65  : i32 {
        %dma_wait3A = arith.constant 0 : i32
        %dma_wait3A_68 = tpu.memref_slice %arg5[%scan3A_67, %dma_wait3A] : memref<120x128xi32, #tpu.memory_space<vmem>> -> memref<1x128xi32, #tpu.memory_space<vmem>>
        %dma_wait3A_69 = tpu.memref_squeeze %dma_wait3A_68 : memref<1x128xi32, #tpu.memory_space<vmem>> -> memref<128xi32, #tpu.memory_space<vmem>>
        %dma_wait3A_70 = arith.constant 0 : i32
        %dma_wait3A_71 = tpu.memref_slice %arg7[%dma_wait3A_70] : memref<10240xf32, #tpu.memory_space<vmem_shared>> -> memref<10240xf32, #tpu.memory_space<vmem_shared>>
        tpu.wait_indirect_dma semaphore(%arg8 : memref<!tpu.dma_semaphore, #tpu.memory_space<semaphore_mem>>) src(%arg6 : memref<128xf32, #tpu.memory_space<vmem>>) dst(%dma_wait3A_71 : memref<10240xf32, #tpu.memory_space<vmem_shared>>)
      }
      %scan3A_66 = arith.constant 120 : i32
    } else {
    }
    %ne3A = arith.constant 0 : i32
    %ne3A_49 = arith.cmpi ne, %arg0, %ne3A : i32
    %convert_element_type3A_50 = arith.extui %ne3A_49 : i1 to i32
    %cond3A_51 = arith.constant 0 : i32
    %cond3A_52 = arith.cmpi ne, %convert_element_type3A_50, %cond3A_51 : i32
    scf.if %cond3A_52 {
      %mul3A_54 = arith.constant 40 : i32
      %mul3A_55 = arith.muli %arg1, %mul3A_54 : i32
      %add3A = arith.constant 1920 : i32
      %add3A_56 = arith.addi %add3A, %mul3A_55 : i32
      "tpu.region"() ({
        %run_scoped3A = tpu.sem_alloc : memref<!tpu.dma_semaphore, #tpu.memory_space<semaphore_mem>>
        %dma_start3A = arith.constant 0 : i32
        %dma_start3A_68 = arith.constant 0 : i32
        %dma_start3A_69 = tpu.memref_slice %arg5[%dma_start3A, %dma_start3A_68] : memref<120x128xi32, #tpu.memory_space<vmem>> -> memref<40x128xi32, #tpu.memory_space<vmem>>
        %dma_start3A_70 = arith.constant 0 : i32
        %dma_start3A_71 = tpu.memref_slice %arg2[%add3A_56, %dma_start3A_70] : memref<2560x128xi32, #tpu.memory_space<hbm>> -> memref<40x128xi32, #tpu.memory_space<hbm>>
        %dma_start3A_72 = arith.constant 0 : i32
        %dma_start3A_73 = arith.constant 0 : i32
        %dma_start3A_74 = tpu.memref_slice %arg5[%dma_start3A_72, %dma_start3A_73] : memref<120x128xi32, #tpu.memory_space<vmem>> -> memref<40x128xi32, #tpu.memory_space<vmem>>
        %dma_start3A_75 = arith.constant 0 : i32
        %dma_start3A_76 = tpu.memref_slice %arg2[%add3A_56, %dma_start3A_75] : memref<2560x128xi32, #tpu.memory_space<hbm>> -> memref<40x128xi32, #tpu.memory_space<hbm>>
        tpu.enqueue_dma source(%dma_start3A_76 : memref<40x128xi32, #tpu.memory_space<hbm>>) target(%dma_start3A_74 : memref<40x128xi32, #tpu.memory_space<vmem>>) target_semaphore(%run_scoped3A : memref<!tpu.dma_semaphore, #tpu.memory_space<semaphore_mem>>)
        %dma_wait3A = arith.constant 0 : i32
        %dma_wait3A_77 = arith.constant 0 : i32
        %dma_wait3A_78 = tpu.memref_slice %arg5[%dma_wait3A, %dma_wait3A_77] : memref<120x128xi32, #tpu.memory_space<vmem>> -> memref<40x128xi32, #tpu.memory_space<vmem>>
        %dma_wait3A_79 = arith.constant 0 : i32
        %dma_wait3A_80 = tpu.memref_slice %arg2[%add3A_56, %dma_wait3A_79] : memref<2560x128xi32, #tpu.memory_space<hbm>> -> memref<40x128xi32, #tpu.memory_space<hbm>>
        %dma_wait3A_81 = arith.constant 0 : i32
        %dma_wait3A_82 = arith.constant 0 : i32
        %dma_wait3A_83 = tpu.memref_slice %arg5[%dma_wait3A_81, %dma_wait3A_82] : memref<120x128xi32, #tpu.memory_space<vmem>> -> memref<40x128xi32, #tpu.memory_space<vmem>>
        %dma_wait3A_84 = arith.constant 0 : i32
        %dma_wait3A_85 = tpu.memref_slice %arg2[%add3A_56, %dma_wait3A_84] : memref<2560x128xi32, #tpu.memory_space<hbm>> -> memref<40x128xi32, #tpu.memory_space<hbm>>
        tpu.wait_dma2 semaphore(%run_scoped3A : memref<!tpu.dma_semaphore, #tpu.memory_space<semaphore_mem>>) src(%dma_wait3A_85 : memref<40x128xi32, #tpu.memory_space<hbm>>) dst(%dma_wait3A_83 : memref<40x128xi32, #tpu.memory_space<vmem>>)
        tpu.yield
      }) : () -> ()
      %scan3A = arith.constant 0 : i32
      %scan3A_57 = arith.constant 0 : i32
      %scan3A_58 = arith.constant 40 : i32
      %scan3A_59 = arith.addi %scan3A_57, %scan3A_58 : i32
      %scan3A_60 = arith.constant 1 : i32
      scf.for %scan3A_68 = %scan3A_57 to %scan3A_59 step %scan3A_60  : i32 {
        %dma_start3A = arith.constant 0 : i32
        %dma_start3A_69 = tpu.memref_slice %arg5[%scan3A_68, %dma_start3A] : memref<120x128xi32, #tpu.memory_space<vmem>> -> memref<1x128xi32, #tpu.memory_space<vmem>>
        %dma_start3A_70 = tpu.memref_squeeze %dma_start3A_69 : memref<1x128xi32, #tpu.memory_space<vmem>> -> memref<128xi32, #tpu.memory_space<vmem>>
        %dma_start3A_71 = arith.constant 0 : i32
        %dma_start3A_72 = tpu.memref_slice %arg7[%dma_start3A_71] : memref<10240xf32, #tpu.memory_space<vmem_shared>> -> memref<10240xf32, #tpu.memory_space<vmem_shared>>
        tpu.enqueue_indirect_dma source(%arg6 : memref<128xf32, #tpu.memory_space<vmem>>) target(%dma_start3A_72 : memref<10240xf32, #tpu.memory_space<vmem_shared>>) offsets(%dma_start3A_70 : memref<128xi32, #tpu.memory_space<vmem>>) semaphore(%arg8 : memref<!tpu.dma_semaphore, #tpu.memory_space<semaphore_mem>>) {add = true}
      }
      %scan3A_61 = arith.constant 40 : i32
      %scan3A_62 = arith.constant 0 : i32
      %scan3A_63 = arith.constant 0 : i32
      %scan3A_64 = arith.constant 40 : i32
      %scan3A_65 = arith.addi %scan3A_63, %scan3A_64 : i32
      %scan3A_66 = arith.constant 1 : i32
      scf.for %scan3A_68 = %scan3A_63 to %scan3A_65 step %scan3A_66  : i32 {
        %dma_wait3A = arith.constant 0 : i32
        %dma_wait3A_69 = tpu.memref_slice %arg5[%scan3A_68, %dma_wait3A] : memref<120x128xi32, #tpu.memory_space<vmem>> -> memref<1x128xi32, #tpu.memory_space<vmem>>
        %dma_wait3A_70 = tpu.memref_squeeze %dma_wait3A_69 : memref<1x128xi32, #tpu.memory_space<vmem>> -> memref<128xi32, #tpu.memory_space<vmem>>
        %dma_wait3A_71 = arith.constant 0 : i32
        %dma_wait3A_72 = tpu.memref_slice %arg7[%dma_wait3A_71] : memref<10240xf32, #tpu.memory_space<vmem_shared>> -> memref<10240xf32, #tpu.memory_space<vmem_shared>>
        tpu.wait_indirect_dma semaphore(%arg8 : memref<!tpu.dma_semaphore, #tpu.memory_space<semaphore_mem>>) src(%arg6 : memref<128xf32, #tpu.memory_space<vmem>>) dst(%dma_wait3A_72 : memref<10240xf32, #tpu.memory_space<vmem_shared>>)
      }
      %scan3A_67 = arith.constant 40 : i32
    } else {
    }
    %barrier3A_53 = arith.constant 0 : index
    tpu.barrier barrier_id(%barrier3A_53)
    "tpu.region"() ({
      %run_scoped3A = tpu.sem_alloc : memref<!tpu.dma_semaphore, #tpu.memory_space<semaphore_mem>>
      %dma_start3A = tpu.memref_slice %arg4[%arg0, %mul3A_0] : memref<2x10240xf32, #tpu.memory_space<hbm>> -> memref<1x640xf32, #tpu.memory_space<hbm>>
      %dma_start3A_54 = tpu.memref_squeeze %dma_start3A : memref<1x640xf32, #tpu.memory_space<hbm>> -> memref<640xf32, #tpu.memory_space<hbm>>
      %dma_start3A_55 = tpu.memref_slice %arg7[%mul3A_0] : memref<10240xf32, #tpu.memory_space<vmem_shared>> -> memref<640xf32, #tpu.memory_space<vmem_shared>>
      tpu.enqueue_dma source(%dma_start3A_55 : memref<640xf32, #tpu.memory_space<vmem_shared>>) target(%dma_start3A_54 : memref<640xf32, #tpu.memory_space<hbm>>) target_semaphore(%run_scoped3A : memref<!tpu.dma_semaphore, #tpu.memory_space<semaphore_mem>>)
      %dma_wait3A = tpu.memref_slice %arg4[%arg0, %mul3A_0] : memref<2x10240xf32, #tpu.memory_space<hbm>> -> memref<1x640xf32, #tpu.memory_space<hbm>>
      %dma_wait3A_56 = tpu.memref_squeeze %dma_wait3A : memref<1x640xf32, #tpu.memory_space<hbm>> -> memref<640xf32, #tpu.memory_space<hbm>>
      %dma_wait3A_57 = tpu.memref_slice %arg7[%mul3A_0] : memref<10240xf32, #tpu.memory_space<vmem_shared>> -> memref<640xf32, #tpu.memory_space<vmem_shared>>
      tpu.wait_dma2 semaphore(%run_scoped3A : memref<!tpu.dma_semaphore, #tpu.memory_space<semaphore_mem>>) src(%dma_wait3A_57 : memref<640xf32, #tpu.memory_space<vmem_shared>>) dst(%dma_wait3A_56 : memref<640xf32, #tpu.memory_space<hbm>>)
      tpu.yield
    }) : () -> ()
    return
  }
}

#map = affine_map<(d0, d1) -> (0, 0)>
#map1 = affine_map<(d0, d1) -> (0, 0, 0)>
module attributes {stable_mosaic.version = 14 : i64} {
  func.func @body(%arg0: i32, %arg1: i32, %arg2: memref<10240x128xf32, #tpu.memory_space<hbm>>, %arg3: memref<2560x128xi32, #tpu.memory_space<hbm>>, %arg4: memref<2560x128xi32, #tpu.memory_space<hbm>>, %arg5: memref<10240x128xf32, #tpu.memory_space<hbm>>, %arg6: memref<2x10240x128xf32, #tpu.memory_space<hbm>>, %arg7: memref<120x128xi32, #tpu.memory_space<vmem>>, %arg8: memref<128xi32, #tpu.memory_space<vmem>>, %arg9: memref<128xi32, #tpu.memory_space<vmem>>, %arg10: memref<128x128xf32, #tpu.memory_space<vmem>>, %arg11: memref<128x128xf32, #tpu.memory_space<vmem>>, %arg12: memref<10240x128xf32, #tpu.memory_space<vmem_shared>>, %arg13: memref<!tpu.dma_semaphore, #tpu.memory_space<semaphore_mem>>, %arg14: memref<!tpu.dma_semaphore, #tpu.memory_space<semaphore_mem>>) attributes {dimension_semantics = [#tpu.dimension_semantics<core_parallel>, #tpu.dimension_semantics<subcore_parallel>], iteration_bounds = array<i64: 2, 16>, scalar_prefetch = 0 : i64, scratch_operands = 8 : i64, tpu.core_type = #tpu.core_type<sc_vector_subcore>, window_params = [{transform_indices = #map}, {transform_indices = #map}, {transform_indices = #map}, {transform_indices = #map}, {transform_indices = #map1}]} {
    %mul3A = arith.constant 640 : i32
    %mul3A_0 = arith.muli %arg1, %mul3A : i32
    "tpu.region"() ({
      %run_scoped3A = tpu.sem_alloc : memref<!tpu.dma_semaphore, #tpu.memory_space<semaphore_mem>>
      %dma_start3A = arith.constant 0 : i32
      %dma_start3A_8 = tpu.memref_slice %arg12[%mul3A_0, %dma_start3A] : memref<10240x128xf32, #tpu.memory_space<vmem_shared>> -> memref<640x128xf32, #tpu.memory_space<vmem_shared>>
      %dma_start3A_9 = arith.constant 0 : i32
      %dma_start3A_10 = tpu.memref_slice %arg5[%mul3A_0, %dma_start3A_9] : memref<10240x128xf32, #tpu.memory_space<hbm>> -> memref<640x128xf32, #tpu.memory_space<hbm>>
      tpu.enqueue_dma source(%dma_start3A_10 : memref<640x128xf32, #tpu.memory_space<hbm>>) target(%dma_start3A_8 : memref<640x128xf32, #tpu.memory_space<vmem_shared>>) target_semaphore(%run_scoped3A : memref<!tpu.dma_semaphore, #tpu.memory_space<semaphore_mem>>)
      %dma_wait3A = arith.constant 0 : i32
      %dma_wait3A_11 = tpu.memref_slice %arg12[%mul3A_0, %dma_wait3A] : memref<10240x128xf32, #tpu.memory_space<vmem_shared>> -> memref<640x128xf32, #tpu.memory_space<vmem_shared>>
      %dma_wait3A_12 = arith.constant 0 : i32
      %dma_wait3A_13 = tpu.memref_slice %arg5[%mul3A_0, %dma_wait3A_12] : memref<10240x128xf32, #tpu.memory_space<hbm>> -> memref<640x128xf32, #tpu.memory_space<hbm>>
      tpu.wait_dma2 semaphore(%run_scoped3A : memref<!tpu.dma_semaphore, #tpu.memory_space<semaphore_mem>>) src(%dma_wait3A_13 : memref<640x128xf32, #tpu.memory_space<hbm>>) dst(%dma_wait3A_11 : memref<640x128xf32, #tpu.memory_space<vmem_shared>>)
      tpu.yield
    }) : () -> ()
    %barrier3A = arith.constant 0 : index
    tpu.barrier barrier_id(%barrier3A)
    %eq3A = arith.constant 0 : i32
    %eq3A_1 = arith.cmpi eq, %arg0, %eq3A : i32
    %convert_element_type3A = arith.extui %eq3A_1 : i1 to i32
    %cond3A = arith.constant 0 : i32
    %cond3A_2 = arith.cmpi ne, %convert_element_type3A, %cond3A : i32
    scf.if %cond3A_2 {
      %mul3A_8 = arith.constant 120 : i32
      %mul3A_9 = arith.muli %arg1, %mul3A_8 : i32
      "tpu.region"() ({
        %run_scoped3A = tpu.sem_alloc : memref<!tpu.dma_semaphore, #tpu.memory_space<semaphore_mem>>
        %dma_start3A_28 = arith.constant 0 : i32
        %dma_start3A_29 = arith.constant 0 : i32
        %dma_start3A_30 = tpu.memref_slice %arg7[%dma_start3A_28, %dma_start3A_29] : memref<120x128xi32, #tpu.memory_space<vmem>> -> memref<120x128xi32, #tpu.memory_space<vmem>>
        %dma_start3A_31 = arith.constant 0 : i32
        %dma_start3A_32 = tpu.memref_slice %arg3[%mul3A_9, %dma_start3A_31] : memref<2560x128xi32, #tpu.memory_space<hbm>> -> memref<120x128xi32, #tpu.memory_space<hbm>>
        %dma_start3A_33 = arith.constant 0 : i32
        %dma_start3A_34 = arith.constant 0 : i32
        %dma_start3A_35 = tpu.memref_slice %arg7[%dma_start3A_33, %dma_start3A_34] : memref<120x128xi32, #tpu.memory_space<vmem>> -> memref<120x128xi32, #tpu.memory_space<vmem>>
        %dma_start3A_36 = arith.constant 0 : i32
        %dma_start3A_37 = tpu.memref_slice %arg3[%mul3A_9, %dma_start3A_36] : memref<2560x128xi32, #tpu.memory_space<hbm>> -> memref<120x128xi32, #tpu.memory_space<hbm>>
        tpu.enqueue_dma source(%dma_start3A_37 : memref<120x128xi32, #tpu.memory_space<hbm>>) target(%dma_start3A_35 : memref<120x128xi32, #tpu.memory_space<vmem>>) target_semaphore(%run_scoped3A : memref<!tpu.dma_semaphore, #tpu.memory_space<semaphore_mem>>)
        %dma_wait3A = arith.constant 0 : i32
        %dma_wait3A_38 = arith.constant 0 : i32
        %dma_wait3A_39 = tpu.memref_slice %arg7[%dma_wait3A, %dma_wait3A_38] : memref<120x128xi32, #tpu.memory_space<vmem>> -> memref<120x128xi32, #tpu.memory_space<vmem>>
        %dma_wait3A_40 = arith.constant 0 : i32
        %dma_wait3A_41 = tpu.memref_slice %arg3[%mul3A_9, %dma_wait3A_40] : memref<2560x128xi32, #tpu.memory_space<hbm>> -> memref<120x128xi32, #tpu.memory_space<hbm>>
        %dma_wait3A_42 = arith.constant 0 : i32
        %dma_wait3A_43 = arith.constant 0 : i32
        %dma_wait3A_44 = tpu.memref_slice %arg7[%dma_wait3A_42, %dma_wait3A_43] : memref<120x128xi32, #tpu.memory_space<vmem>> -> memref<120x128xi32, #tpu.memory_space<vmem>>
        %dma_wait3A_45 = arith.constant 0 : i32
        %dma_wait3A_46 = tpu.memref_slice %arg3[%mul3A_9, %dma_wait3A_45] : memref<2560x128xi32, #tpu.memory_space<hbm>> -> memref<120x128xi32, #tpu.memory_space<hbm>>
        tpu.wait_dma2 semaphore(%run_scoped3A : memref<!tpu.dma_semaphore, #tpu.memory_space<semaphore_mem>>) src(%dma_wait3A_46 : memref<120x128xi32, #tpu.memory_space<hbm>>) dst(%dma_wait3A_44 : memref<120x128xi32, #tpu.memory_space<vmem>>)
        tpu.yield
      }) : () -> ()
      %add3A = arith.constant 0 : i32
      %add3A_10 = arith.addi %mul3A_9, %add3A : i32
      %dma_start3A = arith.constant 0 : i32
      %dma_start3A_11 = tpu.memref_slice %arg4[%add3A_10, %dma_start3A] : memref<2560x128xi32, #tpu.memory_space<hbm>> -> memref<1x128xi32, #tpu.memory_space<hbm>>
      %dma_start3A_12 = tpu.memref_squeeze %dma_start3A_11 : memref<1x128xi32, #tpu.memory_space<hbm>> -> memref<128xi32, #tpu.memory_space<hbm>>
      %dma_start3A_13 = arith.constant 0 : i32
      %dma_start3A_14 = tpu.memref_slice %arg4[%add3A_10, %dma_start3A_13] : memref<2560x128xi32, #tpu.memory_space<hbm>> -> memref<1x128xi32, #tpu.memory_space<hbm>>
      %dma_start3A_15 = tpu.memref_squeeze %dma_start3A_14 : memref<1x128xi32, #tpu.memory_space<hbm>> -> memref<128xi32, #tpu.memory_space<hbm>>
      tpu.enqueue_dma source(%dma_start3A_15 : memref<128xi32, #tpu.memory_space<hbm>>) target(%arg8 : memref<128xi32, #tpu.memory_space<vmem>>) target_semaphore(%arg13 : memref<!tpu.dma_semaphore, #tpu.memory_space<semaphore_mem>>)
      %dma_start3A_16 = arith.constant 0 : i32
      %dma_start3A_17 = arith.constant 0 : i32
      %dma_start3A_18 = tpu.memref_slice %arg7[%dma_start3A_16, %dma_start3A_17] : memref<120x128xi32, #tpu.memory_space<vmem>> -> memref<1x128xi32, #tpu.memory_space<vmem>>
      %dma_start3A_19 = tpu.memref_squeeze %dma_start3A_18 : memref<1x128xi32, #tpu.memory_space<vmem>> -> memref<128xi32, #tpu.memory_space<vmem>>
      %dma_start3A_20 = arith.constant 0 : i32
      %dma_start3A_21 = arith.constant 0 : i32
      %dma_start3A_22 = tpu.memref_slice %arg2[%dma_start3A_20, %dma_start3A_21] : memref<10240x128xf32, #tpu.memory_space<hbm>> -> memref<10240x128xf32, #tpu.memory_space<hbm>>
      tpu.enqueue_indirect_dma source(%dma_start3A_22 : memref<10240x128xf32, #tpu.memory_space<hbm>>) target(%arg10 : memref<128x128xf32, #tpu.memory_space<vmem>>) offsets(%dma_start3A_19 : memref<128xi32, #tpu.memory_space<vmem>>) semaphore(%arg13 : memref<!tpu.dma_semaphore, #tpu.memory_space<semaphore_mem>>)
      %scan3A = arith.constant 0 : i32
      %scan3A_23 = arith.constant 0 : i32
      %scan3A_24 = arith.constant 60 : i32
      %scan3A_25 = arith.addi %scan3A_23, %scan3A_24 : i32
      %scan3A_26 = arith.constant 1 : i32
      scf.for %scan3A_28 = %scan3A_23 to %scan3A_25 step %scan3A_26  : i32 {
        %mul3A_29 = arith.constant 2 : i32
        %mul3A_30 = arith.muli %mul3A_29, %scan3A_28 : i32
        %mul3A_31 = arith.constant 2 : i32
        %mul3A_32 = arith.muli %mul3A_31, %scan3A_28 : i32
        %add3A_33 = arith.constant 1 : i32
        %add3A_34 = arith.addi %mul3A_32, %add3A_33 : i32
        %add3A_35 = arith.addi %mul3A_9, %add3A_34 : i32
        %dma_start3A_36 = arith.constant 0 : i32
        %dma_start3A_37 = tpu.memref_slice %arg4[%add3A_35, %dma_start3A_36] : memref<2560x128xi32, #tpu.memory_space<hbm>> -> memref<1x128xi32, #tpu.memory_space<hbm>>
        %dma_start3A_38 = tpu.memref_squeeze %dma_start3A_37 : memref<1x128xi32, #tpu.memory_space<hbm>> -> memref<128xi32, #tpu.memory_space<hbm>>
        %dma_start3A_39 = arith.constant 0 : i32
        %dma_start3A_40 = tpu.memref_slice %arg4[%add3A_35, %dma_start3A_39] : memref<2560x128xi32, #tpu.memory_space<hbm>> -> memref<1x128xi32, #tpu.memory_space<hbm>>
        %dma_start3A_41 = tpu.memref_squeeze %dma_start3A_40 : memref<1x128xi32, #tpu.memory_space<hbm>> -> memref<128xi32, #tpu.memory_space<hbm>>
        tpu.enqueue_dma source(%dma_start3A_41 : memref<128xi32, #tpu.memory_space<hbm>>) target(%arg9 : memref<128xi32, #tpu.memory_space<vmem>>) target_semaphore(%arg14 : memref<!tpu.dma_semaphore, #tpu.memory_space<semaphore_mem>>)
        %dma_start3A_42 = arith.constant 0 : i32
        %dma_start3A_43 = tpu.memref_slice %arg7[%add3A_34, %dma_start3A_42] : memref<120x128xi32, #tpu.memory_space<vmem>> -> memref<1x128xi32, #tpu.memory_space<vmem>>
        %dma_start3A_44 = tpu.memref_squeeze %dma_start3A_43 : memref<1x128xi32, #tpu.memory_space<vmem>> -> memref<128xi32, #tpu.memory_space<vmem>>
        %dma_start3A_45 = arith.constant 0 : i32
        %dma_start3A_46 = arith.constant 0 : i32
        %dma_start3A_47 = tpu.memref_slice %arg2[%dma_start3A_45, %dma_start3A_46] : memref<10240x128xf32, #tpu.memory_space<hbm>> -> memref<10240x128xf32, #tpu.memory_space<hbm>>
        tpu.enqueue_indirect_dma source(%dma_start3A_47 : memref<10240x128xf32, #tpu.memory_space<hbm>>) target(%arg11 : memref<128x128xf32, #tpu.memory_space<vmem>>) offsets(%dma_start3A_44 : memref<128xi32, #tpu.memory_space<vmem>>) semaphore(%arg14 : memref<!tpu.dma_semaphore, #tpu.memory_space<semaphore_mem>>)
        %add3A_48 = arith.addi %mul3A_9, %mul3A_30 : i32
        %dma_wait3A = arith.constant 0 : i32
        %dma_wait3A_49 = tpu.memref_slice %arg4[%add3A_48, %dma_wait3A] : memref<2560x128xi32, #tpu.memory_space<hbm>> -> memref<1x128xi32, #tpu.memory_space<hbm>>
        %dma_wait3A_50 = tpu.memref_squeeze %dma_wait3A_49 : memref<1x128xi32, #tpu.memory_space<hbm>> -> memref<128xi32, #tpu.memory_space<hbm>>
        %dma_wait3A_51 = arith.constant 0 : i32
        %dma_wait3A_52 = tpu.memref_slice %arg4[%add3A_48, %dma_wait3A_51] : memref<2560x128xi32, #tpu.memory_space<hbm>> -> memref<1x128xi32, #tpu.memory_space<hbm>>
        %dma_wait3A_53 = tpu.memref_squeeze %dma_wait3A_52 : memref<1x128xi32, #tpu.memory_space<hbm>> -> memref<128xi32, #tpu.memory_space<hbm>>
        tpu.wait_dma2 semaphore(%arg13 : memref<!tpu.dma_semaphore, #tpu.memory_space<semaphore_mem>>) src(%dma_wait3A_53 : memref<128xi32, #tpu.memory_space<hbm>>) dst(%arg8 : memref<128xi32, #tpu.memory_space<vmem>>)
        %dma_wait3A_54 = arith.constant 0 : i32
        %dma_wait3A_55 = tpu.memref_slice %arg7[%mul3A_30, %dma_wait3A_54] : memref<120x128xi32, #tpu.memory_space<vmem>> -> memref<1x128xi32, #tpu.memory_space<vmem>>
        %dma_wait3A_56 = tpu.memref_squeeze %dma_wait3A_55 : memref<1x128xi32, #tpu.memory_space<vmem>> -> memref<128xi32, #tpu.memory_space<vmem>>
        %dma_wait3A_57 = arith.constant 0 : i32
        %dma_wait3A_58 = arith.constant 0 : i32
        %dma_wait3A_59 = tpu.memref_slice %arg2[%dma_wait3A_57, %dma_wait3A_58] : memref<10240x128xf32, #tpu.memory_space<hbm>> -> memref<10240x128xf32, #tpu.memory_space<hbm>>
        tpu.wait_indirect_dma semaphore(%arg13 : memref<!tpu.dma_semaphore, #tpu.memory_space<semaphore_mem>>) src(%dma_wait3A_59 : memref<10240x128xf32, #tpu.memory_space<hbm>>) dst(%arg10 : memref<128x128xf32, #tpu.memory_space<vmem>>)
        "tpu.region"() ({
          %run_scoped3A = tpu.sem_alloc : memref<!tpu.dma_semaphore, #tpu.memory_space<semaphore_mem>>
          %dma_start3A_79 = arith.constant 0 : i32
          %dma_start3A_80 = arith.constant 0 : i32
          %dma_start3A_81 = tpu.memref_slice %arg12[%dma_start3A_79, %dma_start3A_80] : memref<10240x128xf32, #tpu.memory_space<vmem_shared>> -> memref<10240x128xf32, #tpu.memory_space<vmem_shared>>
          tpu.enqueue_indirect_dma source(%arg10 : memref<128x128xf32, #tpu.memory_space<vmem>>) target(%dma_start3A_81 : memref<10240x128xf32, #tpu.memory_space<vmem_shared>>) offsets(%arg8 : memref<128xi32, #tpu.memory_space<vmem>>) semaphore(%run_scoped3A : memref<!tpu.dma_semaphore, #tpu.memory_space<semaphore_mem>>) {add = true}
          %dma_wait3A_82 = arith.constant 0 : i32
          %dma_wait3A_83 = arith.constant 0 : i32
          %dma_wait3A_84 = tpu.memref_slice %arg12[%dma_wait3A_82, %dma_wait3A_83] : memref<10240x128xf32, #tpu.memory_space<vmem_shared>> -> memref<10240x128xf32, #tpu.memory_space<vmem_shared>>
          tpu.wait_indirect_dma semaphore(%run_scoped3A : memref<!tpu.dma_semaphore, #tpu.memory_space<semaphore_mem>>) src(%arg10 : memref<128x128xf32, #tpu.memory_space<vmem>>) dst(%dma_wait3A_84 : memref<10240x128xf32, #tpu.memory_space<vmem_shared>>)
          tpu.yield
        }) : () -> ()
        %add3A_60 = arith.constant 1 : i32
        %add3A_61 = arith.addi %add3A_34, %add3A_60 : i32
        %lt3A = arith.constant 120 : i32
        %lt3A_62 = arith.cmpi slt, %add3A_61, %lt3A : i32
        %convert_element_type3A_63 = arith.extui %lt3A_62 : i1 to i32
        %cond3A_64 = arith.constant 0 : i32
        %cond3A_65 = arith.cmpi ne, %convert_element_type3A_63, %cond3A_64 : i32
        scf.if %cond3A_65 {
          %add3A_79 = arith.constant 1 : i32
          %add3A_80 = arith.addi %add3A_34, %add3A_79 : i32
          %add3A_81 = arith.addi %mul3A_9, %add3A_80 : i32
          %dma_start3A_82 = arith.constant 0 : i32
          %dma_start3A_83 = tpu.memref_slice %arg4[%add3A_81, %dma_start3A_82] : memref<2560x128xi32, #tpu.memory_space<hbm>> -> memref<1x128xi32, #tpu.memory_space<hbm>>
          %dma_start3A_84 = tpu.memref_squeeze %dma_start3A_83 : memref<1x128xi32, #tpu.memory_space<hbm>> -> memref<128xi32, #tpu.memory_space<hbm>>
          %dma_start3A_85 = arith.constant 0 : i32
          %dma_start3A_86 = tpu.memref_slice %arg4[%add3A_81, %dma_start3A_85] : memref<2560x128xi32, #tpu.memory_space<hbm>> -> memref<1x128xi32, #tpu.memory_space<hbm>>
          %dma_start3A_87 = tpu.memref_squeeze %dma_start3A_86 : memref<1x128xi32, #tpu.memory_space<hbm>> -> memref<128xi32, #tpu.memory_space<hbm>>
          tpu.enqueue_dma source(%dma_start3A_87 : memref<128xi32, #tpu.memory_space<hbm>>) target(%arg8 : memref<128xi32, #tpu.memory_space<vmem>>) target_semaphore(%arg13 : memref<!tpu.dma_semaphore, #tpu.memory_space<semaphore_mem>>)
          %dma_start3A_88 = arith.constant 0 : i32
          %dma_start3A_89 = tpu.memref_slice %arg7[%add3A_80, %dma_start3A_88] : memref<120x128xi32, #tpu.memory_space<vmem>> -> memref<1x128xi32, #tpu.memory_space<vmem>>
          %dma_start3A_90 = tpu.memref_squeeze %dma_start3A_89 : memref<1x128xi32, #tpu.memory_space<vmem>> -> memref<128xi32, #tpu.memory_space<vmem>>
          %dma_start3A_91 = arith.constant 0 : i32
          %dma_start3A_92 = arith.constant 0 : i32
          %dma_start3A_93 = tpu.memref_slice %arg2[%dma_start3A_91, %dma_start3A_92] : memref<10240x128xf32, #tpu.memory_space<hbm>> -> memref<10240x128xf32, #tpu.memory_space<hbm>>
          tpu.enqueue_indirect_dma source(%dma_start3A_93 : memref<10240x128xf32, #tpu.memory_space<hbm>>) target(%arg10 : memref<128x128xf32, #tpu.memory_space<vmem>>) offsets(%dma_start3A_90 : memref<128xi32, #tpu.memory_space<vmem>>) semaphore(%arg13 : memref<!tpu.dma_semaphore, #tpu.memory_space<semaphore_mem>>)
        } else {
        }
        %add3A_66 = arith.addi %mul3A_9, %add3A_34 : i32
        %dma_wait3A_67 = arith.constant 0 : i32
        %dma_wait3A_68 = tpu.memref_slice %arg4[%add3A_66, %dma_wait3A_67] : memref<2560x128xi32, #tpu.memory_space<hbm>> -> memref<1x128xi32, #tpu.memory_space<hbm>>
        %dma_wait3A_69 = tpu.memref_squeeze %dma_wait3A_68 : memref<1x128xi32, #tpu.memory_space<hbm>> -> memref<128xi32, #tpu.memory_space<hbm>>
        %dma_wait3A_70 = arith.constant 0 : i32
        %dma_wait3A_71 = tpu.memref_slice %arg4[%add3A_66, %dma_wait3A_70] : memref<2560x128xi32, #tpu.memory_space<hbm>> -> memref<1x128xi32, #tpu.memory_space<hbm>>
        %dma_wait3A_72 = tpu.memref_squeeze %dma_wait3A_71 : memref<1x128xi32, #tpu.memory_space<hbm>> -> memref<128xi32, #tpu.memory_space<hbm>>
        tpu.wait_dma2 semaphore(%arg14 : memref<!tpu.dma_semaphore, #tpu.memory_space<semaphore_mem>>) src(%dma_wait3A_72 : memref<128xi32, #tpu.memory_space<hbm>>) dst(%arg9 : memref<128xi32, #tpu.memory_space<vmem>>)
        %dma_wait3A_73 = arith.constant 0 : i32
        %dma_wait3A_74 = tpu.memref_slice %arg7[%add3A_34, %dma_wait3A_73] : memref<120x128xi32, #tpu.memory_space<vmem>> -> memref<1x128xi32, #tpu.memory_space<vmem>>
        %dma_wait3A_75 = tpu.memref_squeeze %dma_wait3A_74 : memref<1x128xi32, #tpu.memory_space<vmem>> -> memref<128xi32, #tpu.memory_space<vmem>>
        %dma_wait3A_76 = arith.constant 0 : i32
        %dma_wait3A_77 = arith.constant 0 : i32
        %dma_wait3A_78 = tpu.memref_slice %arg2[%dma_wait3A_76, %dma_wait3A_77] : memref<10240x128xf32, #tpu.memory_space<hbm>> -> memref<10240x128xf32, #tpu.memory_space<hbm>>
        tpu.wait_indirect_dma semaphore(%arg14 : memref<!tpu.dma_semaphore, #tpu.memory_space<semaphore_mem>>) src(%dma_wait3A_78 : memref<10240x128xf32, #tpu.memory_space<hbm>>) dst(%arg11 : memref<128x128xf32, #tpu.memory_space<vmem>>)
        "tpu.region"() ({
          %run_scoped3A = tpu.sem_alloc : memref<!tpu.dma_semaphore, #tpu.memory_space<semaphore_mem>>
          %dma_start3A_79 = arith.constant 0 : i32
          %dma_start3A_80 = arith.constant 0 : i32
          %dma_start3A_81 = tpu.memref_slice %arg12[%dma_start3A_79, %dma_start3A_80] : memref<10240x128xf32, #tpu.memory_space<vmem_shared>> -> memref<10240x128xf32, #tpu.memory_space<vmem_shared>>
          tpu.enqueue_indirect_dma source(%arg11 : memref<128x128xf32, #tpu.memory_space<vmem>>) target(%dma_start3A_81 : memref<10240x128xf32, #tpu.memory_space<vmem_shared>>) offsets(%arg9 : memref<128xi32, #tpu.memory_space<vmem>>) semaphore(%run_scoped3A : memref<!tpu.dma_semaphore, #tpu.memory_space<semaphore_mem>>) {add = true}
          %dma_wait3A_82 = arith.constant 0 : i32
          %dma_wait3A_83 = arith.constant 0 : i32
          %dma_wait3A_84 = tpu.memref_slice %arg12[%dma_wait3A_82, %dma_wait3A_83] : memref<10240x128xf32, #tpu.memory_space<vmem_shared>> -> memref<10240x128xf32, #tpu.memory_space<vmem_shared>>
          tpu.wait_indirect_dma semaphore(%run_scoped3A : memref<!tpu.dma_semaphore, #tpu.memory_space<semaphore_mem>>) src(%arg11 : memref<128x128xf32, #tpu.memory_space<vmem>>) dst(%dma_wait3A_84 : memref<10240x128xf32, #tpu.memory_space<vmem_shared>>)
          tpu.yield
        }) : () -> ()
      }
      %scan3A_27 = arith.constant 60 : i32
    } else {
    }
    %ne3A = arith.constant 0 : i32
    %ne3A_3 = arith.cmpi ne, %arg0, %ne3A : i32
    %convert_element_type3A_4 = arith.extui %ne3A_3 : i1 to i32
    %cond3A_5 = arith.constant 0 : i32
    %cond3A_6 = arith.cmpi ne, %convert_element_type3A_4, %cond3A_5 : i32
    scf.if %cond3A_6 {
      %mul3A_8 = arith.constant 40 : i32
      %mul3A_9 = arith.muli %arg1, %mul3A_8 : i32
      %add3A = arith.constant 1920 : i32
      %add3A_10 = arith.addi %add3A, %mul3A_9 : i32
      "tpu.region"() ({
        %run_scoped3A = tpu.sem_alloc : memref<!tpu.dma_semaphore, #tpu.memory_space<semaphore_mem>>
        %dma_start3A_30 = arith.constant 0 : i32
        %dma_start3A_31 = arith.constant 0 : i32
        %dma_start3A_32 = tpu.memref_slice %arg7[%dma_start3A_30, %dma_start3A_31] : memref<120x128xi32, #tpu.memory_space<vmem>> -> memref<40x128xi32, #tpu.memory_space<vmem>>
        %dma_start3A_33 = arith.constant 0 : i32
        %dma_start3A_34 = tpu.memref_slice %arg3[%add3A_10, %dma_start3A_33] : memref<2560x128xi32, #tpu.memory_space<hbm>> -> memref<40x128xi32, #tpu.memory_space<hbm>>
        %dma_start3A_35 = arith.constant 0 : i32
        %dma_start3A_36 = arith.constant 0 : i32
        %dma_start3A_37 = tpu.memref_slice %arg7[%dma_start3A_35, %dma_start3A_36] : memref<120x128xi32, #tpu.memory_space<vmem>> -> memref<40x128xi32, #tpu.memory_space<vmem>>
        %dma_start3A_38 = arith.constant 0 : i32
        %dma_start3A_39 = tpu.memref_slice %arg3[%add3A_10, %dma_start3A_38] : memref<2560x128xi32, #tpu.memory_space<hbm>> -> memref<40x128xi32, #tpu.memory_space<hbm>>
        tpu.enqueue_dma source(%dma_start3A_39 : memref<40x128xi32, #tpu.memory_space<hbm>>) target(%dma_start3A_37 : memref<40x128xi32, #tpu.memory_space<vmem>>) target_semaphore(%run_scoped3A : memref<!tpu.dma_semaphore, #tpu.memory_space<semaphore_mem>>)
        %dma_wait3A = arith.constant 0 : i32
        %dma_wait3A_40 = arith.constant 0 : i32
        %dma_wait3A_41 = tpu.memref_slice %arg7[%dma_wait3A, %dma_wait3A_40] : memref<120x128xi32, #tpu.memory_space<vmem>> -> memref<40x128xi32, #tpu.memory_space<vmem>>
        %dma_wait3A_42 = arith.constant 0 : i32
        %dma_wait3A_43 = tpu.memref_slice %arg3[%add3A_10, %dma_wait3A_42] : memref<2560x128xi32, #tpu.memory_space<hbm>> -> memref<40x128xi32, #tpu.memory_space<hbm>>
        %dma_wait3A_44 = arith.constant 0 : i32
        %dma_wait3A_45 = arith.constant 0 : i32
        %dma_wait3A_46 = tpu.memref_slice %arg7[%dma_wait3A_44, %dma_wait3A_45] : memref<120x128xi32, #tpu.memory_space<vmem>> -> memref<40x128xi32, #tpu.memory_space<vmem>>
        %dma_wait3A_47 = arith.constant 0 : i32
        %dma_wait3A_48 = tpu.memref_slice %arg3[%add3A_10, %dma_wait3A_47] : memref<2560x128xi32, #tpu.memory_space<hbm>> -> memref<40x128xi32, #tpu.memory_space<hbm>>
        tpu.wait_dma2 semaphore(%run_scoped3A : memref<!tpu.dma_semaphore, #tpu.memory_space<semaphore_mem>>) src(%dma_wait3A_48 : memref<40x128xi32, #tpu.memory_space<hbm>>) dst(%dma_wait3A_46 : memref<40x128xi32, #tpu.memory_space<vmem>>)
        tpu.yield
      }) : () -> ()
      %add3A_11 = arith.constant 0 : i32
      %add3A_12 = arith.addi %add3A_10, %add3A_11 : i32
      %dma_start3A = arith.constant 0 : i32
      %dma_start3A_13 = tpu.memref_slice %arg4[%add3A_12, %dma_start3A] : memref<2560x128xi32, #tpu.memory_space<hbm>> -> memref<1x128xi32, #tpu.memory_space<hbm>>
      %dma_start3A_14 = tpu.memref_squeeze %dma_start3A_13 : memref<1x128xi32, #tpu.memory_space<hbm>> -> memref<128xi32, #tpu.memory_space<hbm>>
      %dma_start3A_15 = arith.constant 0 : i32
      %dma_start3A_16 = tpu.memref_slice %arg4[%add3A_12, %dma_start3A_15] : memref<2560x128xi32, #tpu.memory_space<hbm>> -> memref<1x128xi32, #tpu.memory_space<hbm>>
      %dma_start3A_17 = tpu.memref_squeeze %dma_start3A_16 : memref<1x128xi32, #tpu.memory_space<hbm>> -> memref<128xi32, #tpu.memory_space<hbm>>
      tpu.enqueue_dma source(%dma_start3A_17 : memref<128xi32, #tpu.memory_space<hbm>>) target(%arg8 : memref<128xi32, #tpu.memory_space<vmem>>) target_semaphore(%arg13 : memref<!tpu.dma_semaphore, #tpu.memory_space<semaphore_mem>>)
      %dma_start3A_18 = arith.constant 0 : i32
      %dma_start3A_19 = arith.constant 0 : i32
      %dma_start3A_20 = tpu.memref_slice %arg7[%dma_start3A_18, %dma_start3A_19] : memref<120x128xi32, #tpu.memory_space<vmem>> -> memref<1x128xi32, #tpu.memory_space<vmem>>
      %dma_start3A_21 = tpu.memref_squeeze %dma_start3A_20 : memref<1x128xi32, #tpu.memory_space<vmem>> -> memref<128xi32, #tpu.memory_space<vmem>>
      %dma_start3A_22 = arith.constant 0 : i32
      %dma_start3A_23 = arith.constant 0 : i32
      %dma_start3A_24 = tpu.memref_slice %arg2[%dma_start3A_22, %dma_start3A_23] : memref<10240x128xf32, #tpu.memory_space<hbm>> -> memref<10240x128xf32, #tpu.memory_space<hbm>>
      tpu.enqueue_indirect_dma source(%dma_start3A_24 : memref<10240x128xf32, #tpu.memory_space<hbm>>) target(%arg10 : memref<128x128xf32, #tpu.memory_space<vmem>>) offsets(%dma_start3A_21 : memref<128xi32, #tpu.memory_space<vmem>>) semaphore(%arg13 : memref<!tpu.dma_semaphore, #tpu.memory_space<semaphore_mem>>)
      %scan3A = arith.constant 0 : i32
      %scan3A_25 = arith.constant 0 : i32
      %scan3A_26 = arith.constant 20 : i32
      %scan3A_27 = arith.addi %scan3A_25, %scan3A_26 : i32
      %scan3A_28 = arith.constant 1 : i32
      scf.for %scan3A_30 = %scan3A_25 to %scan3A_27 step %scan3A_28  : i32 {
        %mul3A_31 = arith.constant 2 : i32
        %mul3A_32 = arith.muli %mul3A_31, %scan3A_30 : i32
        %mul3A_33 = arith.constant 2 : i32
        %mul3A_34 = arith.muli %mul3A_33, %scan3A_30 : i32
        %add3A_35 = arith.constant 1 : i32
        %add3A_36 = arith.addi %mul3A_34, %add3A_35 : i32
        %add3A_37 = arith.addi %add3A_10, %add3A_36 : i32
        %dma_start3A_38 = arith.constant 0 : i32
        %dma_start3A_39 = tpu.memref_slice %arg4[%add3A_37, %dma_start3A_38] : memref<2560x128xi32, #tpu.memory_space<hbm>> -> memref<1x128xi32, #tpu.memory_space<hbm>>
        %dma_start3A_40 = tpu.memref_squeeze %dma_start3A_39 : memref<1x128xi32, #tpu.memory_space<hbm>> -> memref<128xi32, #tpu.memory_space<hbm>>
        %dma_start3A_41 = arith.constant 0 : i32
        %dma_start3A_42 = tpu.memref_slice %arg4[%add3A_37, %dma_start3A_41] : memref<2560x128xi32, #tpu.memory_space<hbm>> -> memref<1x128xi32, #tpu.memory_space<hbm>>
        %dma_start3A_43 = tpu.memref_squeeze %dma_start3A_42 : memref<1x128xi32, #tpu.memory_space<hbm>> -> memref<128xi32, #tpu.memory_space<hbm>>
        tpu.enqueue_dma source(%dma_start3A_43 : memref<128xi32, #tpu.memory_space<hbm>>) target(%arg9 : memref<128xi32, #tpu.memory_space<vmem>>) target_semaphore(%arg14 : memref<!tpu.dma_semaphore, #tpu.memory_space<semaphore_mem>>)
        %dma_start3A_44 = arith.constant 0 : i32
        %dma_start3A_45 = tpu.memref_slice %arg7[%add3A_36, %dma_start3A_44] : memref<120x128xi32, #tpu.memory_space<vmem>> -> memref<1x128xi32, #tpu.memory_space<vmem>>
        %dma_start3A_46 = tpu.memref_squeeze %dma_start3A_45 : memref<1x128xi32, #tpu.memory_space<vmem>> -> memref<128xi32, #tpu.memory_space<vmem>>
        %dma_start3A_47 = arith.constant 0 : i32
        %dma_start3A_48 = arith.constant 0 : i32
        %dma_start3A_49 = tpu.memref_slice %arg2[%dma_start3A_47, %dma_start3A_48] : memref<10240x128xf32, #tpu.memory_space<hbm>> -> memref<10240x128xf32, #tpu.memory_space<hbm>>
        tpu.enqueue_indirect_dma source(%dma_start3A_49 : memref<10240x128xf32, #tpu.memory_space<hbm>>) target(%arg11 : memref<128x128xf32, #tpu.memory_space<vmem>>) offsets(%dma_start3A_46 : memref<128xi32, #tpu.memory_space<vmem>>) semaphore(%arg14 : memref<!tpu.dma_semaphore, #tpu.memory_space<semaphore_mem>>)
        %add3A_50 = arith.addi %add3A_10, %mul3A_32 : i32
        %dma_wait3A = arith.constant 0 : i32
        %dma_wait3A_51 = tpu.memref_slice %arg4[%add3A_50, %dma_wait3A] : memref<2560x128xi32, #tpu.memory_space<hbm>> -> memref<1x128xi32, #tpu.memory_space<hbm>>
        %dma_wait3A_52 = tpu.memref_squeeze %dma_wait3A_51 : memref<1x128xi32, #tpu.memory_space<hbm>> -> memref<128xi32, #tpu.memory_space<hbm>>
        %dma_wait3A_53 = arith.constant 0 : i32
        %dma_wait3A_54 = tpu.memref_slice %arg4[%add3A_50, %dma_wait3A_53] : memref<2560x128xi32, #tpu.memory_space<hbm>> -> memref<1x128xi32, #tpu.memory_space<hbm>>
        %dma_wait3A_55 = tpu.memref_squeeze %dma_wait3A_54 : memref<1x128xi32, #tpu.memory_space<hbm>> -> memref<128xi32, #tpu.memory_space<hbm>>
        tpu.wait_dma2 semaphore(%arg13 : memref<!tpu.dma_semaphore, #tpu.memory_space<semaphore_mem>>) src(%dma_wait3A_55 : memref<128xi32, #tpu.memory_space<hbm>>) dst(%arg8 : memref<128xi32, #tpu.memory_space<vmem>>)
        %dma_wait3A_56 = arith.constant 0 : i32
        %dma_wait3A_57 = tpu.memref_slice %arg7[%mul3A_32, %dma_wait3A_56] : memref<120x128xi32, #tpu.memory_space<vmem>> -> memref<1x128xi32, #tpu.memory_space<vmem>>
        %dma_wait3A_58 = tpu.memref_squeeze %dma_wait3A_57 : memref<1x128xi32, #tpu.memory_space<vmem>> -> memref<128xi32, #tpu.memory_space<vmem>>
        %dma_wait3A_59 = arith.constant 0 : i32
        %dma_wait3A_60 = arith.constant 0 : i32
        %dma_wait3A_61 = tpu.memref_slice %arg2[%dma_wait3A_59, %dma_wait3A_60] : memref<10240x128xf32, #tpu.memory_space<hbm>> -> memref<10240x128xf32, #tpu.memory_space<hbm>>
        tpu.wait_indirect_dma semaphore(%arg13 : memref<!tpu.dma_semaphore, #tpu.memory_space<semaphore_mem>>) src(%dma_wait3A_61 : memref<10240x128xf32, #tpu.memory_space<hbm>>) dst(%arg10 : memref<128x128xf32, #tpu.memory_space<vmem>>)
        "tpu.region"() ({
          %run_scoped3A = tpu.sem_alloc : memref<!tpu.dma_semaphore, #tpu.memory_space<semaphore_mem>>
          %dma_start3A_81 = arith.constant 0 : i32
          %dma_start3A_82 = arith.constant 0 : i32
          %dma_start3A_83 = tpu.memref_slice %arg12[%dma_start3A_81, %dma_start3A_82] : memref<10240x128xf32, #tpu.memory_space<vmem_shared>> -> memref<10240x128xf32, #tpu.memory_space<vmem_shared>>
          tpu.enqueue_indirect_dma source(%arg10 : memref<128x128xf32, #tpu.memory_space<vmem>>) target(%dma_start3A_83 : memref<10240x128xf32, #tpu.memory_space<vmem_shared>>) offsets(%arg8 : memref<128xi32, #tpu.memory_space<vmem>>) semaphore(%run_scoped3A : memref<!tpu.dma_semaphore, #tpu.memory_space<semaphore_mem>>) {add = true}
          %dma_wait3A_84 = arith.constant 0 : i32
          %dma_wait3A_85 = arith.constant 0 : i32
          %dma_wait3A_86 = tpu.memref_slice %arg12[%dma_wait3A_84, %dma_wait3A_85] : memref<10240x128xf32, #tpu.memory_space<vmem_shared>> -> memref<10240x128xf32, #tpu.memory_space<vmem_shared>>
          tpu.wait_indirect_dma semaphore(%run_scoped3A : memref<!tpu.dma_semaphore, #tpu.memory_space<semaphore_mem>>) src(%arg10 : memref<128x128xf32, #tpu.memory_space<vmem>>) dst(%dma_wait3A_86 : memref<10240x128xf32, #tpu.memory_space<vmem_shared>>)
          tpu.yield
        }) : () -> ()
        %add3A_62 = arith.constant 1 : i32
        %add3A_63 = arith.addi %add3A_36, %add3A_62 : i32
        %lt3A = arith.constant 40 : i32
        %lt3A_64 = arith.cmpi slt, %add3A_63, %lt3A : i32
        %convert_element_type3A_65 = arith.extui %lt3A_64 : i1 to i32
        %cond3A_66 = arith.constant 0 : i32
        %cond3A_67 = arith.cmpi ne, %convert_element_type3A_65, %cond3A_66 : i32
        scf.if %cond3A_67 {
          %add3A_81 = arith.constant 1 : i32
          %add3A_82 = arith.addi %add3A_36, %add3A_81 : i32
          %add3A_83 = arith.addi %add3A_10, %add3A_82 : i32
          %dma_start3A_84 = arith.constant 0 : i32
          %dma_start3A_85 = tpu.memref_slice %arg4[%add3A_83, %dma_start3A_84] : memref<2560x128xi32, #tpu.memory_space<hbm>> -> memref<1x128xi32, #tpu.memory_space<hbm>>
          %dma_start3A_86 = tpu.memref_squeeze %dma_start3A_85 : memref<1x128xi32, #tpu.memory_space<hbm>> -> memref<128xi32, #tpu.memory_space<hbm>>
          %dma_start3A_87 = arith.constant 0 : i32
          %dma_start3A_88 = tpu.memref_slice %arg4[%add3A_83, %dma_start3A_87] : memref<2560x128xi32, #tpu.memory_space<hbm>> -> memref<1x128xi32, #tpu.memory_space<hbm>>
          %dma_start3A_89 = tpu.memref_squeeze %dma_start3A_88 : memref<1x128xi32, #tpu.memory_space<hbm>> -> memref<128xi32, #tpu.memory_space<hbm>>
          tpu.enqueue_dma source(%dma_start3A_89 : memref<128xi32, #tpu.memory_space<hbm>>) target(%arg8 : memref<128xi32, #tpu.memory_space<vmem>>) target_semaphore(%arg13 : memref<!tpu.dma_semaphore, #tpu.memory_space<semaphore_mem>>)
          %dma_start3A_90 = arith.constant 0 : i32
          %dma_start3A_91 = tpu.memref_slice %arg7[%add3A_82, %dma_start3A_90] : memref<120x128xi32, #tpu.memory_space<vmem>> -> memref<1x128xi32, #tpu.memory_space<vmem>>
          %dma_start3A_92 = tpu.memref_squeeze %dma_start3A_91 : memref<1x128xi32, #tpu.memory_space<vmem>> -> memref<128xi32, #tpu.memory_space<vmem>>
          %dma_start3A_93 = arith.constant 0 : i32
          %dma_start3A_94 = arith.constant 0 : i32
          %dma_start3A_95 = tpu.memref_slice %arg2[%dma_start3A_93, %dma_start3A_94] : memref<10240x128xf32, #tpu.memory_space<hbm>> -> memref<10240x128xf32, #tpu.memory_space<hbm>>
          tpu.enqueue_indirect_dma source(%dma_start3A_95 : memref<10240x128xf32, #tpu.memory_space<hbm>>) target(%arg10 : memref<128x128xf32, #tpu.memory_space<vmem>>) offsets(%dma_start3A_92 : memref<128xi32, #tpu.memory_space<vmem>>) semaphore(%arg13 : memref<!tpu.dma_semaphore, #tpu.memory_space<semaphore_mem>>)
        } else {
        }
        %add3A_68 = arith.addi %add3A_10, %add3A_36 : i32
        %dma_wait3A_69 = arith.constant 0 : i32
        %dma_wait3A_70 = tpu.memref_slice %arg4[%add3A_68, %dma_wait3A_69] : memref<2560x128xi32, #tpu.memory_space<hbm>> -> memref<1x128xi32, #tpu.memory_space<hbm>>
        %dma_wait3A_71 = tpu.memref_squeeze %dma_wait3A_70 : memref<1x128xi32, #tpu.memory_space<hbm>> -> memref<128xi32, #tpu.memory_space<hbm>>
        %dma_wait3A_72 = arith.constant 0 : i32
        %dma_wait3A_73 = tpu.memref_slice %arg4[%add3A_68, %dma_wait3A_72] : memref<2560x128xi32, #tpu.memory_space<hbm>> -> memref<1x128xi32, #tpu.memory_space<hbm>>
        %dma_wait3A_74 = tpu.memref_squeeze %dma_wait3A_73 : memref<1x128xi32, #tpu.memory_space<hbm>> -> memref<128xi32, #tpu.memory_space<hbm>>
        tpu.wait_dma2 semaphore(%arg14 : memref<!tpu.dma_semaphore, #tpu.memory_space<semaphore_mem>>) src(%dma_wait3A_74 : memref<128xi32, #tpu.memory_space<hbm>>) dst(%arg9 : memref<128xi32, #tpu.memory_space<vmem>>)
        %dma_wait3A_75 = arith.constant 0 : i32
        %dma_wait3A_76 = tpu.memref_slice %arg7[%add3A_36, %dma_wait3A_75] : memref<120x128xi32, #tpu.memory_space<vmem>> -> memref<1x128xi32, #tpu.memory_space<vmem>>
        %dma_wait3A_77 = tpu.memref_squeeze %dma_wait3A_76 : memref<1x128xi32, #tpu.memory_space<vmem>> -> memref<128xi32, #tpu.memory_space<vmem>>
        %dma_wait3A_78 = arith.constant 0 : i32
        %dma_wait3A_79 = arith.constant 0 : i32
        %dma_wait3A_80 = tpu.memref_slice %arg2[%dma_wait3A_78, %dma_wait3A_79] : memref<10240x128xf32, #tpu.memory_space<hbm>> -> memref<10240x128xf32, #tpu.memory_space<hbm>>
        tpu.wait_indirect_dma semaphore(%arg14 : memref<!tpu.dma_semaphore, #tpu.memory_space<semaphore_mem>>) src(%dma_wait3A_80 : memref<10240x128xf32, #tpu.memory_space<hbm>>) dst(%arg11 : memref<128x128xf32, #tpu.memory_space<vmem>>)
        "tpu.region"() ({
          %run_scoped3A = tpu.sem_alloc : memref<!tpu.dma_semaphore, #tpu.memory_space<semaphore_mem>>
          %dma_start3A_81 = arith.constant 0 : i32
          %dma_start3A_82 = arith.constant 0 : i32
          %dma_start3A_83 = tpu.memref_slice %arg12[%dma_start3A_81, %dma_start3A_82] : memref<10240x128xf32, #tpu.memory_space<vmem_shared>> -> memref<10240x128xf32, #tpu.memory_space<vmem_shared>>
          tpu.enqueue_indirect_dma source(%arg11 : memref<128x128xf32, #tpu.memory_space<vmem>>) target(%dma_start3A_83 : memref<10240x128xf32, #tpu.memory_space<vmem_shared>>) offsets(%arg9 : memref<128xi32, #tpu.memory_space<vmem>>) semaphore(%run_scoped3A : memref<!tpu.dma_semaphore, #tpu.memory_space<semaphore_mem>>) {add = true}
          %dma_wait3A_84 = arith.constant 0 : i32
          %dma_wait3A_85 = arith.constant 0 : i32
          %dma_wait3A_86 = tpu.memref_slice %arg12[%dma_wait3A_84, %dma_wait3A_85] : memref<10240x128xf32, #tpu.memory_space<vmem_shared>> -> memref<10240x128xf32, #tpu.memory_space<vmem_shared>>
          tpu.wait_indirect_dma semaphore(%run_scoped3A : memref<!tpu.dma_semaphore, #tpu.memory_space<semaphore_mem>>) src(%arg11 : memref<128x128xf32, #tpu.memory_space<vmem>>) dst(%dma_wait3A_86 : memref<10240x128xf32, #tpu.memory_space<vmem_shared>>)
          tpu.yield
        }) : () -> ()
      }
      %scan3A_29 = arith.constant 20 : i32
    } else {
    }
    %barrier3A_7 = arith.constant 0 : index
    tpu.barrier barrier_id(%barrier3A_7)
    "tpu.region"() ({
      %run_scoped3A = tpu.sem_alloc : memref<!tpu.dma_semaphore, #tpu.memory_space<semaphore_mem>>
      %dma_start3A = arith.constant 0 : i32
      %dma_start3A_8 = tpu.memref_slice %arg6[%arg0, %mul3A_0, %dma_start3A] : memref<2x10240x128xf32, #tpu.memory_space<hbm>> -> memref<1x640x128xf32, #tpu.memory_space<hbm>>
      %dma_start3A_9 = tpu.memref_squeeze %dma_start3A_8 : memref<1x640x128xf32, #tpu.memory_space<hbm>> -> memref<640x128xf32, #tpu.memory_space<hbm>>
      %dma_start3A_10 = arith.constant 0 : i32
      %dma_start3A_11 = tpu.memref_slice %arg12[%mul3A_0, %dma_start3A_10] : memref<10240x128xf32, #tpu.memory_space<vmem_shared>> -> memref<640x128xf32, #tpu.memory_space<vmem_shared>>
      tpu.enqueue_dma source(%dma_start3A_11 : memref<640x128xf32, #tpu.memory_space<vmem_shared>>) target(%dma_start3A_9 : memref<640x128xf32, #tpu.memory_space<hbm>>) target_semaphore(%run_scoped3A : memref<!tpu.dma_semaphore, #tpu.memory_space<semaphore_mem>>)
      %dma_wait3A = arith.constant 0 : i32
      %dma_wait3A_12 = tpu.memref_slice %arg6[%arg0, %mul3A_0, %dma_wait3A] : memref<2x10240x128xf32, #tpu.memory_space<hbm>> -> memref<1x640x128xf32, #tpu.memory_space<hbm>>
      %dma_wait3A_13 = tpu.memref_squeeze %dma_wait3A_12 : memref<1x640x128xf32, #tpu.memory_space<hbm>> -> memref<640x128xf32, #tpu.memory_space<hbm>>
      %dma_wait3A_14 = arith.constant 0 : i32
      %dma_wait3A_15 = tpu.memref_slice %arg12[%mul3A_0, %dma_wait3A_14] : memref<10240x128xf32, #tpu.memory_space<vmem_shared>> -> memref<640x128xf32, #tpu.memory_space<vmem_shared>>
      tpu.wait_dma2 semaphore(%run_scoped3A : memref<!tpu.dma_semaphore, #tpu.memory_space<semaphore_mem>>) src(%dma_wait3A_15 : memref<640x128xf32, #tpu.memory_space<vmem_shared>>) dst(%dma_wait3A_13 : memref<640x128xf32, #tpu.memory_space<hbm>>)
      tpu.yield
    }) : () -> ()
    return
  }
}

#map = affine_map<(d0, d1) -> (0, 0)>
#map1 = affine_map<(d0, d1) -> (0, 0, 0)>
module attributes {stable_mosaic.version = 14 : i64} {
  func.func @body(%arg0: i32, %arg1: i32, %arg2: memref<10240x128xf32, #tpu.memory_space<hbm>>, %arg3: memref<2560x128xi32, #tpu.memory_space<hbm>>, %arg4: memref<2560x128xi32, #tpu.memory_space<hbm>>, %arg5: memref<10240x128xf32, #tpu.memory_space<hbm>>, %arg6: memref<2x10240x128xf32, #tpu.memory_space<hbm>>, %arg7: memref<120x128xi32, #tpu.memory_space<vmem>>, %arg8: memref<128xi32, #tpu.memory_space<vmem>>, %arg9: memref<128xi32, #tpu.memory_space<vmem>>, %arg10: memref<128x128xf32, #tpu.memory_space<vmem>>, %arg11: memref<128x128xf32, #tpu.memory_space<vmem>>, %arg12: memref<10240x128xf32, #tpu.memory_space<vmem_shared>>, %arg13: memref<!tpu.dma_semaphore, #tpu.memory_space<semaphore_mem>>, %arg14: memref<!tpu.dma_semaphore, #tpu.memory_space<semaphore_mem>>) attributes {dimension_semantics = [#tpu.dimension_semantics<core_parallel>, #tpu.dimension_semantics<subcore_parallel>], iteration_bounds = array<i64: 2, 16>, scalar_prefetch = 0 : i64, scratch_operands = 8 : i64, tpu.core_type = #tpu.core_type<sc_vector_subcore>, window_params = [{transform_indices = #map}, {transform_indices = #map}, {transform_indices = #map}, {transform_indices = #map}, {transform_indices = #map1}]} {
    %mul3A = arith.constant 640 : i32
    %mul3A_0 = arith.muli %arg1, %mul3A : i32
    "tpu.region"() ({
      %run_scoped3A = tpu.sem_alloc : memref<!tpu.dma_semaphore, #tpu.memory_space<semaphore_mem>>
      %dma_start3A = arith.constant 0 : i32
      %dma_start3A_8 = tpu.memref_slice %arg12[%mul3A_0, %dma_start3A] : memref<10240x128xf32, #tpu.memory_space<vmem_shared>> -> memref<640x128xf32, #tpu.memory_space<vmem_shared>>
      %dma_start3A_9 = arith.constant 0 : i32
      %dma_start3A_10 = tpu.memref_slice %arg5[%mul3A_0, %dma_start3A_9] : memref<10240x128xf32, #tpu.memory_space<hbm>> -> memref<640x128xf32, #tpu.memory_space<hbm>>
      tpu.enqueue_dma source(%dma_start3A_10 : memref<640x128xf32, #tpu.memory_space<hbm>>) target(%dma_start3A_8 : memref<640x128xf32, #tpu.memory_space<vmem_shared>>) target_semaphore(%run_scoped3A : memref<!tpu.dma_semaphore, #tpu.memory_space<semaphore_mem>>)
      %dma_wait3A = arith.constant 0 : i32
      %dma_wait3A_11 = tpu.memref_slice %arg12[%mul3A_0, %dma_wait3A] : memref<10240x128xf32, #tpu.memory_space<vmem_shared>> -> memref<640x128xf32, #tpu.memory_space<vmem_shared>>
      %dma_wait3A_12 = arith.constant 0 : i32
      %dma_wait3A_13 = tpu.memref_slice %arg5[%mul3A_0, %dma_wait3A_12] : memref<10240x128xf32, #tpu.memory_space<hbm>> -> memref<640x128xf32, #tpu.memory_space<hbm>>
      tpu.wait_dma2 semaphore(%run_scoped3A : memref<!tpu.dma_semaphore, #tpu.memory_space<semaphore_mem>>) src(%dma_wait3A_13 : memref<640x128xf32, #tpu.memory_space<hbm>>) dst(%dma_wait3A_11 : memref<640x128xf32, #tpu.memory_space<vmem_shared>>)
      tpu.yield
    }) : () -> ()
    %barrier3A = arith.constant 0 : index
    tpu.barrier barrier_id(%barrier3A)
    %eq3A = arith.constant 0 : i32
    %eq3A_1 = arith.cmpi eq, %arg0, %eq3A : i32
    %convert_element_type3A = arith.extui %eq3A_1 : i1 to i32
    %cond3A = arith.constant 0 : i32
    %cond3A_2 = arith.cmpi ne, %convert_element_type3A, %cond3A : i32
    scf.if %cond3A_2 {
      %mul3A_8 = arith.constant 120 : i32
      %mul3A_9 = arith.muli %arg1, %mul3A_8 : i32
      "tpu.region"() ({
        %run_scoped3A = tpu.sem_alloc : memref<!tpu.dma_semaphore, #tpu.memory_space<semaphore_mem>>
        %dma_start3A_28 = arith.constant 0 : i32
        %dma_start3A_29 = arith.constant 0 : i32
        %dma_start3A_30 = tpu.memref_slice %arg7[%dma_start3A_28, %dma_start3A_29] : memref<120x128xi32, #tpu.memory_space<vmem>> -> memref<120x128xi32, #tpu.memory_space<vmem>>
        %dma_start3A_31 = arith.constant 0 : i32
        %dma_start3A_32 = tpu.memref_slice %arg3[%mul3A_9, %dma_start3A_31] : memref<2560x128xi32, #tpu.memory_space<hbm>> -> memref<120x128xi32, #tpu.memory_space<hbm>>
        %dma_start3A_33 = arith.constant 0 : i32
        %dma_start3A_34 = arith.constant 0 : i32
        %dma_start3A_35 = tpu.memref_slice %arg7[%dma_start3A_33, %dma_start3A_34] : memref<120x128xi32, #tpu.memory_space<vmem>> -> memref<120x128xi32, #tpu.memory_space<vmem>>
        %dma_start3A_36 = arith.constant 0 : i32
        %dma_start3A_37 = tpu.memref_slice %arg3[%mul3A_9, %dma_start3A_36] : memref<2560x128xi32, #tpu.memory_space<hbm>> -> memref<120x128xi32, #tpu.memory_space<hbm>>
        tpu.enqueue_dma source(%dma_start3A_37 : memref<120x128xi32, #tpu.memory_space<hbm>>) target(%dma_start3A_35 : memref<120x128xi32, #tpu.memory_space<vmem>>) target_semaphore(%run_scoped3A : memref<!tpu.dma_semaphore, #tpu.memory_space<semaphore_mem>>)
        %dma_wait3A = arith.constant 0 : i32
        %dma_wait3A_38 = arith.constant 0 : i32
        %dma_wait3A_39 = tpu.memref_slice %arg7[%dma_wait3A, %dma_wait3A_38] : memref<120x128xi32, #tpu.memory_space<vmem>> -> memref<120x128xi32, #tpu.memory_space<vmem>>
        %dma_wait3A_40 = arith.constant 0 : i32
        %dma_wait3A_41 = tpu.memref_slice %arg3[%mul3A_9, %dma_wait3A_40] : memref<2560x128xi32, #tpu.memory_space<hbm>> -> memref<120x128xi32, #tpu.memory_space<hbm>>
        %dma_wait3A_42 = arith.constant 0 : i32
        %dma_wait3A_43 = arith.constant 0 : i32
        %dma_wait3A_44 = tpu.memref_slice %arg7[%dma_wait3A_42, %dma_wait3A_43] : memref<120x128xi32, #tpu.memory_space<vmem>> -> memref<120x128xi32, #tpu.memory_space<vmem>>
        %dma_wait3A_45 = arith.constant 0 : i32
        %dma_wait3A_46 = tpu.memref_slice %arg3[%mul3A_9, %dma_wait3A_45] : memref<2560x128xi32, #tpu.memory_space<hbm>> -> memref<120x128xi32, #tpu.memory_space<hbm>>
        tpu.wait_dma2 semaphore(%run_scoped3A : memref<!tpu.dma_semaphore, #tpu.memory_space<semaphore_mem>>) src(%dma_wait3A_46 : memref<120x128xi32, #tpu.memory_space<hbm>>) dst(%dma_wait3A_44 : memref<120x128xi32, #tpu.memory_space<vmem>>)
        tpu.yield
      }) : () -> ()
      %add3A = arith.constant 0 : i32
      %add3A_10 = arith.addi %mul3A_9, %add3A : i32
      %dma_start3A = arith.constant 0 : i32
      %dma_start3A_11 = tpu.memref_slice %arg4[%add3A_10, %dma_start3A] : memref<2560x128xi32, #tpu.memory_space<hbm>> -> memref<1x128xi32, #tpu.memory_space<hbm>>
      %dma_start3A_12 = tpu.memref_squeeze %dma_start3A_11 : memref<1x128xi32, #tpu.memory_space<hbm>> -> memref<128xi32, #tpu.memory_space<hbm>>
      %dma_start3A_13 = arith.constant 0 : i32
      %dma_start3A_14 = tpu.memref_slice %arg4[%add3A_10, %dma_start3A_13] : memref<2560x128xi32, #tpu.memory_space<hbm>> -> memref<1x128xi32, #tpu.memory_space<hbm>>
      %dma_start3A_15 = tpu.memref_squeeze %dma_start3A_14 : memref<1x128xi32, #tpu.memory_space<hbm>> -> memref<128xi32, #tpu.memory_space<hbm>>
      tpu.enqueue_dma source(%dma_start3A_15 : memref<128xi32, #tpu.memory_space<hbm>>) target(%arg8 : memref<128xi32, #tpu.memory_space<vmem>>) target_semaphore(%arg13 : memref<!tpu.dma_semaphore, #tpu.memory_space<semaphore_mem>>)
      %dma_start3A_16 = arith.constant 0 : i32
      %dma_start3A_17 = arith.constant 0 : i32
      %dma_start3A_18 = tpu.memref_slice %arg7[%dma_start3A_16, %dma_start3A_17] : memref<120x128xi32, #tpu.memory_space<vmem>> -> memref<1x128xi32, #tpu.memory_space<vmem>>
      %dma_start3A_19 = tpu.memref_squeeze %dma_start3A_18 : memref<1x128xi32, #tpu.memory_space<vmem>> -> memref<128xi32, #tpu.memory_space<vmem>>
      %dma_start3A_20 = arith.constant 0 : i32
      %dma_start3A_21 = arith.constant 0 : i32
      %dma_start3A_22 = tpu.memref_slice %arg2[%dma_start3A_20, %dma_start3A_21] : memref<10240x128xf32, #tpu.memory_space<hbm>> -> memref<10240x128xf32, #tpu.memory_space<hbm>>
      tpu.enqueue_indirect_dma source(%dma_start3A_22 : memref<10240x128xf32, #tpu.memory_space<hbm>>) target(%arg10 : memref<128x128xf32, #tpu.memory_space<vmem>>) offsets(%dma_start3A_19 : memref<128xi32, #tpu.memory_space<vmem>>) semaphore(%arg13 : memref<!tpu.dma_semaphore, #tpu.memory_space<semaphore_mem>>)
      %scan3A = arith.constant 0 : i32
      %scan3A_23 = arith.constant 0 : i32
      %scan3A_24 = arith.constant 60 : i32
      %scan3A_25 = arith.addi %scan3A_23, %scan3A_24 : i32
      %scan3A_26 = arith.constant 1 : i32
      scf.for %scan3A_28 = %scan3A_23 to %scan3A_25 step %scan3A_26  : i32 {
        %mul3A_29 = arith.constant 2 : i32
        %mul3A_30 = arith.muli %mul3A_29, %scan3A_28 : i32
        %mul3A_31 = arith.constant 2 : i32
        %mul3A_32 = arith.muli %mul3A_31, %scan3A_28 : i32
        %add3A_33 = arith.constant 1 : i32
        %add3A_34 = arith.addi %mul3A_32, %add3A_33 : i32
        %add3A_35 = arith.addi %mul3A_9, %add3A_34 : i32
        %dma_start3A_36 = arith.constant 0 : i32
        %dma_start3A_37 = tpu.memref_slice %arg4[%add3A_35, %dma_start3A_36] : memref<2560x128xi32, #tpu.memory_space<hbm>> -> memref<1x128xi32, #tpu.memory_space<hbm>>
        %dma_start3A_38 = tpu.memref_squeeze %dma_start3A_37 : memref<1x128xi32, #tpu.memory_space<hbm>> -> memref<128xi32, #tpu.memory_space<hbm>>
        %dma_start3A_39 = arith.constant 0 : i32
        %dma_start3A_40 = tpu.memref_slice %arg4[%add3A_35, %dma_start3A_39] : memref<2560x128xi32, #tpu.memory_space<hbm>> -> memref<1x128xi32, #tpu.memory_space<hbm>>
        %dma_start3A_41 = tpu.memref_squeeze %dma_start3A_40 : memref<1x128xi32, #tpu.memory_space<hbm>> -> memref<128xi32, #tpu.memory_space<hbm>>
        tpu.enqueue_dma source(%dma_start3A_41 : memref<128xi32, #tpu.memory_space<hbm>>) target(%arg9 : memref<128xi32, #tpu.memory_space<vmem>>) target_semaphore(%arg14 : memref<!tpu.dma_semaphore, #tpu.memory_space<semaphore_mem>>)
        %dma_start3A_42 = arith.constant 0 : i32
        %dma_start3A_43 = tpu.memref_slice %arg7[%add3A_34, %dma_start3A_42] : memref<120x128xi32, #tpu.memory_space<vmem>> -> memref<1x128xi32, #tpu.memory_space<vmem>>
        %dma_start3A_44 = tpu.memref_squeeze %dma_start3A_43 : memref<1x128xi32, #tpu.memory_space<vmem>> -> memref<128xi32, #tpu.memory_space<vmem>>
        %dma_start3A_45 = arith.constant 0 : i32
        %dma_start3A_46 = arith.constant 0 : i32
        %dma_start3A_47 = tpu.memref_slice %arg2[%dma_start3A_45, %dma_start3A_46] : memref<10240x128xf32, #tpu.memory_space<hbm>> -> memref<10240x128xf32, #tpu.memory_space<hbm>>
        tpu.enqueue_indirect_dma source(%dma_start3A_47 : memref<10240x128xf32, #tpu.memory_space<hbm>>) target(%arg11 : memref<128x128xf32, #tpu.memory_space<vmem>>) offsets(%dma_start3A_44 : memref<128xi32, #tpu.memory_space<vmem>>) semaphore(%arg14 : memref<!tpu.dma_semaphore, #tpu.memory_space<semaphore_mem>>)
        %add3A_48 = arith.addi %mul3A_9, %mul3A_30 : i32
        %dma_wait3A = arith.constant 0 : i32
        %dma_wait3A_49 = tpu.memref_slice %arg4[%add3A_48, %dma_wait3A] : memref<2560x128xi32, #tpu.memory_space<hbm>> -> memref<1x128xi32, #tpu.memory_space<hbm>>
        %dma_wait3A_50 = tpu.memref_squeeze %dma_wait3A_49 : memref<1x128xi32, #tpu.memory_space<hbm>> -> memref<128xi32, #tpu.memory_space<hbm>>
        %dma_wait3A_51 = arith.constant 0 : i32
        %dma_wait3A_52 = tpu.memref_slice %arg4[%add3A_48, %dma_wait3A_51] : memref<2560x128xi32, #tpu.memory_space<hbm>> -> memref<1x128xi32, #tpu.memory_space<hbm>>
        %dma_wait3A_53 = tpu.memref_squeeze %dma_wait3A_52 : memref<1x128xi32, #tpu.memory_space<hbm>> -> memref<128xi32, #tpu.memory_space<hbm>>
        tpu.wait_dma2 semaphore(%arg13 : memref<!tpu.dma_semaphore, #tpu.memory_space<semaphore_mem>>) src(%dma_wait3A_53 : memref<128xi32, #tpu.memory_space<hbm>>) dst(%arg8 : memref<128xi32, #tpu.memory_space<vmem>>)
        %dma_wait3A_54 = arith.constant 0 : i32
        %dma_wait3A_55 = tpu.memref_slice %arg7[%mul3A_30, %dma_wait3A_54] : memref<120x128xi32, #tpu.memory_space<vmem>> -> memref<1x128xi32, #tpu.memory_space<vmem>>
        %dma_wait3A_56 = tpu.memref_squeeze %dma_wait3A_55 : memref<1x128xi32, #tpu.memory_space<vmem>> -> memref<128xi32, #tpu.memory_space<vmem>>
        %dma_wait3A_57 = arith.constant 0 : i32
        %dma_wait3A_58 = arith.constant 0 : i32
        %dma_wait3A_59 = tpu.memref_slice %arg2[%dma_wait3A_57, %dma_wait3A_58] : memref<10240x128xf32, #tpu.memory_space<hbm>> -> memref<10240x128xf32, #tpu.memory_space<hbm>>
        tpu.wait_indirect_dma semaphore(%arg13 : memref<!tpu.dma_semaphore, #tpu.memory_space<semaphore_mem>>) src(%dma_wait3A_59 : memref<10240x128xf32, #tpu.memory_space<hbm>>) dst(%arg10 : memref<128x128xf32, #tpu.memory_space<vmem>>)
        "tpu.region"() ({
          %run_scoped3A = tpu.sem_alloc : memref<!tpu.dma_semaphore, #tpu.memory_space<semaphore_mem>>
          %dma_start3A_79 = arith.constant 0 : i32
          %dma_start3A_80 = arith.constant 0 : i32
          %dma_start3A_81 = tpu.memref_slice %arg12[%dma_start3A_79, %dma_start3A_80] : memref<10240x128xf32, #tpu.memory_space<vmem_shared>> -> memref<10240x128xf32, #tpu.memory_space<vmem_shared>>
          tpu.enqueue_indirect_dma source(%arg10 : memref<128x128xf32, #tpu.memory_space<vmem>>) target(%dma_start3A_81 : memref<10240x128xf32, #tpu.memory_space<vmem_shared>>) offsets(%arg8 : memref<128xi32, #tpu.memory_space<vmem>>) semaphore(%run_scoped3A : memref<!tpu.dma_semaphore, #tpu.memory_space<semaphore_mem>>) {add = true}
          %dma_wait3A_82 = arith.constant 0 : i32
          %dma_wait3A_83 = arith.constant 0 : i32
          %dma_wait3A_84 = tpu.memref_slice %arg12[%dma_wait3A_82, %dma_wait3A_83] : memref<10240x128xf32, #tpu.memory_space<vmem_shared>> -> memref<10240x128xf32, #tpu.memory_space<vmem_shared>>
          tpu.wait_indirect_dma semaphore(%run_scoped3A : memref<!tpu.dma_semaphore, #tpu.memory_space<semaphore_mem>>) src(%arg10 : memref<128x128xf32, #tpu.memory_space<vmem>>) dst(%dma_wait3A_84 : memref<10240x128xf32, #tpu.memory_space<vmem_shared>>)
          tpu.yield
        }) : () -> ()
        %add3A_60 = arith.constant 1 : i32
        %add3A_61 = arith.addi %add3A_34, %add3A_60 : i32
        %lt3A = arith.constant 120 : i32
        %lt3A_62 = arith.cmpi slt, %add3A_61, %lt3A : i32
        %convert_element_type3A_63 = arith.extui %lt3A_62 : i1 to i32
        %cond3A_64 = arith.constant 0 : i32
        %cond3A_65 = arith.cmpi ne, %convert_element_type3A_63, %cond3A_64 : i32
        scf.if %cond3A_65 {
          %add3A_79 = arith.constant 1 : i32
          %add3A_80 = arith.addi %add3A_34, %add3A_79 : i32
          %add3A_81 = arith.addi %mul3A_9, %add3A_80 : i32
          %dma_start3A_82 = arith.constant 0 : i32
          %dma_start3A_83 = tpu.memref_slice %arg4[%add3A_81, %dma_start3A_82] : memref<2560x128xi32, #tpu.memory_space<hbm>> -> memref<1x128xi32, #tpu.memory_space<hbm>>
          %dma_start3A_84 = tpu.memref_squeeze %dma_start3A_83 : memref<1x128xi32, #tpu.memory_space<hbm>> -> memref<128xi32, #tpu.memory_space<hbm>>
          %dma_start3A_85 = arith.constant 0 : i32
          %dma_start3A_86 = tpu.memref_slice %arg4[%add3A_81, %dma_start3A_85] : memref<2560x128xi32, #tpu.memory_space<hbm>> -> memref<1x128xi32, #tpu.memory_space<hbm>>
          %dma_start3A_87 = tpu.memref_squeeze %dma_start3A_86 : memref<1x128xi32, #tpu.memory_space<hbm>> -> memref<128xi32, #tpu.memory_space<hbm>>
          tpu.enqueue_dma source(%dma_start3A_87 : memref<128xi32, #tpu.memory_space<hbm>>) target(%arg8 : memref<128xi32, #tpu.memory_space<vmem>>) target_semaphore(%arg13 : memref<!tpu.dma_semaphore, #tpu.memory_space<semaphore_mem>>)
          %dma_start3A_88 = arith.constant 0 : i32
          %dma_start3A_89 = tpu.memref_slice %arg7[%add3A_80, %dma_start3A_88] : memref<120x128xi32, #tpu.memory_space<vmem>> -> memref<1x128xi32, #tpu.memory_space<vmem>>
          %dma_start3A_90 = tpu.memref_squeeze %dma_start3A_89 : memref<1x128xi32, #tpu.memory_space<vmem>> -> memref<128xi32, #tpu.memory_space<vmem>>
          %dma_start3A_91 = arith.constant 0 : i32
          %dma_start3A_92 = arith.constant 0 : i32
          %dma_start3A_93 = tpu.memref_slice %arg2[%dma_start3A_91, %dma_start3A_92] : memref<10240x128xf32, #tpu.memory_space<hbm>> -> memref<10240x128xf32, #tpu.memory_space<hbm>>
          tpu.enqueue_indirect_dma source(%dma_start3A_93 : memref<10240x128xf32, #tpu.memory_space<hbm>>) target(%arg10 : memref<128x128xf32, #tpu.memory_space<vmem>>) offsets(%dma_start3A_90 : memref<128xi32, #tpu.memory_space<vmem>>) semaphore(%arg13 : memref<!tpu.dma_semaphore, #tpu.memory_space<semaphore_mem>>)
        } else {
        }
        %add3A_66 = arith.addi %mul3A_9, %add3A_34 : i32
        %dma_wait3A_67 = arith.constant 0 : i32
        %dma_wait3A_68 = tpu.memref_slice %arg4[%add3A_66, %dma_wait3A_67] : memref<2560x128xi32, #tpu.memory_space<hbm>> -> memref<1x128xi32, #tpu.memory_space<hbm>>
        %dma_wait3A_69 = tpu.memref_squeeze %dma_wait3A_68 : memref<1x128xi32, #tpu.memory_space<hbm>> -> memref<128xi32, #tpu.memory_space<hbm>>
        %dma_wait3A_70 = arith.constant 0 : i32
        %dma_wait3A_71 = tpu.memref_slice %arg4[%add3A_66, %dma_wait3A_70] : memref<2560x128xi32, #tpu.memory_space<hbm>> -> memref<1x128xi32, #tpu.memory_space<hbm>>
        %dma_wait3A_72 = tpu.memref_squeeze %dma_wait3A_71 : memref<1x128xi32, #tpu.memory_space<hbm>> -> memref<128xi32, #tpu.memory_space<hbm>>
        tpu.wait_dma2 semaphore(%arg14 : memref<!tpu.dma_semaphore, #tpu.memory_space<semaphore_mem>>) src(%dma_wait3A_72 : memref<128xi32, #tpu.memory_space<hbm>>) dst(%arg9 : memref<128xi32, #tpu.memory_space<vmem>>)
        %dma_wait3A_73 = arith.constant 0 : i32
        %dma_wait3A_74 = tpu.memref_slice %arg7[%add3A_34, %dma_wait3A_73] : memref<120x128xi32, #tpu.memory_space<vmem>> -> memref<1x128xi32, #tpu.memory_space<vmem>>
        %dma_wait3A_75 = tpu.memref_squeeze %dma_wait3A_74 : memref<1x128xi32, #tpu.memory_space<vmem>> -> memref<128xi32, #tpu.memory_space<vmem>>
        %dma_wait3A_76 = arith.constant 0 : i32
        %dma_wait3A_77 = arith.constant 0 : i32
        %dma_wait3A_78 = tpu.memref_slice %arg2[%dma_wait3A_76, %dma_wait3A_77] : memref<10240x128xf32, #tpu.memory_space<hbm>> -> memref<10240x128xf32, #tpu.memory_space<hbm>>
        tpu.wait_indirect_dma semaphore(%arg14 : memref<!tpu.dma_semaphore, #tpu.memory_space<semaphore_mem>>) src(%dma_wait3A_78 : memref<10240x128xf32, #tpu.memory_space<hbm>>) dst(%arg11 : memref<128x128xf32, #tpu.memory_space<vmem>>)
        "tpu.region"() ({
          %run_scoped3A = tpu.sem_alloc : memref<!tpu.dma_semaphore, #tpu.memory_space<semaphore_mem>>
          %dma_start3A_79 = arith.constant 0 : i32
          %dma_start3A_80 = arith.constant 0 : i32
          %dma_start3A_81 = tpu.memref_slice %arg12[%dma_start3A_79, %dma_start3A_80] : memref<10240x128xf32, #tpu.memory_space<vmem_shared>> -> memref<10240x128xf32, #tpu.memory_space<vmem_shared>>
          tpu.enqueue_indirect_dma source(%arg11 : memref<128x128xf32, #tpu.memory_space<vmem>>) target(%dma_start3A_81 : memref<10240x128xf32, #tpu.memory_space<vmem_shared>>) offsets(%arg9 : memref<128xi32, #tpu.memory_space<vmem>>) semaphore(%run_scoped3A : memref<!tpu.dma_semaphore, #tpu.memory_space<semaphore_mem>>) {add = true}
          %dma_wait3A_82 = arith.constant 0 : i32
          %dma_wait3A_83 = arith.constant 0 : i32
          %dma_wait3A_84 = tpu.memref_slice %arg12[%dma_wait3A_82, %dma_wait3A_83] : memref<10240x128xf32, #tpu.memory_space<vmem_shared>> -> memref<10240x128xf32, #tpu.memory_space<vmem_shared>>
          tpu.wait_indirect_dma semaphore(%run_scoped3A : memref<!tpu.dma_semaphore, #tpu.memory_space<semaphore_mem>>) src(%arg11 : memref<128x128xf32, #tpu.memory_space<vmem>>) dst(%dma_wait3A_84 : memref<10240x128xf32, #tpu.memory_space<vmem_shared>>)
          tpu.yield
        }) : () -> ()
      }
      %scan3A_27 = arith.constant 60 : i32
    } else {
    }
    %ne3A = arith.constant 0 : i32
    %ne3A_3 = arith.cmpi ne, %arg0, %ne3A : i32
    %convert_element_type3A_4 = arith.extui %ne3A_3 : i1 to i32
    %cond3A_5 = arith.constant 0 : i32
    %cond3A_6 = arith.cmpi ne, %convert_element_type3A_4, %cond3A_5 : i32
    scf.if %cond3A_6 {
      %mul3A_8 = arith.constant 40 : i32
      %mul3A_9 = arith.muli %arg1, %mul3A_8 : i32
      %add3A = arith.constant 1920 : i32
      %add3A_10 = arith.addi %add3A, %mul3A_9 : i32
      "tpu.region"() ({
        %run_scoped3A = tpu.sem_alloc : memref<!tpu.dma_semaphore, #tpu.memory_space<semaphore_mem>>
        %dma_start3A_30 = arith.constant 0 : i32
        %dma_start3A_31 = arith.constant 0 : i32
        %dma_start3A_32 = tpu.memref_slice %arg7[%dma_start3A_30, %dma_start3A_31] : memref<120x128xi32, #tpu.memory_space<vmem>> -> memref<40x128xi32, #tpu.memory_space<vmem>>
        %dma_start3A_33 = arith.constant 0 : i32
        %dma_start3A_34 = tpu.memref_slice %arg3[%add3A_10, %dma_start3A_33] : memref<2560x128xi32, #tpu.memory_space<hbm>> -> memref<40x128xi32, #tpu.memory_space<hbm>>
        %dma_start3A_35 = arith.constant 0 : i32
        %dma_start3A_36 = arith.constant 0 : i32
        %dma_start3A_37 = tpu.memref_slice %arg7[%dma_start3A_35, %dma_start3A_36] : memref<120x128xi32, #tpu.memory_space<vmem>> -> memref<40x128xi32, #tpu.memory_space<vmem>>
        %dma_start3A_38 = arith.constant 0 : i32
        %dma_start3A_39 = tpu.memref_slice %arg3[%add3A_10, %dma_start3A_38] : memref<2560x128xi32, #tpu.memory_space<hbm>> -> memref<40x128xi32, #tpu.memory_space<hbm>>
        tpu.enqueue_dma source(%dma_start3A_39 : memref<40x128xi32, #tpu.memory_space<hbm>>) target(%dma_start3A_37 : memref<40x128xi32, #tpu.memory_space<vmem>>) target_semaphore(%run_scoped3A : memref<!tpu.dma_semaphore, #tpu.memory_space<semaphore_mem>>)
        %dma_wait3A = arith.constant 0 : i32
        %dma_wait3A_40 = arith.constant 0 : i32
        %dma_wait3A_41 = tpu.memref_slice %arg7[%dma_wait3A, %dma_wait3A_40] : memref<120x128xi32, #tpu.memory_space<vmem>> -> memref<40x128xi32, #tpu.memory_space<vmem>>
        %dma_wait3A_42 = arith.constant 0 : i32
        %dma_wait3A_43 = tpu.memref_slice %arg3[%add3A_10, %dma_wait3A_42] : memref<2560x128xi32, #tpu.memory_space<hbm>> -> memref<40x128xi32, #tpu.memory_space<hbm>>
        %dma_wait3A_44 = arith.constant 0 : i32
        %dma_wait3A_45 = arith.constant 0 : i32
        %dma_wait3A_46 = tpu.memref_slice %arg7[%dma_wait3A_44, %dma_wait3A_45] : memref<120x128xi32, #tpu.memory_space<vmem>> -> memref<40x128xi32, #tpu.memory_space<vmem>>
        %dma_wait3A_47 = arith.constant 0 : i32
        %dma_wait3A_48 = tpu.memref_slice %arg3[%add3A_10, %dma_wait3A_47] : memref<2560x128xi32, #tpu.memory_space<hbm>> -> memref<40x128xi32, #tpu.memory_space<hbm>>
        tpu.wait_dma2 semaphore(%run_scoped3A : memref<!tpu.dma_semaphore, #tpu.memory_space<semaphore_mem>>) src(%dma_wait3A_48 : memref<40x128xi32, #tpu.memory_space<hbm>>) dst(%dma_wait3A_46 : memref<40x128xi32, #tpu.memory_space<vmem>>)
        tpu.yield
      }) : () -> ()
      %add3A_11 = arith.constant 0 : i32
      %add3A_12 = arith.addi %add3A_10, %add3A_11 : i32
      %dma_start3A = arith.constant 0 : i32
      %dma_start3A_13 = tpu.memref_slice %arg4[%add3A_12, %dma_start3A] : memref<2560x128xi32, #tpu.memory_space<hbm>> -> memref<1x128xi32, #tpu.memory_space<hbm>>
      %dma_start3A_14 = tpu.memref_squeeze %dma_start3A_13 : memref<1x128xi32, #tpu.memory_space<hbm>> -> memref<128xi32, #tpu.memory_space<hbm>>
      %dma_start3A_15 = arith.constant 0 : i32
      %dma_start3A_16 = tpu.memref_slice %arg4[%add3A_12, %dma_start3A_15] : memref<2560x128xi32, #tpu.memory_space<hbm>> -> memref<1x128xi32, #tpu.memory_space<hbm>>
      %dma_start3A_17 = tpu.memref_squeeze %dma_start3A_16 : memref<1x128xi32, #tpu.memory_space<hbm>> -> memref<128xi32, #tpu.memory_space<hbm>>
      tpu.enqueue_dma source(%dma_start3A_17 : memref<128xi32, #tpu.memory_space<hbm>>) target(%arg8 : memref<128xi32, #tpu.memory_space<vmem>>) target_semaphore(%arg13 : memref<!tpu.dma_semaphore, #tpu.memory_space<semaphore_mem>>)
      %dma_start3A_18 = arith.constant 0 : i32
      %dma_start3A_19 = arith.constant 0 : i32
      %dma_start3A_20 = tpu.memref_slice %arg7[%dma_start3A_18, %dma_start3A_19] : memref<120x128xi32, #tpu.memory_space<vmem>> -> memref<1x128xi32, #tpu.memory_space<vmem>>
      %dma_start3A_21 = tpu.memref_squeeze %dma_start3A_20 : memref<1x128xi32, #tpu.memory_space<vmem>> -> memref<128xi32, #tpu.memory_space<vmem>>
      %dma_start3A_22 = arith.constant 0 : i32
      %dma_start3A_23 = arith.constant 0 : i32
      %dma_start3A_24 = tpu.memref_slice %arg2[%dma_start3A_22, %dma_start3A_23] : memref<10240x128xf32, #tpu.memory_space<hbm>> -> memref<10240x128xf32, #tpu.memory_space<hbm>>
      tpu.enqueue_indirect_dma source(%dma_start3A_24 : memref<10240x128xf32, #tpu.memory_space<hbm>>) target(%arg10 : memref<128x128xf32, #tpu.memory_space<vmem>>) offsets(%dma_start3A_21 : memref<128xi32, #tpu.memory_space<vmem>>) semaphore(%arg13 : memref<!tpu.dma_semaphore, #tpu.memory_space<semaphore_mem>>)
      %scan3A = arith.constant 0 : i32
      %scan3A_25 = arith.constant 0 : i32
      %scan3A_26 = arith.constant 20 : i32
      %scan3A_27 = arith.addi %scan3A_25, %scan3A_26 : i32
      %scan3A_28 = arith.constant 1 : i32
      scf.for %scan3A_30 = %scan3A_25 to %scan3A_27 step %scan3A_28  : i32 {
        %mul3A_31 = arith.constant 2 : i32
        %mul3A_32 = arith.muli %mul3A_31, %scan3A_30 : i32
        %mul3A_33 = arith.constant 2 : i32
        %mul3A_34 = arith.muli %mul3A_33, %scan3A_30 : i32
        %add3A_35 = arith.constant 1 : i32
        %add3A_36 = arith.addi %mul3A_34, %add3A_35 : i32
        %add3A_37 = arith.addi %add3A_10, %add3A_36 : i32
        %dma_start3A_38 = arith.constant 0 : i32
        %dma_start3A_39 = tpu.memref_slice %arg4[%add3A_37, %dma_start3A_38] : memref<2560x128xi32, #tpu.memory_space<hbm>> -> memref<1x128xi32, #tpu.memory_space<hbm>>
        %dma_start3A_40 = tpu.memref_squeeze %dma_start3A_39 : memref<1x128xi32, #tpu.memory_space<hbm>> -> memref<128xi32, #tpu.memory_space<hbm>>
        %dma_start3A_41 = arith.constant 0 : i32
        %dma_start3A_42 = tpu.memref_slice %arg4[%add3A_37, %dma_start3A_41] : memref<2560x128xi32, #tpu.memory_space<hbm>> -> memref<1x128xi32, #tpu.memory_space<hbm>>
        %dma_start3A_43 = tpu.memref_squeeze %dma_start3A_42 : memref<1x128xi32, #tpu.memory_space<hbm>> -> memref<128xi32, #tpu.memory_space<hbm>>
        tpu.enqueue_dma source(%dma_start3A_43 : memref<128xi32, #tpu.memory_space<hbm>>) target(%arg9 : memref<128xi32, #tpu.memory_space<vmem>>) target_semaphore(%arg14 : memref<!tpu.dma_semaphore, #tpu.memory_space<semaphore_mem>>)
        %dma_start3A_44 = arith.constant 0 : i32
        %dma_start3A_45 = tpu.memref_slice %arg7[%add3A_36, %dma_start3A_44] : memref<120x128xi32, #tpu.memory_space<vmem>> -> memref<1x128xi32, #tpu.memory_space<vmem>>
        %dma_start3A_46 = tpu.memref_squeeze %dma_start3A_45 : memref<1x128xi32, #tpu.memory_space<vmem>> -> memref<128xi32, #tpu.memory_space<vmem>>
        %dma_start3A_47 = arith.constant 0 : i32
        %dma_start3A_48 = arith.constant 0 : i32
        %dma_start3A_49 = tpu.memref_slice %arg2[%dma_start3A_47, %dma_start3A_48] : memref<10240x128xf32, #tpu.memory_space<hbm>> -> memref<10240x128xf32, #tpu.memory_space<hbm>>
        tpu.enqueue_indirect_dma source(%dma_start3A_49 : memref<10240x128xf32, #tpu.memory_space<hbm>>) target(%arg11 : memref<128x128xf32, #tpu.memory_space<vmem>>) offsets(%dma_start3A_46 : memref<128xi32, #tpu.memory_space<vmem>>) semaphore(%arg14 : memref<!tpu.dma_semaphore, #tpu.memory_space<semaphore_mem>>)
        %add3A_50 = arith.addi %add3A_10, %mul3A_32 : i32
        %dma_wait3A = arith.constant 0 : i32
        %dma_wait3A_51 = tpu.memref_slice %arg4[%add3A_50, %dma_wait3A] : memref<2560x128xi32, #tpu.memory_space<hbm>> -> memref<1x128xi32, #tpu.memory_space<hbm>>
        %dma_wait3A_52 = tpu.memref_squeeze %dma_wait3A_51 : memref<1x128xi32, #tpu.memory_space<hbm>> -> memref<128xi32, #tpu.memory_space<hbm>>
        %dma_wait3A_53 = arith.constant 0 : i32
        %dma_wait3A_54 = tpu.memref_slice %arg4[%add3A_50, %dma_wait3A_53] : memref<2560x128xi32, #tpu.memory_space<hbm>> -> memref<1x128xi32, #tpu.memory_space<hbm>>
        %dma_wait3A_55 = tpu.memref_squeeze %dma_wait3A_54 : memref<1x128xi32, #tpu.memory_space<hbm>> -> memref<128xi32, #tpu.memory_space<hbm>>
        tpu.wait_dma2 semaphore(%arg13 : memref<!tpu.dma_semaphore, #tpu.memory_space<semaphore_mem>>) src(%dma_wait3A_55 : memref<128xi32, #tpu.memory_space<hbm>>) dst(%arg8 : memref<128xi32, #tpu.memory_space<vmem>>)
        %dma_wait3A_56 = arith.constant 0 : i32
        %dma_wait3A_57 = tpu.memref_slice %arg7[%mul3A_32, %dma_wait3A_56] : memref<120x128xi32, #tpu.memory_space<vmem>> -> memref<1x128xi32, #tpu.memory_space<vmem>>
        %dma_wait3A_58 = tpu.memref_squeeze %dma_wait3A_57 : memref<1x128xi32, #tpu.memory_space<vmem>> -> memref<128xi32, #tpu.memory_space<vmem>>
        %dma_wait3A_59 = arith.constant 0 : i32
        %dma_wait3A_60 = arith.constant 0 : i32
        %dma_wait3A_61 = tpu.memref_slice %arg2[%dma_wait3A_59, %dma_wait3A_60] : memref<10240x128xf32, #tpu.memory_space<hbm>> -> memref<10240x128xf32, #tpu.memory_space<hbm>>
        tpu.wait_indirect_dma semaphore(%arg13 : memref<!tpu.dma_semaphore, #tpu.memory_space<semaphore_mem>>) src(%dma_wait3A_61 : memref<10240x128xf32, #tpu.memory_space<hbm>>) dst(%arg10 : memref<128x128xf32, #tpu.memory_space<vmem>>)
        "tpu.region"() ({
          %run_scoped3A = tpu.sem_alloc : memref<!tpu.dma_semaphore, #tpu.memory_space<semaphore_mem>>
          %dma_start3A_81 = arith.constant 0 : i32
          %dma_start3A_82 = arith.constant 0 : i32
          %dma_start3A_83 = tpu.memref_slice %arg12[%dma_start3A_81, %dma_start3A_82] : memref<10240x128xf32, #tpu.memory_space<vmem_shared>> -> memref<10240x128xf32, #tpu.memory_space<vmem_shared>>
          tpu.enqueue_indirect_dma source(%arg10 : memref<128x128xf32, #tpu.memory_space<vmem>>) target(%dma_start3A_83 : memref<10240x128xf32, #tpu.memory_space<vmem_shared>>) offsets(%arg8 : memref<128xi32, #tpu.memory_space<vmem>>) semaphore(%run_scoped3A : memref<!tpu.dma_semaphore, #tpu.memory_space<semaphore_mem>>) {add = true}
          %dma_wait3A_84 = arith.constant 0 : i32
          %dma_wait3A_85 = arith.constant 0 : i32
          %dma_wait3A_86 = tpu.memref_slice %arg12[%dma_wait3A_84, %dma_wait3A_85] : memref<10240x128xf32, #tpu.memory_space<vmem_shared>> -> memref<10240x128xf32, #tpu.memory_space<vmem_shared>>
          tpu.wait_indirect_dma semaphore(%run_scoped3A : memref<!tpu.dma_semaphore, #tpu.memory_space<semaphore_mem>>) src(%arg10 : memref<128x128xf32, #tpu.memory_space<vmem>>) dst(%dma_wait3A_86 : memref<10240x128xf32, #tpu.memory_space<vmem_shared>>)
          tpu.yield
        }) : () -> ()
        %add3A_62 = arith.constant 1 : i32
        %add3A_63 = arith.addi %add3A_36, %add3A_62 : i32
        %lt3A = arith.constant 40 : i32
        %lt3A_64 = arith.cmpi slt, %add3A_63, %lt3A : i32
        %convert_element_type3A_65 = arith.extui %lt3A_64 : i1 to i32
        %cond3A_66 = arith.constant 0 : i32
        %cond3A_67 = arith.cmpi ne, %convert_element_type3A_65, %cond3A_66 : i32
        scf.if %cond3A_67 {
          %add3A_81 = arith.constant 1 : i32
          %add3A_82 = arith.addi %add3A_36, %add3A_81 : i32
          %add3A_83 = arith.addi %add3A_10, %add3A_82 : i32
          %dma_start3A_84 = arith.constant 0 : i32
          %dma_start3A_85 = tpu.memref_slice %arg4[%add3A_83, %dma_start3A_84] : memref<2560x128xi32, #tpu.memory_space<hbm>> -> memref<1x128xi32, #tpu.memory_space<hbm>>
          %dma_start3A_86 = tpu.memref_squeeze %dma_start3A_85 : memref<1x128xi32, #tpu.memory_space<hbm>> -> memref<128xi32, #tpu.memory_space<hbm>>
          %dma_start3A_87 = arith.constant 0 : i32
          %dma_start3A_88 = tpu.memref_slice %arg4[%add3A_83, %dma_start3A_87] : memref<2560x128xi32, #tpu.memory_space<hbm>> -> memref<1x128xi32, #tpu.memory_space<hbm>>
          %dma_start3A_89 = tpu.memref_squeeze %dma_start3A_88 : memref<1x128xi32, #tpu.memory_space<hbm>> -> memref<128xi32, #tpu.memory_space<hbm>>
          tpu.enqueue_dma source(%dma_start3A_89 : memref<128xi32, #tpu.memory_space<hbm>>) target(%arg8 : memref<128xi32, #tpu.memory_space<vmem>>) target_semaphore(%arg13 : memref<!tpu.dma_semaphore, #tpu.memory_space<semaphore_mem>>)
          %dma_start3A_90 = arith.constant 0 : i32
          %dma_start3A_91 = tpu.memref_slice %arg7[%add3A_82, %dma_start3A_90] : memref<120x128xi32, #tpu.memory_space<vmem>> -> memref<1x128xi32, #tpu.memory_space<vmem>>
          %dma_start3A_92 = tpu.memref_squeeze %dma_start3A_91 : memref<1x128xi32, #tpu.memory_space<vmem>> -> memref<128xi32, #tpu.memory_space<vmem>>
          %dma_start3A_93 = arith.constant 0 : i32
          %dma_start3A_94 = arith.constant 0 : i32
          %dma_start3A_95 = tpu.memref_slice %arg2[%dma_start3A_93, %dma_start3A_94] : memref<10240x128xf32, #tpu.memory_space<hbm>> -> memref<10240x128xf32, #tpu.memory_space<hbm>>
          tpu.enqueue_indirect_dma source(%dma_start3A_95 : memref<10240x128xf32, #tpu.memory_space<hbm>>) target(%arg10 : memref<128x128xf32, #tpu.memory_space<vmem>>) offsets(%dma_start3A_92 : memref<128xi32, #tpu.memory_space<vmem>>) semaphore(%arg13 : memref<!tpu.dma_semaphore, #tpu.memory_space<semaphore_mem>>)
        } else {
        }
        %add3A_68 = arith.addi %add3A_10, %add3A_36 : i32
        %dma_wait3A_69 = arith.constant 0 : i32
        %dma_wait3A_70 = tpu.memref_slice %arg4[%add3A_68, %dma_wait3A_69] : memref<2560x128xi32, #tpu.memory_space<hbm>> -> memref<1x128xi32, #tpu.memory_space<hbm>>
        %dma_wait3A_71 = tpu.memref_squeeze %dma_wait3A_70 : memref<1x128xi32, #tpu.memory_space<hbm>> -> memref<128xi32, #tpu.memory_space<hbm>>
        %dma_wait3A_72 = arith.constant 0 : i32
        %dma_wait3A_73 = tpu.memref_slice %arg4[%add3A_68, %dma_wait3A_72] : memref<2560x128xi32, #tpu.memory_space<hbm>> -> memref<1x128xi32, #tpu.memory_space<hbm>>
        %dma_wait3A_74 = tpu.memref_squeeze %dma_wait3A_73 : memref<1x128xi32, #tpu.memory_space<hbm>> -> memref<128xi32, #tpu.memory_space<hbm>>
        tpu.wait_dma2 semaphore(%arg14 : memref<!tpu.dma_semaphore, #tpu.memory_space<semaphore_mem>>) src(%dma_wait3A_74 : memref<128xi32, #tpu.memory_space<hbm>>) dst(%arg9 : memref<128xi32, #tpu.memory_space<vmem>>)
        %dma_wait3A_75 = arith.constant 0 : i32
        %dma_wait3A_76 = tpu.memref_slice %arg7[%add3A_36, %dma_wait3A_75] : memref<120x128xi32, #tpu.memory_space<vmem>> -> memref<1x128xi32, #tpu.memory_space<vmem>>
        %dma_wait3A_77 = tpu.memref_squeeze %dma_wait3A_76 : memref<1x128xi32, #tpu.memory_space<vmem>> -> memref<128xi32, #tpu.memory_space<vmem>>
        %dma_wait3A_78 = arith.constant 0 : i32
        %dma_wait3A_79 = arith.constant 0 : i32
        %dma_wait3A_80 = tpu.memref_slice %arg2[%dma_wait3A_78, %dma_wait3A_79] : memref<10240x128xf32, #tpu.memory_space<hbm>> -> memref<10240x128xf32, #tpu.memory_space<hbm>>
        tpu.wait_indirect_dma semaphore(%arg14 : memref<!tpu.dma_semaphore, #tpu.memory_space<semaphore_mem>>) src(%dma_wait3A_80 : memref<10240x128xf32, #tpu.memory_space<hbm>>) dst(%arg11 : memref<128x128xf32, #tpu.memory_space<vmem>>)
        "tpu.region"() ({
          %run_scoped3A = tpu.sem_alloc : memref<!tpu.dma_semaphore, #tpu.memory_space<semaphore_mem>>
          %dma_start3A_81 = arith.constant 0 : i32
          %dma_start3A_82 = arith.constant 0 : i32
          %dma_start3A_83 = tpu.memref_slice %arg12[%dma_start3A_81, %dma_start3A_82] : memref<10240x128xf32, #tpu.memory_space<vmem_shared>> -> memref<10240x128xf32, #tpu.memory_space<vmem_shared>>
          tpu.enqueue_indirect_dma source(%arg11 : memref<128x128xf32, #tpu.memory_space<vmem>>) target(%dma_start3A_83 : memref<10240x128xf32, #tpu.memory_space<vmem_shared>>) offsets(%arg9 : memref<128xi32, #tpu.memory_space<vmem>>) semaphore(%run_scoped3A : memref<!tpu.dma_semaphore, #tpu.memory_space<semaphore_mem>>) {add = true}
          %dma_wait3A_84 = arith.constant 0 : i32
          %dma_wait3A_85 = arith.constant 0 : i32
          %dma_wait3A_86 = tpu.memref_slice %arg12[%dma_wait3A_84, %dma_wait3A_85] : memref<10240x128xf32, #tpu.memory_space<vmem_shared>> -> memref<10240x128xf32, #tpu.memory_space<vmem_shared>>
          tpu.wait_indirect_dma semaphore(%run_scoped3A : memref<!tpu.dma_semaphore, #tpu.memory_space<semaphore_mem>>) src(%arg11 : memref<128x128xf32, #tpu.memory_space<vmem>>) dst(%dma_wait3A_86 : memref<10240x128xf32, #tpu.memory_space<vmem_shared>>)
          tpu.yield
        }) : () -> ()
      }
      %scan3A_29 = arith.constant 20 : i32
    } else {
    }
    %barrier3A_7 = arith.constant 0 : index
    tpu.barrier barrier_id(%barrier3A_7)
    "tpu.region"() ({
      %run_scoped3A = tpu.sem_alloc : memref<!tpu.dma_semaphore, #tpu.memory_space<semaphore_mem>>
      %dma_start3A = arith.constant 0 : i32
      %dma_start3A_8 = tpu.memref_slice %arg6[%arg0, %mul3A_0, %dma_start3A] : memref<2x10240x128xf32, #tpu.memory_space<hbm>> -> memref<1x640x128xf32, #tpu.memory_space<hbm>>
      %dma_start3A_9 = tpu.memref_squeeze %dma_start3A_8 : memref<1x640x128xf32, #tpu.memory_space<hbm>> -> memref<640x128xf32, #tpu.memory_space<hbm>>
      %dma_start3A_10 = arith.constant 0 : i32
      %dma_start3A_11 = tpu.memref_slice %arg12[%mul3A_0, %dma_start3A_10] : memref<10240x128xf32, #tpu.memory_space<vmem_shared>> -> memref<640x128xf32, #tpu.memory_space<vmem_shared>>
      tpu.enqueue_dma source(%dma_start3A_11 : memref<640x128xf32, #tpu.memory_space<vmem_shared>>) target(%dma_start3A_9 : memref<640x128xf32, #tpu.memory_space<hbm>>) target_semaphore(%run_scoped3A : memref<!tpu.dma_semaphore, #tpu.memory_space<semaphore_mem>>)
      %dma_wait3A = arith.constant 0 : i32
      %dma_wait3A_12 = tpu.memref_slice %arg6[%arg0, %mul3A_0, %dma_wait3A] : memref<2x10240x128xf32, #tpu.memory_space<hbm>> -> memref<1x640x128xf32, #tpu.memory_space<hbm>>
      %dma_wait3A_13 = tpu.memref_squeeze %dma_wait3A_12 : memref<1x640x128xf32, #tpu.memory_space<hbm>> -> memref<640x128xf32, #tpu.memory_space<hbm>>
      %dma_wait3A_14 = arith.constant 0 : i32
      %dma_wait3A_15 = tpu.memref_slice %arg12[%mul3A_0, %dma_wait3A_14] : memref<10240x128xf32, #tpu.memory_space<vmem_shared>> -> memref<640x128xf32, #tpu.memory_space<vmem_shared>>
      tpu.wait_dma2 semaphore(%run_scoped3A : memref<!tpu.dma_semaphore, #tpu.memory_space<semaphore_mem>>) src(%dma_wait3A_15 : memref<640x128xf32, #tpu.memory_space<vmem_shared>>) dst(%dma_wait3A_13 : memref<640x128xf32, #tpu.memory_space<hbm>>)
      tpu.yield
    }) : () -> ()
    return
  }
}

module attributes {stable_mosaic.version = 14 : i64} {
  func.func @_mm1_body(%arg0: i32, %arg1: memref<2x512xf32, #tpu.memory_space<vmem>>, %arg2: memref<512x128xf32, #tpu.memory_space<vmem>>, %arg3: memref<128x128xf32, #tpu.memory_space<vmem>>, %arg4: memref<512x128xf32, #tpu.memory_space<vmem>>) attributes {dimension_semantics = [#tpu.dimension_semantics<arbitrary>], iteration_bounds = array<i64: 20>, scalar_prefetch = 0 : i64, scratch_operands = 0 : i64, tpu.core_type = #tpu.core_type<tc>, window_params = [{transform_indices = @transform_0, window_bounds = array<i64: 2, 512>}, {transform_indices = @transform_1, window_bounds = array<i64: 512, 128>}, {pipeline_mode = #tpu.pipeline_mode<synchronous>, transform_indices = @transform_2, window_bounds = array<i64: 128, 128>}, {transform_indices = @transform_3, window_bounds = array<i64: 512, 128>}]} {
    %get3A = arith.constant 0 : index
    %get3A_0 = arith.constant 0 : index
    %get3A_1 = vector.load %arg1[%get3A, %get3A_0] : memref<2x512xf32, #tpu.memory_space<vmem>>, vector<1x512xf32>
    %get3A_2 = vector.shape_cast %get3A_1 : vector<1x512xf32> to vector<512xf32>
    %get3A_3 = arith.constant 1 : index
    %get3A_4 = arith.constant 0 : index
    %get3A_5 = vector.load %arg1[%get3A_3, %get3A_4] : memref<2x512xf32, #tpu.memory_space<vmem>>, vector<1x512xf32>
    %get3A_6 = vector.shape_cast %get3A_5 : vector<1x512xf32> to vector<512xf32>
    %add3A = arith.addf %get3A_2, %get3A_6 : vector<512xf32>
    %add3A_7 = arith.constant 1.000000e+00 : f32
    %add3A_8 = vector.broadcast %add3A_7 : f32 to vector<512xf32>
    %add3A_9 = arith.addf %add3A, %add3A_8 : vector<512xf32>
    %max3A = arith.constant 9.99999996E-13 : f32
    %max3A_10 = vector.broadcast %max3A : f32 to vector<512xf32>
    %max3A_11 = arith.maximumf %add3A_9, %max3A_10 : vector<512xf32>
    %rsqrt3A = math.rsqrt %max3A_11 : vector<512xf32>
    %get3A_12 = arith.constant 0 : index
    %get3A_13 = arith.constant 0 : index
    %get3A_14 = vector.load %arg2[%get3A_12, %get3A_13] : memref<512x128xf32, #tpu.memory_space<vmem>>, vector<512x128xf32>
    %get3A_15 = arith.constant 0 : index
    %get3A_16 = arith.constant 0 : index
    %get3A_17 = vector.load %arg3[%get3A_15, %get3A_16] : memref<128x128xf32, #tpu.memory_space<vmem>>, vector<128x128xf32>
    %dot_general3A = arith.constant dense<0.000000e+00> : vector<512x128xf32>
    %dot_general3A_18 = tpu.matmul %get3A_14, %get3A_17, %dot_general3A {dimension_numbers = #tpu.dot_dimension_numbers<[1], [0], [0], [1], [0, 0, 1, 1], [], []>, transpose_lhs_hint = false} : vector<512x128xf32>, vector<128x128xf32>, vector<512x128xf32> -> vector<512x128xf32>
    %broadcast_in_dim3A = vector.shape_cast %rsqrt3A : vector<512xf32> to vector<512x1xf32>
    %mul3A = vector.broadcast %broadcast_in_dim3A : vector<512x1xf32> to vector<512x128xf32>
    %mul3A_19 = arith.mulf %dot_general3A_18, %mul3A : vector<512x128xf32>
    %swap3A = arith.constant 0 : index
    %swap3A_20 = arith.constant 0 : index
    %swap3A_21 = vector.load %arg4[%swap3A, %swap3A_20] : memref<512x128xf32, #tpu.memory_space<vmem>>, vector<512x128xf32>
    tpu.vector_store %arg4[%swap3A, %swap3A_20], %mul3A_19 {strides = array<i32>} : memref<512x128xf32, #tpu.memory_space<vmem>>, vector<512x128xf32>,
    return
  }
  func.func @transform_0(%arg0: i32) -> (i32, i32) {
    %c0_i32 = arith.constant 0 : i32
    %c0_i32_0 = arith.constant 0 : i32
    return %c0_i32, %arg0 : i32, i32
  }
  func.func @transform_1(%arg0: i32) -> (i32, i32) {
    %c0_i32 = arith.constant 0 : i32
    %c0_i32_0 = arith.constant 0 : i32
    return %arg0, %c0_i32 : i32, i32
  }
  func.func @transform_2(%arg0: i32) -> (i32, i32) {
    %c0_i32 = arith.constant 0 : i32
    %c0_i32_0 = arith.constant 0 : i32
    %c0_i32_1 = arith.constant 0 : i32
    return %c0_i32, %c0_i32_0 : i32, i32
  }
  func.func @transform_3(%arg0: i32) -> (i32, i32) {
    %c0_i32 = arith.constant 0 : i32
    %c0_i32_0 = arith.constant 0 : i32
    return %arg0, %c0_i32 : i32, i32
  }
}

module attributes {stable_mosaic.version = 14 : i64} {
  func.func @_mm2_body(%arg0: i32, %arg1: memref<2x512xf32, #tpu.memory_space<vmem>>, %arg2: memref<2x512x128xf32, #tpu.memory_space<vmem>>, %arg3: memref<512x128xf32, #tpu.memory_space<vmem>>, %arg4: memref<1x128xf32, #tpu.memory_space<vmem>>, %arg5: memref<128x128xf32, #tpu.memory_space<vmem>>, %arg6: memref<512x128xf32, #tpu.memory_space<vmem>>) attributes {dimension_semantics = [#tpu.dimension_semantics<arbitrary>], iteration_bounds = array<i64: 20>, scalar_prefetch = 0 : i64, scratch_operands = 0 : i64, tpu.core_type = #tpu.core_type<tc>, window_params = [{transform_indices = @transform_0, window_bounds = array<i64: 2, 512>}, {transform_indices = @transform_1, window_bounds = array<i64: 2, 512, 128>}, {transform_indices = @transform_2, window_bounds = array<i64: 512, 128>}, {pipeline_mode = #tpu.pipeline_mode<synchronous>, transform_indices = @transform_3, window_bounds = array<i64: 1, 128>}, {pipeline_mode = #tpu.pipeline_mode<synchronous>, transform_indices = @transform_4, window_bounds = array<i64: 128, 128>}, {transform_indices = @transform_5, window_bounds = array<i64: 512, 128>}]} {
    %get3A = arith.constant 0 : index
    %get3A_0 = arith.constant 0 : index
    %get3A_1 = vector.load %arg1[%get3A, %get3A_0] : memref<2x512xf32, #tpu.memory_space<vmem>>, vector<1x512xf32>
    %get3A_2 = vector.shape_cast %get3A_1 : vector<1x512xf32> to vector<512xf32>
    %get3A_3 = arith.constant 1 : index
    %get3A_4 = arith.constant 0 : index
    %get3A_5 = vector.load %arg1[%get3A_3, %get3A_4] : memref<2x512xf32, #tpu.memory_space<vmem>>, vector<1x512xf32>
    %get3A_6 = vector.shape_cast %get3A_5 : vector<1x512xf32> to vector<512xf32>
    %add3A = arith.addf %get3A_2, %get3A_6 : vector<512xf32>
    %add3A_7 = arith.constant 1.000000e+00 : f32
    %add3A_8 = vector.broadcast %add3A_7 : f32 to vector<512xf32>
    %add3A_9 = arith.addf %add3A, %add3A_8 : vector<512xf32>
    %max3A = arith.constant 9.99999996E-13 : f32
    %max3A_10 = vector.broadcast %max3A : f32 to vector<512xf32>
    %max3A_11 = arith.maximumf %add3A_9, %max3A_10 : vector<512xf32>
    %rsqrt3A = math.rsqrt %max3A_11 : vector<512xf32>
    %get3A_12 = arith.constant 0 : index
    %get3A_13 = arith.constant 0 : index
    %get3A_14 = arith.constant 0 : index
    %get3A_15 = vector.load %arg2[%get3A_12, %get3A_13, %get3A_14] : memref<2x512x128xf32, #tpu.memory_space<vmem>>, vector<1x512x128xf32>
    %get3A_16 = vector.shape_cast %get3A_15 : vector<1x512x128xf32> to vector<512x128xf32>
    %get3A_17 = arith.constant 1 : index
    %get3A_18 = arith.constant 0 : index
    %get3A_19 = arith.constant 0 : index
    %get3A_20 = vector.load %arg2[%get3A_17, %get3A_18, %get3A_19] : memref<2x512x128xf32, #tpu.memory_space<vmem>>, vector<1x512x128xf32>
    %get3A_21 = vector.shape_cast %get3A_20 : vector<1x512x128xf32> to vector<512x128xf32>
    %add3A_22 = arith.addf %get3A_16, %get3A_21 : vector<512x128xf32>
    %get3A_23 = arith.constant 0 : index
    %get3A_24 = arith.constant 0 : index
    %get3A_25 = vector.load %arg3[%get3A_23, %get3A_24] : memref<512x128xf32, #tpu.memory_space<vmem>>, vector<512x128xf32>
    %add3A_26 = arith.addf %add3A_22, %get3A_25 : vector<512x128xf32>
    %broadcast_in_dim3A = vector.shape_cast %rsqrt3A : vector<512xf32> to vector<512x1xf32>
    %mul3A = vector.broadcast %broadcast_in_dim3A : vector<512x1xf32> to vector<512x128xf32>
    %mul3A_27 = arith.mulf %add3A_26, %mul3A : vector<512x128xf32>
    %get3A_28 = arith.constant 0 : index
    %get3A_29 = arith.constant 0 : index
    %get3A_30 = vector.load %arg4[%get3A_28, %get3A_29] : memref<1x128xf32, #tpu.memory_space<vmem>>, vector<1x128xf32>
    %add3A_31 = vector.broadcast %get3A_30 : vector<1x128xf32> to vector<512x128xf32>
    %add3A_32 = arith.addf %mul3A_27, %add3A_31 : vector<512x128xf32>
    %max3A_33 = arith.constant 0.000000e+00 : f32
    %max3A_34 = vector.broadcast %max3A_33 : f32 to vector<512x128xf32>
    %max3A_35 = arith.maximumf %add3A_32, %max3A_34 : vector<512x128xf32>
    %get3A_36 = arith.constant 0 : index
    %get3A_37 = arith.constant 0 : index
    %get3A_38 = vector.load %arg5[%get3A_36, %get3A_37] : memref<128x128xf32, #tpu.memory_space<vmem>>, vector<128x128xf32>
    %dot_general3A = arith.constant dense<0.000000e+00> : vector<512x128xf32>
    %dot_general3A_39 = tpu.matmul %max3A_35, %get3A_38, %dot_general3A {dimension_numbers = #tpu.dot_dimension_numbers<[1], [0], [0], [1], [0, 0, 1, 1], [], []>, transpose_lhs_hint = false} : vector<512x128xf32>, vector<128x128xf32>, vector<512x128xf32> -> vector<512x128xf32>
    %broadcast_in_dim3A_40 = vector.shape_cast %rsqrt3A : vector<512xf32> to vector<512x1xf32>
    %mul3A_41 = vector.broadcast %broadcast_in_dim3A_40 : vector<512x1xf32> to vector<512x128xf32>
    %mul3A_42 = arith.mulf %dot_general3A_39, %mul3A_41 : vector<512x128xf32>
    %swap3A = arith.constant 0 : index
    %swap3A_43 = arith.constant 0 : index
    %swap3A_44 = vector.load %arg6[%swap3A, %swap3A_43] : memref<512x128xf32, #tpu.memory_space<vmem>>, vector<512x128xf32>
    tpu.vector_store %arg6[%swap3A, %swap3A_43], %mul3A_42 {strides = array<i32>} : memref<512x128xf32, #tpu.memory_space<vmem>>, vector<512x128xf32>,
    return
  }
  func.func @transform_0(%arg0: i32) -> (i32, i32) {
    %c0_i32 = arith.constant 0 : i32
    %c0_i32_0 = arith.constant 0 : i32
    return %c0_i32, %arg0 : i32, i32
  }
  func.func @transform_1(%arg0: i32) -> (i32, i32, i32) {
    %c0_i32 = arith.constant 0 : i32
    %c0_i32_0 = arith.constant 0 : i32
    %c0_i32_1 = arith.constant 0 : i32
    return %c0_i32, %arg0, %c0_i32_0 : i32, i32, i32
  }
  func.func @transform_2(%arg0: i32) -> (i32, i32) {
    %c0_i32 = arith.constant 0 : i32
    %c0_i32_0 = arith.constant 0 : i32
    return %arg0, %c0_i32 : i32, i32
  }
  func.func @transform_3(%arg0: i32) -> (i32, i32) {
    %c0_i32 = arith.constant 0 : i32
    %c0_i32_0 = arith.constant 0 : i32
    %c0_i32_1 = arith.constant 0 : i32
    return %c0_i32, %c0_i32_0 : i32, i32
  }
  func.func @transform_4(%arg0: i32) -> (i32, i32) {
    %c0_i32 = arith.constant 0 : i32
    %c0_i32_0 = arith.constant 0 : i32
    %c0_i32_1 = arith.constant 0 : i32
    return %c0_i32, %c0_i32_0 : i32, i32
  }
  func.func @transform_5(%arg0: i32) -> (i32, i32) {
    %c0_i32 = arith.constant 0 : i32
    %c0_i32_0 = arith.constant 0 : i32
    return %arg0, %c0_i32 : i32, i32
  }
}

module attributes {stable_mosaic.version = 14 : i64} {
  func.func @_fin_body(%arg0: i32, %arg1: memref<2x512xf32, #tpu.memory_space<vmem>>, %arg2: memref<2x512x128xf32, #tpu.memory_space<vmem>>, %arg3: memref<512x128xf32, #tpu.memory_space<vmem>>, %arg4: memref<1x128xf32, #tpu.memory_space<vmem>>, %arg5: memref<512x128xf32, #tpu.memory_space<vmem>>) attributes {dimension_semantics = [#tpu.dimension_semantics<arbitrary>], iteration_bounds = array<i64: 20>, scalar_prefetch = 0 : i64, scratch_operands = 0 : i64, tpu.core_type = #tpu.core_type<tc>, window_params = [{transform_indices = @transform_0, window_bounds = array<i64: 2, 512>}, {transform_indices = @transform_1, window_bounds = array<i64: 2, 512, 128>}, {transform_indices = @transform_2, window_bounds = array<i64: 512, 128>}, {pipeline_mode = #tpu.pipeline_mode<synchronous>, transform_indices = @transform_3, window_bounds = array<i64: 1, 128>}, {transform_indices = @transform_4, window_bounds = array<i64: 512, 128>}]} {
    %get3A = arith.constant 0 : index
    %get3A_0 = arith.constant 0 : index
    %get3A_1 = vector.load %arg1[%get3A, %get3A_0] : memref<2x512xf32, #tpu.memory_space<vmem>>, vector<1x512xf32>
    %get3A_2 = vector.shape_cast %get3A_1 : vector<1x512xf32> to vector<512xf32>
    %get3A_3 = arith.constant 1 : index
    %get3A_4 = arith.constant 0 : index
    %get3A_5 = vector.load %arg1[%get3A_3, %get3A_4] : memref<2x512xf32, #tpu.memory_space<vmem>>, vector<1x512xf32>
    %get3A_6 = vector.shape_cast %get3A_5 : vector<1x512xf32> to vector<512xf32>
    %add3A = arith.addf %get3A_2, %get3A_6 : vector<512xf32>
    %add3A_7 = arith.constant 1.000000e+00 : f32
    %add3A_8 = vector.broadcast %add3A_7 : f32 to vector<512xf32>
    %add3A_9 = arith.addf %add3A, %add3A_8 : vector<512xf32>
    %max3A = arith.constant 9.99999996E-13 : f32
    %max3A_10 = vector.broadcast %max3A : f32 to vector<512xf32>
    %max3A_11 = arith.maximumf %add3A_9, %max3A_10 : vector<512xf32>
    %rsqrt3A = math.rsqrt %max3A_11 : vector<512xf32>
    %get3A_12 = arith.constant 0 : index
    %get3A_13 = arith.constant 0 : index
    %get3A_14 = arith.constant 0 : index
    %get3A_15 = vector.load %arg2[%get3A_12, %get3A_13, %get3A_14] : memref<2x512x128xf32, #tpu.memory_space<vmem>>, vector<1x512x128xf32>
    %get3A_16 = vector.shape_cast %get3A_15 : vector<1x512x128xf32> to vector<512x128xf32>
    %get3A_17 = arith.constant 1 : index
    %get3A_18 = arith.constant 0 : index
    %get3A_19 = arith.constant 0 : index
    %get3A_20 = vector.load %arg2[%get3A_17, %get3A_18, %get3A_19] : memref<2x512x128xf32, #tpu.memory_space<vmem>>, vector<1x512x128xf32>
    %get3A_21 = vector.shape_cast %get3A_20 : vector<1x512x128xf32> to vector<512x128xf32>
    %add3A_22 = arith.addf %get3A_16, %get3A_21 : vector<512x128xf32>
    %get3A_23 = arith.constant 0 : index
    %get3A_24 = arith.constant 0 : index
    %get3A_25 = vector.load %arg3[%get3A_23, %get3A_24] : memref<512x128xf32, #tpu.memory_space<vmem>>, vector<512x128xf32>
    %add3A_26 = arith.addf %add3A_22, %get3A_25 : vector<512x128xf32>
    %broadcast_in_dim3A = vector.shape_cast %rsqrt3A : vector<512xf32> to vector<512x1xf32>
    %mul3A = vector.broadcast %broadcast_in_dim3A : vector<512x1xf32> to vector<512x128xf32>
    %mul3A_27 = arith.mulf %add3A_26, %mul3A : vector<512x128xf32>
    %get3A_28 = arith.constant 0 : index
    %get3A_29 = arith.constant 0 : index
    %get3A_30 = vector.load %arg4[%get3A_28, %get3A_29] : memref<1x128xf32, #tpu.memory_space<vmem>>, vector<1x128xf32>
    %add3A_31 = vector.broadcast %get3A_30 : vector<1x128xf32> to vector<512x128xf32>
    %add3A_32 = arith.addf %mul3A_27, %add3A_31 : vector<512x128xf32>
    %swap3A = arith.constant 0 : index
    %swap3A_33 = arith.constant 0 : index
    %swap3A_34 = vector.load %arg5[%swap3A, %swap3A_33] : memref<512x128xf32, #tpu.memory_space<vmem>>, vector<512x128xf32>
    tpu.vector_store %arg5[%swap3A, %swap3A_33], %add3A_32 {strides = array<i32>} : memref<512x128xf32, #tpu.memory_space<vmem>>, vector<512x128xf32>,
    return
  }
  func.func @transform_0(%arg0: i32) -> (i32, i32) {
    %c0_i32 = arith.constant 0 : i32
    %c0_i32_0 = arith.constant 0 : i32
    return %c0_i32, %arg0 : i32, i32
  }
  func.func @transform_1(%arg0: i32) -> (i32, i32, i32) {
    %c0_i32 = arith.constant 0 : i32
    %c0_i32_0 = arith.constant 0 : i32
    %c0_i32_1 = arith.constant 0 : i32
    return %c0_i32, %arg0, %c0_i32_0 : i32, i32, i32
  }
  func.func @transform_2(%arg0: i32) -> (i32, i32) {
    %c0_i32 = arith.constant 0 : i32
    %c0_i32_0 = arith.constant 0 : i32
    return %arg0, %c0_i32 : i32, i32
  }
  func.func @transform_3(%arg0: i32) -> (i32, i32) {
    %c0_i32 = arith.constant 0 : i32
    %c0_i32_0 = arith.constant 0 : i32
    %c0_i32_1 = arith.constant 0 : i32
    return %c0_i32, %c0_i32_0 : i32, i32
  }
  func.func @transform_4(%arg0: i32) -> (i32, i32) {
    %c0_i32 = arith.constant 0 : i32
    %c0_i32_0 = arith.constant 0 : i32
    return %arg0, %c0_i32 : i32, i32
  }
}

</mosaic_0001>

<sc_bundles>
// kernel: kernel.11.cloned.1.call-start
scs
__scs_entry_jumppad:
0x0: {  	(pc) =	sbr.rel $0x88, $3  }
0x1: {  	(tag) =	ssettag $0x0;
	lr =	simm.s32 $0x1  }
0x2: {  	[smem:$0x3F9B] =	sst lr;
	_ =	strace $0xD0000000  }
0x3: {  	_ = 	snop  }
0x4: {  	_ = 	snop  }
0x5: {  	_ = 	snop  }
0x6: {  	_ = 	snop  }
0x7: {  	_ = 	snop  }
__scs_overlays_trampoline_lowered:
0x8: {  	[smem:$0x3FAA] =	sst s0  }
0x9: {  	[smem:$0x3FAB] =	sst s1  }
0xa: {  	[smem:$0x3FAC] =	sst s2  }
0xb: {  	[smem:$0x3FAD] =	sst s3  }
0xc: {  	[smem:$0x3FAE] =	sst s4  }
0xd: {  	[smem:$0x3FAF] =	sst s5  }
0xe: {  	[smem:$0x3FB0] =	sst s6  }
0xf: {  	[smem:$0x3FB1] =	sst s7  }
0x10: {  	[smem:$0x3FB2] =	sst s8  }
0x11: {  	[smem:$0x3FB3] =	sst s9;
	s0 =	simm.s32 @!p0 $0x0  }
0x12: {  	s1 =	sld [smem:$0x3F99];
	s0 =	simm.s32 @p0 $0x1  }
0x13: {  	[smem:$0x3FB4] =	sst s0;
	s0 =	simm.s32 @!p1 $0x0  }
0x14: {  	s2 =	sld [smem:$0x3F98];
	s0 =	simm.s32 @p1 $0x1  }
0x15: {  	[smem:$0x3FB5] =	sst s0;
	s0 =	simm.s32 @!p2 $0x0  }
0x16: {  	s3 =	sld [smem:$0x3FDB];
	s0 =	simm.s32 @p2 $0x1  }
0x17: {  	s4 =	simm.s32 $0x1BF5;
	[smem:$0x3FB7] =	sst s0  }
0x18: {  	s0 =	sld [smem:$0x3F9A];
	_ =	swait.ge [sflag:s4], $0x0  }
0x19: {  	s7 =	sld [smem:$0x3F9B]  }
0x1a: {  	s8 =	sadd.s32 $0xFFFFE003, lr  }
0x1b: {  	s9 =	sadd.s32 $0xFFFFFEF7, lr;
	s5 =	simm.s32 $0xFFFFFFFF;
	p2 =	slt.u32 s8, $0xFFFFF086  }
0x1c: {  	p1 =	slt.u32 s9, $0xF7A;
	s5 =	simm.s32 @!p2 $0x0  }
0x1d: {  	s5 =	simm.s32 @p1 $0x1;
	p0 =	seq.s32 s7, s2  }
0x1e: {  	s7 =	smul.u32 @!p0 $0xF7A, s2;
	p2 =	seq.s32 @!p0 s5, $0x0  }
0x1f: {  	s9 =	smul.u32 $0xF7A, s1;
	s8 =	simm.s32 @!p0 $0x1BF5;
	p2 =	por !p2, p0  }
0x20: {  	[sflag:s8] =	ssyncset.s32 @!p0 $0xFFFFF086;
	s6 =	sadd.s32 @!p0 s3, s7;
	s7 =	simm.s32 @!p0 $0x108  }
0x21: {  	s3 =	sadd.s32 s3, s9;
	s6 =	sadd.s32 @!p0 $0x88, s6;
	s7 =	simm.s32 @p2 $0x1082  }
0x22: {  	[simem:s7], [sflag:s8] =	dma.local @!p0 [hbm:s6], $0xF7A  }
0x23: {  	s9 =	sor.u32 $0xD0000000, s2;
	s6 =	simm.s32 $0x108;
	_ =	swait.ge @!p0 [sflag:s8], $0x0  }
0x24: {  	s3 =	sadd.s32 $0x88, s3;
	s6 =	simm.s32 @!p1 $0x1082;
	[sflag:s4] =	ssyncset.s32 $0xFFFFF086  }
0x25: {  	[simem:s6], [sflag:s4] =	dma.local [hbm:s3], $0xF7A  }
0x26: {  	[smem:$0x3F9B] =	sst s1;
	(tag) =	ssettag s2;
	_ =	strace s9  }
0x27: {  	s1 =	sld [smem:$0x3FAB]  }
0x28: {  	s2 =	sld [smem:$0x3FAC]  }
0x29: {  	s4 =	sld [smem:$0x3FAE]  }
0x2a: {  	p0 =	seq.s32 s5, $0x0;
	s5 =	sld [smem:$0x3FAF]  }
0x2b: {  	s6 =	sld [smem:$0x3FB0]  }
0x2c: {  	s7 =	sld [smem:$0x3FB1]  }
0x2d: {  	s3 =	simm.s32 $0x108;
	s8 =	sld [smem:$0x3FB2]  }
0x2e: {  	s3 =	simm.s32 @!p0 $0x1082;
	s9 =	sld [smem:$0x3FB3]  }
0x2f: {  	lr =	sadd.s32 s0, s3;
	s0 =	sld [smem:$0x3FAA]  }
0x30: {  	s3 =	sld [smem:$0x3FAD]  }
0x31: {  	[smem:$0x3FB6] =	sst s10  }
0x32: {  	s10 =	sld [smem:$0x3FB4];
	_ =	sdelay $0x3  }
0x33: {  	p0 =	seq.s32 s10, $0x1;
	s10 =	sld [smem:$0x3FB6];
	_ =	sdelay $0x3  }
0x34: {  	[smem:$0x3FB6] =	sst s10  }
0x35: {  	s10 =	sld [smem:$0x3FB5];
	_ =	sdelay $0x3  }
0x36: {  	p1 =	seq.s32 s10, $0x1;
	s10 =	sld [smem:$0x3FB6];
	_ =	sdelay $0x3  }
0x37: {  	[smem:$0x3FB6] =	sst s10  }
0x38: {  	s10 =	sld [smem:$0x3FB7]  }
0x39: {  	_ = 	snop;
	(pc) =	sbr.ind lr, $3  }
0x3a: {  	_ = 	snop  }
0x3b: {  	_ = 	snop  }
0x3c: {  	p2 =	seq.s32 s10, $0x1;
	s10 =	sld [smem:$0x3FB6]  }
0x3d: {  	_ =	shalt  }
0x3e: {  	_ =	shalt  }
0x3f: {  	_ =	shalt  }
0x40: {  	_ =	shalt  }
0x41: {  	_ =	shalt  }
0x42: {  	_ =	shalt  }
0x43: {  	_ =	shalt  }
0x44: {  	_ =	shalt  }
0x45: {  	_ =	shalt  }
0x46: {  	_ =	shalt  }
0x47: {  	_ =	shalt  }
0x48: {  	_ =	shalt  }
0x49: {  	_ =	shalt  }
0x4a: {  	_ =	shalt  }
0x4b: {  	_ =	shalt  }
0x4c: {  	_ =	shalt  }
0x4d: {  	_ =	shalt  }
0x4e: {  	_ =	shalt  }
0x4f: {  	_ =	shalt  }
0x50: {  	_ =	shalt  }
0x51: {  	_ =	shalt  }
0x52: {  	_ =	shalt  }
0x53: {  	_ =	shalt  }
0x54: {  	_ =	shalt  }
0x55: {  	_ =	shalt  }
0x56: {  	_ =	shalt  }
0x57: {  	_ =	shalt  }
0x58: {  	_ =	shalt  }
0x59: {  	_ =	shalt  }
0x5a: {  	_ =	shalt  }
0x5b: {  	_ =	shalt  }
0x5c: {  	_ =	shalt  }
0x5d: {  	_ =	shalt  }
0x5e: {  	_ =	shalt  }
0x5f: {  	_ =	shalt  }
0x60: {  	_ =	shalt  }
0x61: {  	_ =	shalt  }
0x62: {  	_ =	shalt  }
0x63: {  	_ =	shalt  }
0x64: {  	_ =	shalt  }
0x65: {  	_ =	shalt  }
0x66: {  	_ =	shalt  }
0x67: {  	_ =	shalt  }
0x68: {  	_ =	shalt  }
0x69: {  	_ =	shalt  }
0x6a: {  	_ =	shalt  }
0x6b: {  	_ =	shalt  }
0x6c: {  	_ =	shalt  }
0x6d: {  	_ =	shalt  }
0x6e: {  	_ =	shalt  }
0x6f: {  	_ =	shalt  }
0x70: {  	_ =	shalt  }
0x71: {  	_ =	shalt  }
0x72: {  	_ =	shalt  }
0x73: {  	_ =	shalt  }
0x74: {  	_ =	shalt  }
0x75: {  	_ =	shalt  }
0x76: {  	_ =	shalt  }
0x77: {  	_ =	shalt  }
0x78: {  	_ =	shalt  }
0x79: {  	_ =	shalt  }
0x7a: {  	_ =	shalt  }
0x7b: {  	_ =	shalt  }
0x7c: {  	_ =	shalt  }
0x7d: {  	_ =	shalt  }
0x7e: {  	_ =	shalt  }
0x7f: {  	_ =	shalt  }
0x80: {  	_ =	shalt  }
0x81: {  	_ =	shalt  }
0x82: {  	_ =	shalt  }
0x83: {  	_ =	shalt  }
0x84: {  	_ =	shalt  }
0x85: {  	_ =	shalt  }
0x86: {  	_ =	shalt  }
0x87: {  	_ =	shalt  }
.Lfunc_end0:
.L_simem_size_0:
called_computation.1_lowered:
.L_overlay_start_0:
0x88: {  	s2 =	sld [smem:$0x3FD9]  }
0x89: {  	s3 =	sld [smem:$0x3FFE];
	_ =	sdelay $0x1  }
0x8a: {  	s1 =	srdreg.scid  }
0x8b: {  	s0 =	sand.u32 $0x1, s1  }
0x8c: {  	s17 =	sshll.u32 s0, $0xA;
	s2 =	sadd.s32 s3, s2  }
0x8d: {  	s2 =	sadd.s32 s2, s17  }
0x8e: {  	[smem:$0x3FC2] =	sst s2  }
0x8f: {  	_ = 	snop  }
0x90: {  	s2 =	sld [smem:$0x3FD0];
	(tm) =	ssettm $0x1  }
0x91: {  	s18 =	sld [smem:$0x3FFB];
	_ =	sdelay $0x3  }
0x92: {  	_ =	strace s18  }
0x93: {  	s3 =	sld [smem:$0x3FFC];
	_ =	sdelay $0x3  }
0x94: {  	_ =	strace s3  }
0x95: {  	s3 =	sld [smem:$0x3FFD];
	_ =	sdelay $0x3  }
0x96: {  	_ =	strace s3  }
0x97: {  	_ =	strace $0x8FFFFFFF  }
0x98: {  	s19 =	sld [smem:$0x3FDB];
	_ =	sdelay $0x1  }
0x99: {  	s4 =	simm.s32 $_scs_section_size  }
0x9a: {  	s5 =	simm.s32 $_size__tile_overlayer_lowered;
	s6 =	simm.s32 $_tile_overlayer_lowered  }
0x9b: {  	s22 =	simm.s32 $0x1BFF;
	s21 =	sshll.u32 s6, $0x1;
	s3 =	sadd.s32 s4, s19  }
0x9c: {  	s7 =	simm.s32 $0x0;
	s20 =	sshll.u32 s5, $0x1;
	s5 =	sadd.s32 s21, s3  }
0x9d: {  	[timem:s7], [sflag:s22] =	dma.local [hbm:s5], s20  }
0x9e: {  	_ =	swait.ge [sflag:s22], s20  }
0x9f: {  	s4 =	ssub.s32 $0x0, s20;
	[sflag:s22] =	ssyncset.done $0x0  }
0xa0: {  	[sflag:s22] =	ssyncadd.s32 s4;
	_ =	sdelay $0x1  }
0xa1: {  	s23 =	simm.s32 $0x1B8B  }
0xa2: {  	_ =	swait.ge [sflag:s23], $0x1  }
0xa3: {  	[sflag:s23] =	ssyncset.done $0x0  }
0xa4: {  	s25 =	simm.s32 $0x1B8E;
	s24 =	sld [smem:$0x3FFE];
	[sflag:s23] =	ssyncadd.s32 $0xFFFFFFFF  }
0xa5: {  	s26 =	simm.s32 $execute0_lowered;
	[smem:$0x3FD2] =	sst s25  }
0xa6: {  	s5 =	sshll.u32 s26, $0x1;
	_ =	strace $0x80000049;
	[dreg:$0x1] =	wrdreg $0xFFFFFFFF  }
0xa7: {  	s28 =	simm.s32 $_size_execute0_lowered;
	s3 =	sadd.s32 s3, s5;
	[dreg:$0x0] =	wrdreg $0x0  }
0xa8: {  	s5 =	sshll.u32 s28, $0x1;
	[dreg:$0x2] =	wrdreg s3  }
0xa9: {  	[dreg:$0x3] =	wrdreg s5  }
0xaa: {  	[dreg:$0x4] =	wrdreg $0xC0  }
0xab: {  	_ =	task [dreg:s7], $0x5FFFF  }
0xac: {  	[dreg:$0x1] =	wrdreg $0xFFFFFFFF  }
0xad: {  	[dreg:$0x0] =	wrdreg $0x60  }
0xae: {  	[dreg:$0x2] =	wrdreg s24  }
0xaf: {  	[dreg:$0x3] =	wrdreg s2  }
0xb0: {  	[dreg:$0x4] =	wrdreg $0xBD000  }
0xb1: {  	[dreg:$0x5] =	wrdreg $0x9  }
0xb2: {  	_ =	task.clear_ibuf [dreg:s7], $0x6FFFF;
	_ =	strace $0x90000049  }
0xb3: {  	s29 =	simm.s32 $0x9;
	_ =	strace $0x8000004B  }
0xb4: {  	_ =	swait.ge [sflag:s29], $0x1  }
0xb5: {  	[sflag:s29] =	ssyncadd.s32 $0xFFFFFFFF  }
0xb6: {  	_ =	strace $0x9000004B  }
0xb7: {  	_ =	sfence  }
0xb8: {  	s30 =	sld [smem:$0x0];
	_ =	sdelay $0x2  }
0xb9: {  	s31 =	sshll.u32 s1, $0xD;
	s1 =	sshrl.u32 s1, $0x2  }
0xba: {  	s3 =	sand.u32 $0x4000, s31;
	s1 =	sadd.s32 s1, s30  }
0xbb: {  	s0 =	sor.u32 s3, s0;
	s1 =	sshll.u32 s1, $0x11  }
0xbc: {  	s0 =	sor.u32 s1, s0  }
0xbd: {  	s0 =	sadd.s32 $0x8F2B, s0  }
0xbe: {  	[sflag:s0] =	ssyncadd.remote.s32 $0x1  }
0xbf: {  	_ =	sfence.sel $0xFFFF  }
0xc0: {  	[dreg:$0x0] =	wrdreg $0xFFFFFFFF;
	(pc) =	sbr.abs _section_cstart, $3  }
0xc1: {  	[dreg:$0x1] =	wrdreg $0xFFFFFFFF  }
0xc2: {  	_ =	task.clear_ibuf [dreg:s7], $0x2FFFF;
	_ =	strace $0x9FFFFFFF  }
0xc3: {  	(tm) =	ssettm $0x7FFFFFFF  }
tec
execute0_lowered:
.L_overlay_start_1:
0x0: {  	(tag) =	ssettag $0x1  }
0x1: {  	s0 =	rddreg [dreg:$0x0]  }
0x2: {  	s1 =	rddreg [dreg:$0x1]  }
0x3: {  	s2 =	rddreg [dreg:$0x2]  }
0x4: {  	s12 =	stileid.u32;
	s4 =	srdreg.scid  }
0x5: {  	s3 =	simm.s32 $0x0;
	s19 =	simm.s32 $0x3;
	s20 =	simm.s32 $0x3C00  }
0x6: {  	s21 =	simm.s32 $0x3D00;
	s22 =	simm.s32 $0x3C80;
	s23 =	simm.s32 $0x80  }
0x7: {  	s24 =	simm.s32 $0x7D00;
	s28 =	simm.s32 $0x0;
	s6 =	smul.u32 $0x14000, s12  }
0x8: {  	s10 =	sand.u32 $0x1, s4;
	[smem:$0x7FF] =	sst s3;
	s4 =	sadd.s32 $0xC400, s0  }
0x9: {  	s5 =	sadd.s32 $0x2400, s0;
	s8 =	smul.u32 $0x50000, s12;
	s26 =	sshll.u32 s12, $0x6  }
0xa: {  	s7 =	smul.u32 $0x140000, s10;
	_ =	strace $0x8000004A;
	s25 =	ssub.s32 $0x2, s10  }
0xb: {  	p0 =	sne.s32 s10, $0x0;
	s11 =	sshrl.u32 s25, $0x1;
	s8 =	sshrl.u32 s8, $0x2  }
0xc: {  	s7 =	sadd.s32 s6, s7;
	s6 =	sshrl.u32 s6, $0x3;
	s15 =	ssub.s32 s25, s11  }
0xd: {  	s18 =	sadd.s32 s8, s2;
	s8 =	smul.u32 $0x780, s12;
	s25 =	simm.s32 $0x1  }
0xe: {  	s7 =	sshrl.u32 s7, $0x3;
	s9 =	sadd.s32 s6, s0;
	s6 =	smul.u32 $0x280, s12  }
0xf: {  	s15 =	smax.u32 s15, $0x1;
	s18 =	sshrl.u32 s18, $0x3;
	s0 =	sadd.s32 s7, s0  }
.Ltmp0:
0x10: {  	s7 =	sadd.s32 $0x34400, s9;
	s9 =	sor.u32 $0x1C03, s26;
	(pc) =	sbr.rel .LBB2_1-.Ltmp0, $4  }
0x11: {  	s12 =	sadd.s32 s1, s8;
	s13 =	sadd.s32 s5, s8;
	s29 =	sadd.s32 $0x7800, s6  }
0x12: {  	s26 =	simm.s32 $0x2;
	s31 =	sadd.s32 s6, s5;
	s30 =	sadd.s32 s1, s29  }
0x13: {  	s14 =	sadd.s32 $0x5C400, s0;
	s11 =	sadd.s32 s5, s29;
	[dreg:$0x4] =	wrdreg s30  }
0x14: {  	s17 =	sadd.s32 $0x770, s13;
	s16 =	sadd.s32 $0x7A70, s31;
	[dreg:$0x5] =	wrdreg s11  }
.LBB2_5:
0x15: {  	s1 =	sadd.s32 s1, s10;
	[sflag:s19] =	ssyncadd.s32 @p1 $0xFFFFC000  }
0x16: {  	[tilespmem:s22], [sflag:$0x2] =	stream.linear.gather [hbm4b:s1+s3], $0x80, $0x38;
	[tilespmem:$0x1FD00] =	vst v63  }
0x17: {  	_ = 	snop  }
0x18: {  	[tilespmem:s24], [sflag:$0x2] =	stream.indirect.gather [hbm4b:s4+s23], $0x80, s29, s23, $0xb8;
	[tilespmem:$0x1FD00] =	vst v63  }
0x19: {  	_ =	swait.ge [sflag:s25], $0x80  }
0x1a: {  	[sflag:s25] =	ssyncset.done $0x0  }
0x1b: {  	[sflag:s25] =	ssyncadd.s32 $0xFFFFFF80  }
0x1c: {  	_ =	swait.ge [sflag:s25], $0x4000  }
0x1d: {  	[sflag:s25] =	ssyncset.done $0x0  }
0x1e: {  	[sflag:s25] =	ssyncadd.s32 $0xFFFFC000  }
0x1f: {  	[spmem:s2] =	stream.indirect.scatter.add.f32 [tilespmem:s21], [sflag:$0x3], $0x80, s20, s23, $0xb8;
	[tilespmem:$0x1FD00] =	vst v63  }
0x20: {  	s0 =	sadd.s32 $0x20, s0;
	_ =	swait.ge [sflag:s19], $0x4000  }
0x21: {  	s30 =	sadd.s32 s5, s31;
	s0 =	sand.u32 $0xFF80, s0;
	[sflag:s19] =	ssyncset.done $0x0  }
0x22: {  	s0 =	sadd.s32 s0, s30;
	[sflag:s19] =	ssyncadd.s32 $0xFFFFC000  }
0x23: {  	[tilespmem:s20], [sflag:$0x1] =	stream.linear.gather [hbm4b:s0+s3], $0x80, $0x38;
	[tilespmem:$0x1FD00] =	vst v63  }
0x24: {  	s31 =	sadd.s32 $0x80, s29  }
0x25: {  	[tilespmem:s21], [sflag:$0x1] =	stream.indirect.gather [hbm4b:s4+s23], $0x80, s31, s23, $0xb8;
	[tilespmem:$0x1FD00] =	vst v63  }
0x26: {  	_ =	swait.ge [sflag:s26], $0x80  }
0x27: {  	[sflag:s26] =	ssyncset.done $0x0  }
0x28: {  	[sflag:s26] =	ssyncadd.s32 $0xFFFFFF80  }
0x29: {  	_ =	swait.ge [sflag:s26], $0x4000  }
0x2a: {  	[sflag:s26] =	ssyncset.done $0x0  }
0x2b: {  	[sflag:s26] =	ssyncadd.s32 $0xFFFFC000  }
0x2c: {  	[spmem:s2] =	stream.indirect.scatter.add.f32 [tilespmem:s24], [sflag:$0x3], $0x80, s22, s23, $0xb8;
	[tilespmem:$0x1FD00] =	vst v63  }
0x2d: {  	_ =	swait.ge [sflag:s19], $0x4000  }
0x2e: {  	[sflag:s19] =	ssyncset.done $0x0  }
0x2f: {  	s1 =	smov.u32 s17;
	s0 =	simm.s32 $0x3B80;
	[sflag:s19] =	ssyncadd.s32 $0xFFFFC000  }
.LBB2_9:
0x30: {  	[tilespmem:s22], [sflag:$0x2] =	stream.linear.gather [hbm4b:s1+s3], $0x80, $0x38;
	[tilespmem:$0x1FD00] =	vst v63  }
0x31: {  	_ = 	snop  }
0x32: {  	[tilespmem:s24], [sflag:$0x2] =	stream.indirect.gather [hbm4b:s4+s23], $0x80, s0, s23, $0xb8;
	[tilespmem:$0x1FD00] =	vst v63  }
0x33: {  	_ =	swait.ge [sflag:s25], $0x80  }
0x34: {  	[sflag:s25] =	ssyncset.done $0x0  }
0x35: {  	[sflag:s25] =	ssyncadd.s32 $0xFFFFFF80  }
0x36: {  	_ =	swait.ge [sflag:s25], $0x4000  }
0x37: {  	[sflag:s25] =	ssyncset.done $0x0  }
0x38: {  	[sflag:s25] =	ssyncadd.s32 $0xFFFFC000  }
0x39: {  	[spmem:s2] =	stream.indirect.scatter.add.f32 [tilespmem:s21], [sflag:$0x3], $0x80, s20, s23, $0xb8;
	[tilespmem:$0x1FD00] =	vst v63  }
0x3a: {  	_ =	swait.ge [sflag:s19], $0x4000  }
0x3b: {  	[sflag:s19] =	ssyncset.done $0x0  }
0x3c: {  	[sflag:s19] =	ssyncadd.s32 $0xFFFFC000  }
0x3d: {  	_ =	swait.ge [sflag:s26], $0x80  }
0x3e: {  	[sflag:s26] =	ssyncset.done $0x0  }
0x3f: {  	[sflag:s26] =	ssyncadd.s32 $0xFFFFFF80  }
0x40: {  	_ =	swait.ge [sflag:s26], $0x4000  }
0x41: {  	[sflag:s26] =	ssyncset.done $0x0  }
0x42: {  	[sflag:s26] =	ssyncadd.s32 $0xFFFFC000  }
0x43: {  	[spmem:s2] =	stream.indirect.scatter.add.f32 [tilespmem:s24], [sflag:$0x3], $0x80, s22, s23, $0xb8;
	[tilespmem:$0x1FD00] =	vst v63  }
0x44: {  	_ =	swait.ge [sflag:s19], $0x4000  }
0x45: {  	s28 =	sadd.s32 $0x1, s28;
	[sflag:s19] =	ssyncset.done $0x0  }
0x46: {  	p1 =	sne.s32 s28, s15;
	[sflag:s19] =	ssyncadd.s32 $0xFFFFC000  }
.Ltmp1:
0x47: {  	[bflag:$0x0] =	sbarrier.arrive $0xFFFF;
	(pc) =	sbr.rel @!p1 .LBB2_10-.Ltmp1, $4  }
0x48: {  	[hbm:s14], [sflag:s9] =	dma.local [spmem:s18], $0x2800  }
0x49: {  	_ =	swait.ge [sflag:s19], $0x2800  }
0x4a: {  	[sflag:s19] =	ssyncset.done $0x0  }
0x4b: {  	[sflag:s19] =	ssyncadd.s32 $0xFFFFD800  }
.LBB2_1:
0x4c: {  	[spmem:s18], [sflag:s9] =	dma.local [hbm:s7], $0x2800  }
.Ltmp2:
0x4d: {  	_ =	swait.ge [sflag:s19], $0x2800;
	(pc) =	sbr.rel @p0 .LBB2_6-.Ltmp2, $4  }
0x4e: {  	[sflag:s19] =	ssyncset.done $0x0  }
0x4f: {  	[sflag:s19] =	ssyncadd.s32 $0xFFFFD800  }
0x50: {  	[bflag:$0x0] =	sbarrier.arrive $0xFFFF  }
0x51: {  	s0 =	simm.s32 $0x0  }
0x52: {  	[tilespmem:s0], [sflag:$0x3] =	stream.linear.gather [hbm4b:s12+s0], $0x3C00, $0x38;
	[tilespmem:$0x1FD00] =	vst v63  }
0x53: {  	_ =	swait.ge [sflag:s19], $0x3C00  }
0x54: {  	[sflag:s19] =	ssyncset.done $0x0  }
0x55: {  	p2 =	por $0x0, $0x0;
	[sflag:s19] =	ssyncadd.s32 $0xFFFFC400  }
0x56: {  	[tilespmem:s20], [sflag:$0x1] =	stream.linear.gather [hbm4b:s13+s0], $0x80, $0x38;
	[tilespmem:$0x1FD00] =	vst v63  }
.Ltmp3:
0x57: {  	_ = 	snop;
	(pc) =	sbr.rel @p2 .LBB2_5-.Ltmp3, $4  }
0x58: {  	s29 =	simm.s32 $0x80;
	s30 =	simm.s32 $0x20;
	s1 =	simm.s32 $0x10  }
0x59: {  	[tilespmem:s21], [sflag:$0x1] =	stream.indirect.gather [hbm4b:s4+s29], $0x80, s0, s29, $0xb8;
	[tilespmem:$0x1FD00] =	vst v63  }
0x5a: {  	p1 =	por $0x0, $0x0;
	s10 =	sand.u32 $0x70, s1;
	s0 =	sadd.s32 $0x0, s8  }
0x5b: {  	s31 =	sand.u32 $0x60, s30;
	s10 =	sadd.s32 s5, s10;
	s1 =	sand.u32 $0xFF80, s0  }
0x5c: {  	s1 =	sadd.s32 s1, s10  }
0x5d: {  	[tilespmem:s22], [sflag:$0x2] =	stream.linear.gather [hbm4b:s1+s3], $0x80, $0x38;
	[tilespmem:$0x1FD00] =	vst v63  }
0x5e: {  	_ = 	snop  }
0x5f: {  	[tilespmem:s24], [sflag:$0x2] =	stream.indirect.gather [hbm4b:s4+s23], $0x80, s29, s23, $0xb8;
	[tilespmem:$0x1FD00] =	vst v63  }
0x60: {  	_ =	swait.ge [sflag:s25], $0x80  }
0x61: {  	[sflag:s25] =	ssyncset.done $0x0  }
0x62: {  	[sflag:s25] =	ssyncadd.s32 $0xFFFFFF80  }
0x63: {  	_ =	swait.ge [sflag:s25], $0x4000  }
0x64: {  	[sflag:s25] =	ssyncset.done $0x0  }
0x65: {  	[sflag:s25] =	ssyncadd.s32 $0xFFFFC000  }
0x66: {  	[spmem:s2] =	stream.indirect.scatter.add.f32 [tilespmem:s21], [sflag:$0x3], $0x80, s20, s23, $0xb8;
	[tilespmem:$0x1FD00] =	vst v63  }
0x67: {  	s0 =	sadd.s32 $0x20, s0;
	_ =	swait.ge [sflag:s19], $0x4000  }
0x68: {  	s11 =	sadd.s32 s5, s31;
	s0 =	sand.u32 $0xFF80, s0;
	[sflag:s19] =	ssyncset.done $0x0  }
0x69: {  	s0 =	sadd.s32 s0, s11;
	[sflag:s19] =	ssyncadd.s32 $0xFFFFC000  }
0x6a: {  	[tilespmem:s20], [sflag:$0x1] =	stream.linear.gather [hbm4b:s0+s3], $0x80, $0x38;
	[tilespmem:$0x1FD00] =	vst v63  }
0x6b: {  	s1 =	simm.s32 $0x100  }
0x6c: {  	[tilespmem:s21], [sflag:$0x1] =	stream.indirect.gather [hbm4b:s4+s23], $0x80, s1, s23, $0xb8;
	[tilespmem:$0x1FD00] =	vst v63  }
0x6d: {  	_ =	swait.ge [sflag:s26], $0x80  }
0x6e: {  	[sflag:s26] =	ssyncset.done $0x0  }
0x6f: {  	s30 =	simm.s32 $0x40;
	[sflag:s26] =	ssyncadd.s32 $0xFFFFFF80  }
0x70: {  	p2 =	por $0x0, $0x0;
	s10 =	simm.s32 $0x30;
	_ =	swait.ge [sflag:s26], $0x4000  }
.Ltmp4:
0x71: {  	p1 =	por $0x1, $0x1;
	[sflag:s26] =	ssyncset.done $0x0;
	(pc) =	sbr.rel @p2 .LBB2_5-.Ltmp4, $4  }
0x72: {  	s31 =	sand.u32 $0x60, s30;
	s11 =	sand.u32 $0x70, s10;
	[sflag:s26] =	ssyncadd.s32 $0xFFFFC000  }
0x73: {  	[spmem:s2] =	stream.indirect.scatter.add.f32 [tilespmem:s24], [sflag:$0x3], $0x80, s22, s23, $0xb8;
	[tilespmem:$0x1FD00] =	vst v63  }
0x74: {  	s29 =	simm.s32 $0x180;
	s0 =	sadd.s32 $0x20, s8;
	_ =	swait.ge [sflag:s19], $0x4000  }
0x75: {  	s10 =	sadd.s32 s5, s11;
	s1 =	sand.u32 $0xFF80, s0;
	[sflag:s19] =	ssyncset.done $0x0  }
.LBB2_4:
0x76: {  	s1 =	sadd.s32 s1, s10  }
0x77: {  	s0 =	sadd.s32 $0x20, s0;
	[sflag:s19] =	ssyncadd.s32 $0xFFFFC000;
	s10 =	smov.u32 s30  }
0x78: {  	[tilespmem:s22], [sflag:$0x2] =	stream.linear.gather [hbm4b:s1+s3], $0x80, $0x38;
	[tilespmem:$0x1FD00] =	vst v63  }
0x79: {  	p2 =	seq.s32 s30, $0x740;
	s30 =	sadd.s32 $0x20, s30;
	s0 =	sand.u32 $0xFF80, s0  }
0x7a: {  	[tilespmem:s24], [sflag:$0x2] =	stream.indirect.gather [hbm4b:s4+s23], $0x80, s29, s23, $0xb8;
	[tilespmem:$0x1FD00] =	vst v63  }
0x7b: {  	s1 =	sand.u32 $0x60, s30;
	_ =	swait.ge [sflag:s25], $0x80  }
0x7c: {  	[sflag:s25] =	ssyncset.done $0x0  }
0x7d: {  	[sflag:s25] =	ssyncadd.s32 $0xFFFFFF80  }
0x7e: {  	_ =	swait.ge [sflag:s25], $0x4000  }
0x7f: {  	[sflag:s25] =	ssyncset.done $0x0  }
0x80: {  	[sflag:s25] =	ssyncadd.s32 $0xFFFFC000  }
0x81: {  	[spmem:s2] =	stream.indirect.scatter.add.f32 [tilespmem:s21], [sflag:$0x3], $0x80, s20, s23, $0xb8;
	[tilespmem:$0x1FD00] =	vst v63  }
0x82: {  	_ =	swait.ge [sflag:s19], $0x4000  }
0x83: {  	s11 =	sadd.s32 s5, s31;
	s31 =	smov.u32 s1;
	[sflag:s19] =	ssyncset.done $0x0  }
0x84: {  	s0 =	sadd.s32 s0, s11;
	[sflag:s19] =	ssyncadd.s32 $0xFFFFC000  }
0x85: {  	[tilespmem:s20], [sflag:$0x1] =	stream.linear.gather [hbm4b:s0+s3], $0x80, $0x38;
	[tilespmem:$0x1FD00] =	vst v63  }
0x86: {  	s0 =	sadd.s32 $0x80, s29  }
0x87: {  	[tilespmem:s21], [sflag:$0x1] =	stream.indirect.gather [hbm4b:s4+s23], $0x80, s0, s23, $0xb8;
	[tilespmem:$0x1FD00] =	vst v63  }
0x88: {  	_ =	swait.ge [sflag:s26], $0x80  }
0x89: {  	[sflag:s26] =	ssyncset.done $0x0  }
0x8a: {  	[sflag:s26] =	ssyncadd.s32 $0xFFFFFF80  }
0x8b: {  	_ =	swait.ge [sflag:s26], $0x4000  }
.Ltmp5:
0x8c: {  	[sflag:s26] =	ssyncset.done $0x0;
	(pc) =	sbr.rel @!p2 .LBB2_4-.Ltmp5, $4  }
0x8d: {  	s1 =	sadd.s32 $0x10, s10;
	s29 =	sadd.s32 $0x100, s29;
	[sflag:s26] =	ssyncadd.s32 $0xFFFFC000  }
0x8e: {  	[spmem:s2] =	stream.indirect.scatter.add.f32 [tilespmem:s24], [sflag:$0x3], $0x80, s22, s23, $0xb8;
	[tilespmem:$0x1FD00] =	vst v63  }
0x8f: {  	s0 =	sadd.s32 s10, s8;
	s10 =	sand.u32 $0x70, s1;
	_ =	swait.ge [sflag:s19], $0x4000  }
0x90: {  	s1 =	sand.u32 $0xFF80, s0;
	s10 =	sadd.s32 s5, s10;
	[sflag:s19] =	ssyncset.done $0x0  }
.Ltmp6:
0x91: {  	_ = 	snop;
	(pc) =	sbr.rel .LBB2_5-.Ltmp6, $1  }
0x92: {  	_ =	sdelay $0x3  }
.LBB2_6:
0x93: {  	s1 =	rddreg [dreg:$0x4]  }
0x94: {  	[tilespmem:s0], [sflag:$0x3] =	stream.linear.gather [hbm4b:s1+s0], $0x1400, $0x38;
	[tilespmem:$0x1FD00] =	vst v63  }
0x95: {  	_ =	swait.ge [sflag:s19], $0x1400  }
0x96: {  	[sflag:s19] =	ssyncset.done $0x0  }
0x97: {  	s10 =	rddreg [dreg:$0x5];
	[sflag:s19] =	ssyncadd.s32 $0xFFFFEC00  }
0x98: {  	[tilespmem:s20], [sflag:$0x1] =	stream.linear.gather [hbm4b:s10+s0], $0x80, $0x38;
	[tilespmem:$0x1FD00] =	vst v63  }
0x99: {  	s1 =	simm.s32 $0x80  }
0x9a: {  	[tilespmem:s21], [sflag:$0x1] =	stream.indirect.gather [hbm4b:s4+s1], $0x80, s0, s1, $0xb8;
	[tilespmem:$0x1FD00] =	vst v63  }
0x9b: {  	s10 =	simm.s32 $0x10;
	s0 =	sadd.s32 $0x0, s6  }
0x9c: {  	s10 =	sand.u32 $0x70, s10;
	s11 =	sadd.s32 $0x7800, s0  }
0x9d: {  	s10 =	sadd.s32 s5, s10;
	s11 =	sand.u32 $0x1FF80, s11  }
0x9e: {  	s10 =	sadd.s32 s11, s10  }
0x9f: {  	[tilespmem:s22], [sflag:$0x2] =	stream.linear.gather [hbm4b:s10+s3], $0x80, $0x38;
	[tilespmem:$0x1FD00] =	vst v63  }
0xa0: {  	_ = 	snop  }
0xa1: {  	[tilespmem:s24], [sflag:$0x2] =	stream.indirect.gather [hbm4b:s4+s23], $0x80, s1, s23, $0xb8;
	[tilespmem:$0x1FD00] =	vst v63  }
0xa2: {  	_ =	swait.ge [sflag:s25], $0x80  }
0xa3: {  	[sflag:s25] =	ssyncset.done $0x0  }
0xa4: {  	[sflag:s25] =	ssyncadd.s32 $0xFFFFFF80  }
0xa5: {  	_ =	swait.ge [sflag:s25], $0x4000  }
0xa6: {  	[sflag:s25] =	ssyncset.done $0x0  }
0xa7: {  	s11 =	simm.s32 $0x20;
	[sflag:s25] =	ssyncadd.s32 $0xFFFFC000  }
0xa8: {  	[spmem:s2] =	stream.indirect.scatter.add.f32 [tilespmem:s21], [sflag:$0x3], $0x80, s20, s23, $0xb8;
	[tilespmem:$0x1FD00] =	vst v63  }
0xa9: {  	s0 =	sadd.s32 $0x7820, s0;
	s1 =	sand.u32 $0x60, s11;
	_ =	swait.ge [sflag:s19], $0x4000  }
0xaa: {  	s0 =	sand.u32 $0x1FF80, s0;
	s1 =	sadd.s32 s5, s1;
	[sflag:s19] =	ssyncset.done $0x0  }
0xab: {  	s0 =	sadd.s32 s0, s1;
	[sflag:s19] =	ssyncadd.s32 $0xFFFFC000  }
0xac: {  	[tilespmem:s20], [sflag:$0x1] =	stream.linear.gather [hbm4b:s0+s3], $0x80, $0x38;
	[tilespmem:$0x1FD00] =	vst v63  }
0xad: {  	s10 =	simm.s32 $0x100  }
0xae: {  	[tilespmem:s21], [sflag:$0x1] =	stream.indirect.gather [hbm4b:s4+s23], $0x80, s10, s23, $0xb8;
	[tilespmem:$0x1FD00] =	vst v63  }
0xaf: {  	_ =	swait.ge [sflag:s26], $0x80  }
0xb0: {  	[sflag:s26] =	ssyncset.done $0x0  }
0xb1: {  	[sflag:s26] =	ssyncadd.s32 $0xFFFFFF80  }
0xb2: {  	s31 =	simm.s32 $0x40;
	_ =	swait.ge [sflag:s26], $0x4000  }
0xb3: {  	s29 =	simm.s32 $0x180;
	s30 =	sand.u32 $0x60, s31;
	[sflag:s26] =	ssyncset.done $0x0  }
0xb4: {  	s11 =	simm.s32 $0x30;
	s0 =	sadd.s32 $0x20, s6;
	[sflag:s26] =	ssyncadd.s32 $0xFFFFC000  }
0xb5: {  	[spmem:s2] =	stream.indirect.scatter.add.f32 [tilespmem:s24], [sflag:$0x3], $0x80, s22, s23, $0xb8;
	[tilespmem:$0x1FD00] =	vst v63  }
0xb6: {  	s11 =	sand.u32 $0x70, s11;
	s10 =	sadd.s32 $0x7800, s0;
	_ =	swait.ge [sflag:s19], $0x4000  }
0xb7: {  	s1 =	sand.u32 $0x1FF80, s10;
	s10 =	sadd.s32 s5, s11;
	[sflag:s19] =	ssyncset.done $0x0  }
.LBB2_7:
0xb8: {  	s1 =	sadd.s32 s1, s10  }
0xb9: {  	s0 =	sadd.s32 $0x7820, s0;
	[sflag:s19] =	ssyncadd.s32 $0xFFFFC000;
	s10 =	smov.u32 s31  }
0xba: {  	[tilespmem:s22], [sflag:$0x2] =	stream.linear.gather [hbm4b:s1+s3], $0x80, $0x38;
	[tilespmem:$0x1FD00] =	vst v63  }
0xbb: {  	p1 =	sne.s32 s31, $0x240;
	s31 =	sadd.s32 $0x20, s31;
	s0 =	sand.u32 $0x1FF80, s0  }
0xbc: {  	[tilespmem:s24], [sflag:$0x2] =	stream.indirect.gather [hbm4b:s4+s23], $0x80, s29, s23, $0xb8;
	[tilespmem:$0x1FD00] =	vst v63  }
0xbd: {  	s1 =	sand.u32 $0x60, s31;
	_ =	swait.ge [sflag:s25], $0x80  }
0xbe: {  	[sflag:s25] =	ssyncset.done $0x0  }
0xbf: {  	[sflag:s25] =	ssyncadd.s32 $0xFFFFFF80  }
0xc0: {  	_ =	swait.ge [sflag:s25], $0x4000  }
0xc1: {  	[sflag:s25] =	ssyncset.done $0x0  }
0xc2: {  	[sflag:s25] =	ssyncadd.s32 $0xFFFFC000  }
0xc3: {  	[spmem:s2] =	stream.indirect.scatter.add.f32 [tilespmem:s21], [sflag:$0x3], $0x80, s20, s23, $0xb8;
	[tilespmem:$0x1FD00] =	vst v63  }
0xc4: {  	_ =	swait.ge [sflag:s19], $0x4000  }
0xc5: {  	s11 =	sadd.s32 s5, s30;
	s30 =	smov.u32 s1;
	[sflag:s19] =	ssyncset.done $0x0  }
0xc6: {  	s0 =	sadd.s32 s0, s11;
	[sflag:s19] =	ssyncadd.s32 $0xFFFFC000  }
0xc7: {  	[tilespmem:s20], [sflag:$0x1] =	stream.linear.gather [hbm4b:s0+s3], $0x80, $0x38;
	[tilespmem:$0x1FD00] =	vst v63  }
0xc8: {  	s0 =	sadd.s32 $0x80, s29  }
0xc9: {  	[tilespmem:s21], [sflag:$0x1] =	stream.indirect.gather [hbm4b:s4+s23], $0x80, s0, s23, $0xb8;
	[tilespmem:$0x1FD00] =	vst v63  }
0xca: {  	_ =	swait.ge [sflag:s26], $0x80  }
0xcb: {  	[sflag:s26] =	ssyncset.done $0x0  }
0xcc: {  	[sflag:s26] =	ssyncadd.s32 $0xFFFFFF80  }
0xcd: {  	_ =	swait.ge [sflag:s26], $0x4000  }
.Ltmp7:
0xce: {  	s29 =	sadd.s32 $0x100, s29;
	[sflag:s26] =	ssyncset.done $0x0;
	(pc) =	sbr.rel @p1 .LBB2_7-.Ltmp7, $4  }
0xcf: {  	s1 =	sadd.s32 $0x10, s10;
	s0 =	sadd.s32 s10, s6;
	[sflag:s26] =	ssyncadd.s32 $0xFFFFC000  }
0xd0: {  	[spmem:s2] =	stream.indirect.scatter.add.f32 [tilespmem:s24], [sflag:$0x3], $0x80, s22, s23, $0xb8;
	[tilespmem:$0x1FD00] =	vst v63  }
0xd1: {  	s11 =	sand.u32 $0x70, s1;
	s10 =	sadd.s32 $0x7800, s0;
	_ =	swait.ge [sflag:s19], $0x4000  }
0xd2: {  	s1 =	sand.u32 $0x1FF80, s10;
	s10 =	sadd.s32 s5, s11;
	[sflag:s19] =	ssyncset.done $0x0  }
0xd3: {  	s1 =	sadd.s32 s1, s10;
	[sflag:s19] =	ssyncadd.s32 $0xFFFFC000  }
0xd4: {  	[tilespmem:s22], [sflag:$0x2] =	stream.linear.gather [hbm4b:s1+s3], $0x80, $0x38;
	[tilespmem:$0x1FD00] =	vst v63  }
0xd5: {  	_ = 	snop  }
0xd6: {  	[tilespmem:s24], [sflag:$0x2] =	stream.indirect.gather [hbm4b:s4+s23], $0x80, s29, s23, $0xb8;
	[tilespmem:$0x1FD00] =	vst v63  }
0xd7: {  	_ =	swait.ge [sflag:s25], $0x80  }
0xd8: {  	[sflag:s25] =	ssyncset.done $0x0  }
0xd9: {  	[sflag:s25] =	ssyncadd.s32 $0xFFFFFF80  }
0xda: {  	_ =	swait.ge [sflag:s25], $0x4000  }
0xdb: {  	[sflag:s25] =	ssyncset.done $0x0  }
0xdc: {  	[sflag:s25] =	ssyncadd.s32 $0xFFFFC000  }
0xdd: {  	[spmem:s2] =	stream.indirect.scatter.add.f32 [tilespmem:s21], [sflag:$0x3], $0x80, s20, s23, $0xb8;
	[tilespmem:$0x1FD00] =	vst v63  }
0xde: {  	s0 =	sadd.s32 $0x7820, s0;
	_ =	swait.ge [sflag:s19], $0x4000  }
0xdf: {  	s30 =	sadd.s32 s5, s30;
	s0 =	sand.u32 $0x1FF80, s0;
	[sflag:s19] =	ssyncset.done $0x0  }
0xe0: {  	s0 =	sadd.s32 s0, s30;
	[sflag:s19] =	ssyncadd.s32 $0xFFFFC000  }
0xe1: {  	[tilespmem:s20], [sflag:$0x1] =	stream.linear.gather [hbm4b:s0+s3], $0x80, $0x38;
	[tilespmem:$0x1FD00] =	vst v63  }
0xe2: {  	s31 =	sadd.s32 $0x80, s29  }
0xe3: {  	[tilespmem:s21], [sflag:$0x1] =	stream.indirect.gather [hbm4b:s4+s23], $0x80, s31, s23, $0xb8;
	[tilespmem:$0x1FD00] =	vst v63  }
0xe4: {  	_ =	swait.ge [sflag:s26], $0x80  }
0xe5: {  	[sflag:s26] =	ssyncset.done $0x0  }
0xe6: {  	[sflag:s26] =	ssyncadd.s32 $0xFFFFFF80  }
0xe7: {  	_ =	swait.ge [sflag:s26], $0x4000  }
0xe8: {  	[sflag:s26] =	ssyncset.done $0x0  }
.Ltmp8:
0xe9: {  	[sflag:s26] =	ssyncadd.s32 $0xFFFFC000;
	(pc) =	sbr.rel .LBB2_9-.Ltmp8, $4  }
0xea: {  	[spmem:s2] =	stream.indirect.scatter.add.f32 [tilespmem:s24], [sflag:$0x3], $0x80, s22, s23, $0xb8;
	[tilespmem:$0x1FD00] =	vst v63  }
0xeb: {  	_ =	swait.ge [sflag:s19], $0x4000  }
0xec: {  	[sflag:s19] =	ssyncset.done $0x0  }
0xed: {  	s1 =	smov.u32 s16;
	s0 =	simm.s32 $0x1380;
	[sflag:s19] =	ssyncadd.s32 $0xFFFFC000  }
.LBB2_10:
0xee: {  	_ =	sfence.sel $0x180000  }
0xef: {  	[bflag:$0x0] =	sbarrier.arrive $0xFFFF  }
0xf0: {  	_ =	strace $0x9000004A  }
0xf1: {  	s0 =	stileid.u32;
	[bflag:$0x2] =	sbarrier.arrive $0xFFFF  }
0xf2: {  	p0 =	sne.s32 s0, $0x0;
	s0 =	rddreg [dreg:$0x3]  }
0xf3: {  	s0 =	sadd.s32 @!p0 $0x100000, s0  }
0xf4: {  	[sflag:s0] =	ssyncadd.tile.s32 @!p0 $0x1;
	_ =	shalt  }
.Lfunc_end2:
_tile_overlayer_lowered:
.L_overlay_start_2:
0xf5: {  	(tag) =	ssettag $0x2  }
0xf6: {  	s0 =	rddreg [dreg:$0x0];
	s2 =	stileid.u32  }
0xf7: {  	s1 =	rddreg [dreg:$0x1];
	p0 =	sne.s32 s2, $0x0  }
0xf8: {  	s3 =	rddreg [dreg:$0x2];
	[bflag:$0x3] =	sbarrier.arrive $0xFFFF;
	s2 =	simm.s32 @!p0 $0x1C03  }
0xf9: {  	[timem:s3], [sflag:s2] =	dma.local @!p0 [hbm:s0], s1  }
0xfa: {  	s0 =	simm.s32 @!p0 $0x3  }
0xfb: {  	_ =	swait.ge @!p0 [sflag:s0], s1  }
0xfc: {  	s1 =	ssub.s32 @!p0 $0x0, s1;
	[sflag:s0] =	ssyncset.done @!p0 $0x0  }
0xfd: {  	[sflag:s0] =	ssyncadd.s32 @!p0 s1  }
0xfe: {  	[bflag:$0x3] =	sbarrier.arrive $0xFFFF  }
0xff: {  	_ =	shalt  }

// kernel: kernel.14.cloned.1.call-start
scs
__scs_entry_jumppad:
0x0: {  	(pc) =	sbr.rel $0x88, $3  }
0x1: {  	(tag) =	ssettag $0x0;
	lr =	simm.s32 $0x1  }
0x2: {  	[smem:$0x3F9B] =	sst lr;
	_ =	strace $0xD0000000  }
0x3: {  	_ = 	snop  }
0x4: {  	_ = 	snop  }
0x5: {  	_ = 	snop  }
0x6: {  	_ = 	snop  }
0x7: {  	_ = 	snop  }
__scs_overlays_trampoline_lowered:
0x8: {  	[smem:$0x3FAA] =	sst s0  }
0x9: {  	[smem:$0x3FAB] =	sst s1  }
0xa: {  	[smem:$0x3FAC] =	sst s2  }
0xb: {  	[smem:$0x3FAD] =	sst s3  }
0xc: {  	[smem:$0x3FAE] =	sst s4  }
0xd: {  	[smem:$0x3FAF] =	sst s5  }
0xe: {  	[smem:$0x3FB0] =	sst s6  }
0xf: {  	[smem:$0x3FB1] =	sst s7  }
0x10: {  	[smem:$0x3FB2] =	sst s8  }
0x11: {  	[smem:$0x3FB3] =	sst s9;
	s0 =	simm.s32 @!p0 $0x0  }
0x12: {  	s1 =	sld [smem:$0x3F99];
	s0 =	simm.s32 @p0 $0x1  }
0x13: {  	[smem:$0x3FB4] =	sst s0;
	s0 =	simm.s32 @!p1 $0x0  }
0x14: {  	s2 =	sld [smem:$0x3F98];
	s0 =	simm.s32 @p1 $0x1  }
0x15: {  	[smem:$0x3FB5] =	sst s0;
	s0 =	simm.s32 @!p2 $0x0  }
0x16: {  	s3 =	sld [smem:$0x3FDB];
	s0 =	simm.s32 @p2 $0x1  }
0x17: {  	s4 =	simm.s32 $0x1BF5;
	[smem:$0x3FB7] =	sst s0  }
0x18: {  	s0 =	sld [smem:$0x3F9A];
	_ =	swait.ge [sflag:s4], $0x0  }
0x19: {  	s7 =	sld [smem:$0x3F9B]  }
0x1a: {  	s8 =	sadd.s32 $0xFFFFE003, lr  }
0x1b: {  	s9 =	sadd.s32 $0xFFFFFEF7, lr;
	s5 =	simm.s32 $0xFFFFFFFF;
	p2 =	slt.u32 s8, $0xFFFFF086  }
0x1c: {  	p1 =	slt.u32 s9, $0xF7A;
	s5 =	simm.s32 @!p2 $0x0  }
0x1d: {  	s5 =	simm.s32 @p1 $0x1;
	p0 =	seq.s32 s7, s2  }
0x1e: {  	s7 =	smul.u32 @!p0 $0xF7A, s2;
	p2 =	seq.s32 @!p0 s5, $0x0  }
0x1f: {  	s9 =	smul.u32 $0xF7A, s1;
	s8 =	simm.s32 @!p0 $0x1BF5;
	p2 =	por !p2, p0  }
0x20: {  	[sflag:s8] =	ssyncset.s32 @!p0 $0xFFFFF086;
	s6 =	sadd.s32 @!p0 s3, s7;
	s7 =	simm.s32 @!p0 $0x108  }
0x21: {  	s3 =	sadd.s32 s3, s9;
	s6 =	sadd.s32 @!p0 $0x88, s6;
	s7 =	simm.s32 @p2 $0x1082  }
0x22: {  	[simem:s7], [sflag:s8] =	dma.local @!p0 [hbm:s6], $0xF7A  }
0x23: {  	s9 =	sor.u32 $0xD0000000, s2;
	s6 =	simm.s32 $0x108;
	_ =	swait.ge @!p0 [sflag:s8], $0x0  }
0x24: {  	s3 =	sadd.s32 $0x88, s3;
	s6 =	simm.s32 @!p1 $0x1082;
	[sflag:s4] =	ssyncset.s32 $0xFFFFF086  }
0x25: {  	[simem:s6], [sflag:s4] =	dma.local [hbm:s3], $0xF7A  }
0x26: {  	[smem:$0x3F9B] =	sst s1;
	(tag) =	ssettag s2;
	_ =	strace s9  }
0x27: {  	s1 =	sld [smem:$0x3FAB]  }
0x28: {  	s2 =	sld [smem:$0x3FAC]  }
0x29: {  	s4 =	sld [smem:$0x3FAE]  }
0x2a: {  	p0 =	seq.s32 s5, $0x0;
	s5 =	sld [smem:$0x3FAF]  }
0x2b: {  	s6 =	sld [smem:$0x3FB0]  }
0x2c: {  	s7 =	sld [smem:$0x3FB1]  }
0x2d: {  	s3 =	simm.s32 $0x108;
	s8 =	sld [smem:$0x3FB2]  }
0x2e: {  	s3 =	simm.s32 @!p0 $0x1082;
	s9 =	sld [smem:$0x3FB3]  }
0x2f: {  	lr =	sadd.s32 s0, s3;
	s0 =	sld [smem:$0x3FAA]  }
0x30: {  	s3 =	sld [smem:$0x3FAD]  }
0x31: {  	[smem:$0x3FB6] =	sst s10  }
0x32: {  	s10 =	sld [smem:$0x3FB4];
	_ =	sdelay $0x3  }
0x33: {  	p0 =	seq.s32 s10, $0x1;
	s10 =	sld [smem:$0x3FB6];
	_ =	sdelay $0x3  }
0x34: {  	[smem:$0x3FB6] =	sst s10  }
0x35: {  	s10 =	sld [smem:$0x3FB5];
	_ =	sdelay $0x3  }
0x36: {  	p1 =	seq.s32 s10, $0x1;
	s10 =	sld [smem:$0x3FB6];
	_ =	sdelay $0x3  }
0x37: {  	[smem:$0x3FB6] =	sst s10  }
0x38: {  	s10 =	sld [smem:$0x3FB7]  }
0x39: {  	_ = 	snop;
	(pc) =	sbr.ind lr, $3  }
0x3a: {  	_ = 	snop  }
0x3b: {  	_ = 	snop  }
0x3c: {  	p2 =	seq.s32 s10, $0x1;
	s10 =	sld [smem:$0x3FB6]  }
0x3d: {  	_ =	shalt  }
0x3e: {  	_ =	shalt  }
0x3f: {  	_ =	shalt  }
0x40: {  	_ =	shalt  }
0x41: {  	_ =	shalt  }
0x42: {  	_ =	shalt  }
0x43: {  	_ =	shalt  }
0x44: {  	_ =	shalt  }
0x45: {  	_ =	shalt  }
0x46: {  	_ =	shalt  }
0x47: {  	_ =	shalt  }
0x48: {  	_ =	shalt  }
0x49: {  	_ =	shalt  }
0x4a: {  	_ =	shalt  }
0x4b: {  	_ =	shalt  }
0x4c: {  	_ =	shalt  }
0x4d: {  	_ =	shalt  }
0x4e: {  	_ =	shalt  }
0x4f: {  	_ =	shalt  }
0x50: {  	_ =	shalt  }
0x51: {  	_ =	shalt  }
0x52: {  	_ =	shalt  }
0x53: {  	_ =	shalt  }
0x54: {  	_ =	shalt  }
0x55: {  	_ =	shalt  }
0x56: {  	_ =	shalt  }
0x57: {  	_ =	shalt  }
0x58: {  	_ =	shalt  }
0x59: {  	_ =	shalt  }
0x5a: {  	_ =	shalt  }
0x5b: {  	_ =	shalt  }
0x5c: {  	_ =	shalt  }
0x5d: {  	_ =	shalt  }
0x5e: {  	_ =	shalt  }
0x5f: {  	_ =	shalt  }
0x60: {  	_ =	shalt  }
0x61: {  	_ =	shalt  }
0x62: {  	_ =	shalt  }
0x63: {  	_ =	shalt  }
0x64: {  	_ =	shalt  }
0x65: {  	_ =	shalt  }
0x66: {  	_ =	shalt  }
0x67: {  	_ =	shalt  }
0x68: {  	_ =	shalt  }
0x69: {  	_ =	shalt  }
0x6a: {  	_ =	shalt  }
0x6b: {  	_ =	shalt  }
0x6c: {  	_ =	shalt  }
0x6d: {  	_ =	shalt  }
0x6e: {  	_ =	shalt  }
0x6f: {  	_ =	shalt  }
0x70: {  	_ =	shalt  }
0x71: {  	_ =	shalt  }
0x72: {  	_ =	shalt  }
0x73: {  	_ =	shalt  }
0x74: {  	_ =	shalt  }
0x75: {  	_ =	shalt  }
0x76: {  	_ =	shalt  }
0x77: {  	_ =	shalt  }
0x78: {  	_ =	shalt  }
0x79: {  	_ =	shalt  }
0x7a: {  	_ =	shalt  }
0x7b: {  	_ =	shalt  }
0x7c: {  	_ =	shalt  }
0x7d: {  	_ =	shalt  }
0x7e: {  	_ =	shalt  }
0x7f: {  	_ =	shalt  }
0x80: {  	_ =	shalt  }
0x81: {  	_ =	shalt  }
0x82: {  	_ =	shalt  }
0x83: {  	_ =	shalt  }
0x84: {  	_ =	shalt  }
0x85: {  	_ =	shalt  }
0x86: {  	_ =	shalt  }
0x87: {  	_ =	shalt  }
.Lfunc_end0:
.L_simem_size_0:
called_computation.2_lowered:
.L_overlay_start_0:
0x88: {  	s2 =	sld [smem:$0x3FD9]  }
0x89: {  	s3 =	sld [smem:$0x3FFE];
	_ =	sdelay $0x1  }
0x8a: {  	s1 =	srdreg.scid  }
0x8b: {  	s0 =	sand.u32 $0x1, s1  }
0x8c: {  	s17 =	sshll.u32 s0, $0xA;
	s2 =	sadd.s32 s3, s2  }
0x8d: {  	s2 =	sadd.s32 s2, s17  }
0x8e: {  	[smem:$0x3FC2] =	sst s2  }
0x8f: {  	_ = 	snop  }
0x90: {  	s2 =	sld [smem:$0x3FD0];
	(tm) =	ssettm $0x1  }
0x91: {  	s18 =	sld [smem:$0x3FFB];
	_ =	sdelay $0x3  }
0x92: {  	_ =	strace s18  }
0x93: {  	s3 =	sld [smem:$0x3FFC];
	_ =	sdelay $0x3  }
0x94: {  	_ =	strace s3  }
0x95: {  	s3 =	sld [smem:$0x3FFD];
	_ =	sdelay $0x3  }
0x96: {  	_ =	strace s3  }
0x97: {  	_ =	strace $0x8FFFFFFF  }
0x98: {  	s19 =	sld [smem:$0x3FDB];
	_ =	sdelay $0x1  }
0x99: {  	s4 =	simm.s32 $_scs_section_size  }
0x9a: {  	s5 =	simm.s32 $_size__tile_overlayer_lowered;
	s6 =	simm.s32 $_tile_overlayer_lowered  }
0x9b: {  	s22 =	simm.s32 $0x1BFF;
	s21 =	sshll.u32 s6, $0x1;
	s3 =	sadd.s32 s4, s19  }
0x9c: {  	s7 =	simm.s32 $0x0;
	s20 =	sshll.u32 s5, $0x1;
	s5 =	sadd.s32 s21, s3  }
0x9d: {  	[timem:s7], [sflag:s22] =	dma.local [hbm:s5], s20  }
0x9e: {  	_ =	swait.ge [sflag:s22], s20  }
0x9f: {  	s4 =	ssub.s32 $0x0, s20;
	[sflag:s22] =	ssyncset.done $0x0  }
0xa0: {  	[sflag:s22] =	ssyncadd.s32 s4;
	_ =	sdelay $0x1  }
0xa1: {  	s23 =	simm.s32 $0x1B8B  }
0xa2: {  	_ =	swait.ge [sflag:s23], $0x1  }
0xa3: {  	[sflag:s23] =	ssyncset.done $0x0  }
0xa4: {  	s25 =	simm.s32 $0x1B8E;
	s24 =	sld [smem:$0x3FFE];
	[sflag:s23] =	ssyncadd.s32 $0xFFFFFFFF  }
0xa5: {  	s26 =	simm.s32 $execute0_lowered;
	[smem:$0x3FD2] =	sst s25  }
0xa6: {  	s5 =	sshll.u32 s26, $0x1;
	_ =	strace $0x8000004C;
	[dreg:$0x1] =	wrdreg $0xFFFFFFFF  }
0xa7: {  	s28 =	simm.s32 $_size_execute0_lowered;
	s3 =	sadd.s32 s3, s5;
	[dreg:$0x0] =	wrdreg $0x0  }
0xa8: {  	s5 =	sshll.u32 s28, $0x1;
	[dreg:$0x2] =	wrdreg s3  }
0xa9: {  	[dreg:$0x3] =	wrdreg s5  }
0xaa: {  	[dreg:$0x4] =	wrdreg $0xC0  }
0xab: {  	_ =	task [dreg:s7], $0x5FFFF  }
0xac: {  	[dreg:$0x1] =	wrdreg $0xFFFFFFFF  }
0xad: {  	[dreg:$0x0] =	wrdreg $0x60  }
0xae: {  	[dreg:$0x2] =	wrdreg s24  }
0xaf: {  	[dreg:$0x3] =	wrdreg s2  }
0xb0: {  	[dreg:$0x4] =	wrdreg $0xBD000  }
0xb1: {  	[dreg:$0x5] =	wrdreg $0x9  }
0xb2: {  	_ =	task.clear_ibuf [dreg:s7], $0x6FFFF;
	_ =	strace $0x9000004C  }
0xb3: {  	s29 =	simm.s32 $0x9;
	_ =	strace $0x8000004E  }
0xb4: {  	_ =	swait.ge [sflag:s29], $0x1  }
0xb5: {  	[sflag:s29] =	ssyncadd.s32 $0xFFFFFFFF  }
0xb6: {  	_ =	strace $0x9000004E  }
0xb7: {  	_ =	sfence  }
0xb8: {  	s30 =	sld [smem:$0x0];
	_ =	sdelay $0x2  }
0xb9: {  	s31 =	sshll.u32 s1, $0xD;
	s1 =	sshrl.u32 s1, $0x2  }
0xba: {  	s3 =	sand.u32 $0x4000, s31;
	s1 =	sadd.s32 s1, s30  }
0xbb: {  	s0 =	sor.u32 s3, s0;
	s1 =	sshll.u32 s1, $0x11  }
0xbc: {  	s0 =	sor.u32 s1, s0  }
0xbd: {  	s0 =	sadd.s32 $0x8F2B, s0  }
0xbe: {  	[sflag:s0] =	ssyncadd.remote.s32 $0x1  }
0xbf: {  	_ =	sfence.sel $0xFFFF  }
0xc0: {  	[dreg:$0x0] =	wrdreg $0xFFFFFFFF;
	(pc) =	sbr.abs _section_cstart, $3  }
0xc1: {  	[dreg:$0x1] =	wrdreg $0xFFFFFFFF  }
0xc2: {  	_ =	task.clear_ibuf [dreg:s7], $0x2FFFF;
	_ =	strace $0x9FFFFFFF  }
0xc3: {  	(tm) =	ssettm $0x7FFFFFFF  }
tec
execute0_lowered:
.L_overlay_start_1:
0x0: {  	(tag) =	ssettag $0x1  }
0x1: {  	s0 =	rddreg [dreg:$0x0]  }
0x2: {  	s1 =	rddreg [dreg:$0x1]  }
0x3: {  	s2 =	rddreg [dreg:$0x2]  }
0x4: {  	s12 =	stileid.u32;
	s4 =	srdreg.scid  }
0x5: {  	s3 =	simm.s32 $0x0;
	s19 =	simm.s32 $0x3;
	s20 =	simm.s32 $0x3C00  }
0x6: {  	s21 =	simm.s32 $0x3D00;
	s22 =	simm.s32 $0x3C80;
	s23 =	simm.s32 $0x80  }
0x7: {  	s24 =	simm.s32 $0x7D00;
	s28 =	simm.s32 $0x0;
	s6 =	smul.u32 $0x14000, s12  }
0x8: {  	s10 =	sand.u32 $0x1, s4;
	[smem:$0x7FF] =	sst s3;
	s4 =	sadd.s32 $0xC400, s0  }
0x9: {  	s5 =	sadd.s32 $0x2400, s0;
	s8 =	smul.u32 $0x50000, s12;
	s26 =	sshll.u32 s12, $0x6  }
0xa: {  	s7 =	smul.u32 $0x140000, s10;
	_ =	strace $0x8000004D;
	s25 =	ssub.s32 $0x2, s10  }
0xb: {  	p0 =	sne.s32 s10, $0x0;
	s11 =	sshrl.u32 s25, $0x1;
	s8 =	sshrl.u32 s8, $0x2  }
0xc: {  	s7 =	sadd.s32 s6, s7;
	s6 =	sshrl.u32 s6, $0x3;
	s15 =	ssub.s32 s25, s11  }
0xd: {  	s18 =	sadd.s32 s8, s2;
	s8 =	smul.u32 $0x780, s12;
	s25 =	simm.s32 $0x1  }
0xe: {  	s7 =	sshrl.u32 s7, $0x3;
	s9 =	sadd.s32 s6, s0;
	s6 =	smul.u32 $0x280, s12  }
0xf: {  	s15 =	smax.u32 s15, $0x1;
	s18 =	sshrl.u32 s18, $0x3;
	s0 =	sadd.s32 s7, s0  }
.Ltmp0:
0x10: {  	s7 =	sadd.s32 $0x34400, s9;
	s9 =	sor.u32 $0x1C03, s26;
	(pc) =	sbr.rel .LBB2_1-.Ltmp0, $4  }
0x11: {  	s12 =	sadd.s32 s1, s8;
	s13 =	sadd.s32 s5, s8;
	s29 =	sadd.s32 $0x7800, s6  }
0x12: {  	s26 =	simm.s32 $0x2;
	s31 =	sadd.s32 s6, s5;
	s30 =	sadd.s32 s1, s29  }
0x13: {  	s14 =	sadd.s32 $0x5C400, s0;
	s11 =	sadd.s32 s5, s29;
	[dreg:$0x4] =	wrdreg s30  }
0x14: {  	s17 =	sadd.s32 $0x770, s13;
	s16 =	sadd.s32 $0x7A70, s31;
	[dreg:$0x5] =	wrdreg s11  }
.LBB2_5:
0x15: {  	s1 =	sadd.s32 s1, s10;
	[sflag:s19] =	ssyncadd.s32 @p1 $0xFFFFC000  }
0x16: {  	[tilespmem:s22], [sflag:$0x2] =	stream.linear.gather [hbm4b:s1+s3], $0x80, $0x38;
	[tilespmem:$0x1FD00] =	vst v63  }
0x17: {  	_ = 	snop  }
0x18: {  	[tilespmem:s24], [sflag:$0x2] =	stream.indirect.gather [hbm4b:s4+s23], $0x80, s29, s23, $0xb8;
	[tilespmem:$0x1FD00] =	vst v63  }
0x19: {  	_ =	swait.ge [sflag:s25], $0x80  }
0x1a: {  	[sflag:s25] =	ssyncset.done $0x0  }
0x1b: {  	[sflag:s25] =	ssyncadd.s32 $0xFFFFFF80  }
0x1c: {  	_ =	swait.ge [sflag:s25], $0x4000  }
0x1d: {  	[sflag:s25] =	ssyncset.done $0x0  }
0x1e: {  	[sflag:s25] =	ssyncadd.s32 $0xFFFFC000  }
0x1f: {  	[spmem:s2] =	stream.indirect.scatter.add.f32 [tilespmem:s21], [sflag:$0x3], $0x80, s20, s23, $0xb8;
	[tilespmem:$0x1FD00] =	vst v63  }
0x20: {  	s0 =	sadd.s32 $0x20, s0;
	_ =	swait.ge [sflag:s19], $0x4000  }
0x21: {  	s30 =	sadd.s32 s5, s31;
	s0 =	sand.u32 $0xFF80, s0;
	[sflag:s19] =	ssyncset.done $0x0  }
0x22: {  	s0 =	sadd.s32 s0, s30;
	[sflag:s19] =	ssyncadd.s32 $0xFFFFC000  }
0x23: {  	[tilespmem:s20], [sflag:$0x1] =	stream.linear.gather [hbm4b:s0+s3], $0x80, $0x38;
	[tilespmem:$0x1FD00] =	vst v63  }
0x24: {  	s31 =	sadd.s32 $0x80, s29  }
0x25: {  	[tilespmem:s21], [sflag:$0x1] =	stream.indirect.gather [hbm4b:s4+s23], $0x80, s31, s23, $0xb8;
	[tilespmem:$0x1FD00] =	vst v63  }
0x26: {  	_ =	swait.ge [sflag:s26], $0x80  }
0x27: {  	[sflag:s26] =	ssyncset.done $0x0  }
0x28: {  	[sflag:s26] =	ssyncadd.s32 $0xFFFFFF80  }
0x29: {  	_ =	swait.ge [sflag:s26], $0x4000  }
0x2a: {  	[sflag:s26] =	ssyncset.done $0x0  }
0x2b: {  	[sflag:s26] =	ssyncadd.s32 $0xFFFFC000  }
0x2c: {  	[spmem:s2] =	stream.indirect.scatter.add.f32 [tilespmem:s24], [sflag:$0x3], $0x80, s22, s23, $0xb8;
	[tilespmem:$0x1FD00] =	vst v63  }
0x2d: {  	_ =	swait.ge [sflag:s19], $0x4000  }
0x2e: {  	[sflag:s19] =	ssyncset.done $0x0  }
0x2f: {  	s1 =	smov.u32 s17;
	s0 =	simm.s32 $0x3B80;
	[sflag:s19] =	ssyncadd.s32 $0xFFFFC000  }
.LBB2_9:
0x30: {  	[tilespmem:s22], [sflag:$0x2] =	stream.linear.gather [hbm4b:s1+s3], $0x80, $0x38;
	[tilespmem:$0x1FD00] =	vst v63  }
0x31: {  	_ = 	snop  }
0x32: {  	[tilespmem:s24], [sflag:$0x2] =	stream.indirect.gather [hbm4b:s4+s23], $0x80, s0, s23, $0xb8;
	[tilespmem:$0x1FD00] =	vst v63  }
0x33: {  	_ =	swait.ge [sflag:s25], $0x80  }
0x34: {  	[sflag:s25] =	ssyncset.done $0x0  }
0x35: {  	[sflag:s25] =	ssyncadd.s32 $0xFFFFFF80  }
0x36: {  	_ =	swait.ge [sflag:s25], $0x4000  }
0x37: {  	[sflag:s25] =	ssyncset.done $0x0  }
0x38: {  	[sflag:s25] =	ssyncadd.s32 $0xFFFFC000  }
0x39: {  	[spmem:s2] =	stream.indirect.scatter.add.f32 [tilespmem:s21], [sflag:$0x3], $0x80, s20, s23, $0xb8;
	[tilespmem:$0x1FD00] =	vst v63  }
0x3a: {  	_ =	swait.ge [sflag:s19], $0x4000  }
0x3b: {  	[sflag:s19] =	ssyncset.done $0x0  }
0x3c: {  	[sflag:s19] =	ssyncadd.s32 $0xFFFFC000  }
0x3d: {  	_ =	swait.ge [sflag:s26], $0x80  }
0x3e: {  	[sflag:s26] =	ssyncset.done $0x0  }
0x3f: {  	[sflag:s26] =	ssyncadd.s32 $0xFFFFFF80  }
0x40: {  	_ =	swait.ge [sflag:s26], $0x4000  }
0x41: {  	[sflag:s26] =	ssyncset.done $0x0  }
0x42: {  	[sflag:s26] =	ssyncadd.s32 $0xFFFFC000  }
0x43: {  	[spmem:s2] =	stream.indirect.scatter.add.f32 [tilespmem:s24], [sflag:$0x3], $0x80, s22, s23, $0xb8;
	[tilespmem:$0x1FD00] =	vst v63  }
0x44: {  	_ =	swait.ge [sflag:s19], $0x4000  }
0x45: {  	s28 =	sadd.s32 $0x1, s28;
	[sflag:s19] =	ssyncset.done $0x0  }
0x46: {  	p1 =	sne.s32 s28, s15;
	[sflag:s19] =	ssyncadd.s32 $0xFFFFC000  }
.Ltmp1:
0x47: {  	[bflag:$0x0] =	sbarrier.arrive $0xFFFF;
	(pc) =	sbr.rel @!p1 .LBB2_10-.Ltmp1, $4  }
0x48: {  	[hbm:s14], [sflag:s9] =	dma.local [spmem:s18], $0x2800  }
0x49: {  	_ =	swait.ge [sflag:s19], $0x2800  }
0x4a: {  	[sflag:s19] =	ssyncset.done $0x0  }
0x4b: {  	[sflag:s19] =	ssyncadd.s32 $0xFFFFD800  }
.LBB2_1:
0x4c: {  	[spmem:s18], [sflag:s9] =	dma.local [hbm:s7], $0x2800  }
.Ltmp2:
0x4d: {  	_ =	swait.ge [sflag:s19], $0x2800;
	(pc) =	sbr.rel @p0 .LBB2_6-.Ltmp2, $4  }
0x4e: {  	[sflag:s19] =	ssyncset.done $0x0  }
0x4f: {  	[sflag:s19] =	ssyncadd.s32 $0xFFFFD800  }
0x50: {  	[bflag:$0x0] =	sbarrier.arrive $0xFFFF  }
0x51: {  	s0 =	simm.s32 $0x0  }
0x52: {  	[tilespmem:s0], [sflag:$0x3] =	stream.linear.gather [hbm4b:s12+s0], $0x3C00, $0x38;
	[tilespmem:$0x1FD00] =	vst v63  }
0x53: {  	_ =	swait.ge [sflag:s19], $0x3C00  }
0x54: {  	[sflag:s19] =	ssyncset.done $0x0  }
0x55: {  	p2 =	por $0x0, $0x0;
	[sflag:s19] =	ssyncadd.s32 $0xFFFFC400  }
0x56: {  	[tilespmem:s20], [sflag:$0x1] =	stream.linear.gather [hbm4b:s13+s0], $0x80, $0x38;
	[tilespmem:$0x1FD00] =	vst v63  }
.Ltmp3:
0x57: {  	_ = 	snop;
	(pc) =	sbr.rel @p2 .LBB2_5-.Ltmp3, $4  }
0x58: {  	s29 =	simm.s32 $0x80;
	s30 =	simm.s32 $0x20;
	s1 =	simm.s32 $0x10  }
0x59: {  	[tilespmem:s21], [sflag:$0x1] =	stream.indirect.gather [hbm4b:s4+s29], $0x80, s0, s29, $0xb8;
	[tilespmem:$0x1FD00] =	vst v63  }
0x5a: {  	p1 =	por $0x0, $0x0;
	s10 =	sand.u32 $0x70, s1;
	s0 =	sadd.s32 $0x0, s8  }
0x5b: {  	s31 =	sand.u32 $0x60, s30;
	s10 =	sadd.s32 s5, s10;
	s1 =	sand.u32 $0xFF80, s0  }
0x5c: {  	s1 =	sadd.s32 s1, s10  }
0x5d: {  	[tilespmem:s22], [sflag:$0x2] =	stream.linear.gather [hbm4b:s1+s3], $0x80, $0x38;
	[tilespmem:$0x1FD00] =	vst v63  }
0x5e: {  	_ = 	snop  }
0x5f: {  	[tilespmem:s24], [sflag:$0x2] =	stream.indirect.gather [hbm4b:s4+s23], $0x80, s29, s23, $0xb8;
	[tilespmem:$0x1FD00] =	vst v63  }
0x60: {  	_ =	swait.ge [sflag:s25], $0x80  }
0x61: {  	[sflag:s25] =	ssyncset.done $0x0  }
0x62: {  	[sflag:s25] =	ssyncadd.s32 $0xFFFFFF80  }
0x63: {  	_ =	swait.ge [sflag:s25], $0x4000  }
0x64: {  	[sflag:s25] =	ssyncset.done $0x0  }
0x65: {  	[sflag:s25] =	ssyncadd.s32 $0xFFFFC000  }
0x66: {  	[spmem:s2] =	stream.indirect.scatter.add.f32 [tilespmem:s21], [sflag:$0x3], $0x80, s20, s23, $0xb8;
	[tilespmem:$0x1FD00] =	vst v63  }
0x67: {  	s0 =	sadd.s32 $0x20, s0;
	_ =	swait.ge [sflag:s19], $0x4000  }
0x68: {  	s11 =	sadd.s32 s5, s31;
	s0 =	sand.u32 $0xFF80, s0;
	[sflag:s19] =	ssyncset.done $0x0  }
0x69: {  	s0 =	sadd.s32 s0, s11;
	[sflag:s19] =	ssyncadd.s32 $0xFFFFC000  }
0x6a: {  	[tilespmem:s20], [sflag:$0x1] =	stream.linear.gather [hbm4b:s0+s3], $0x80, $0x38;
	[tilespmem:$0x1FD00] =	vst v63  }
0x6b: {  	s1 =	simm.s32 $0x100  }
0x6c: {  	[tilespmem:s21], [sflag:$0x1] =	stream.indirect.gather [hbm4b:s4+s23], $0x80, s1, s23, $0xb8;
	[tilespmem:$0x1FD00] =	vst v63  }
0x6d: {  	_ =	swait.ge [sflag:s26], $0x80  }
0x6e: {  	[sflag:s26] =	ssyncset.done $0x0  }
0x6f: {  	s30 =	simm.s32 $0x40;
	[sflag:s26] =	ssyncadd.s32 $0xFFFFFF80  }
0x70: {  	p2 =	por $0x0, $0x0;
	s10 =	simm.s32 $0x30;
	_ =	swait.ge [sflag:s26], $0x4000  }
.Ltmp4:
0x71: {  	p1 =	por $0x1, $0x1;
	[sflag:s26] =	ssyncset.done $0x0;
	(pc) =	sbr.rel @p2 .LBB2_5-.Ltmp4, $4  }
0x72: {  	s31 =	sand.u32 $0x60, s30;
	s11 =	sand.u32 $0x70, s10;
	[sflag:s26] =	ssyncadd.s32 $0xFFFFC000  }
0x73: {  	[spmem:s2] =	stream.indirect.scatter.add.f32 [tilespmem:s24], [sflag:$0x3], $0x80, s22, s23, $0xb8;
	[tilespmem:$0x1FD00] =	vst v63  }
0x74: {  	s29 =	simm.s32 $0x180;
	s0 =	sadd.s32 $0x20, s8;
	_ =	swait.ge [sflag:s19], $0x4000  }
0x75: {  	s10 =	sadd.s32 s5, s11;
	s1 =	sand.u32 $0xFF80, s0;
	[sflag:s19] =	ssyncset.done $0x0  }
.LBB2_4:
0x76: {  	s1 =	sadd.s32 s1, s10  }
0x77: {  	s0 =	sadd.s32 $0x20, s0;
	[sflag:s19] =	ssyncadd.s32 $0xFFFFC000;
	s10 =	smov.u32 s30  }
0x78: {  	[tilespmem:s22], [sflag:$0x2] =	stream.linear.gather [hbm4b:s1+s3], $0x80, $0x38;
	[tilespmem:$0x1FD00] =	vst v63  }
0x79: {  	p2 =	seq.s32 s30, $0x740;
	s30 =	sadd.s32 $0x20, s30;
	s0 =	sand.u32 $0xFF80, s0  }
0x7a: {  	[tilespmem:s24], [sflag:$0x2] =	stream.indirect.gather [hbm4b:s4+s23], $0x80, s29, s23, $0xb8;
	[tilespmem:$0x1FD00] =	vst v63  }
0x7b: {  	s1 =	sand.u32 $0x60, s30;
	_ =	swait.ge [sflag:s25], $0x80  }
0x7c: {  	[sflag:s25] =	ssyncset.done $0x0  }
0x7d: {  	[sflag:s25] =	ssyncadd.s32 $0xFFFFFF80  }
0x7e: {  	_ =	swait.ge [sflag:s25], $0x4000  }
0x7f: {  	[sflag:s25] =	ssyncset.done $0x0  }
0x80: {  	[sflag:s25] =	ssyncadd.s32 $0xFFFFC000  }
0x81: {  	[spmem:s2] =	stream.indirect.scatter.add.f32 [tilespmem:s21], [sflag:$0x3], $0x80, s20, s23, $0xb8;
	[tilespmem:$0x1FD00] =	vst v63  }
0x82: {  	_ =	swait.ge [sflag:s19], $0x4000  }
0x83: {  	s11 =	sadd.s32 s5, s31;
	s31 =	smov.u32 s1;
	[sflag:s19] =	ssyncset.done $0x0  }
0x84: {  	s0 =	sadd.s32 s0, s11;
	[sflag:s19] =	ssyncadd.s32 $0xFFFFC000  }
0x85: {  	[tilespmem:s20], [sflag:$0x1] =	stream.linear.gather [hbm4b:s0+s3], $0x80, $0x38;
	[tilespmem:$0x1FD00] =	vst v63  }
0x86: {  	s0 =	sadd.s32 $0x80, s29  }
0x87: {  	[tilespmem:s21], [sflag:$0x1] =	stream.indirect.gather [hbm4b:s4+s23], $0x80, s0, s23, $0xb8;
	[tilespmem:$0x1FD00] =	vst v63  }
0x88: {  	_ =	swait.ge [sflag:s26], $0x80  }
0x89: {  	[sflag:s26] =	ssyncset.done $0x0  }
0x8a: {  	[sflag:s26] =	ssyncadd.s32 $0xFFFFFF80  }
0x8b: {  	_ =	swait.ge [sflag:s26], $0x4000  }
.Ltmp5:
0x8c: {  	[sflag:s26] =	ssyncset.done $0x0;
	(pc) =	sbr.rel @!p2 .LBB2_4-.Ltmp5, $4  }
0x8d: {  	s1 =	sadd.s32 $0x10, s10;
	s29 =	sadd.s32 $0x100, s29;
	[sflag:s26] =	ssyncadd.s32 $0xFFFFC000  }
0x8e: {  	[spmem:s2] =	stream.indirect.scatter.add.f32 [tilespmem:s24], [sflag:$0x3], $0x80, s22, s23, $0xb8;
	[tilespmem:$0x1FD00] =	vst v63  }
0x8f: {  	s0 =	sadd.s32 s10, s8;
	s10 =	sand.u32 $0x70, s1;
	_ =	swait.ge [sflag:s19], $0x4000  }
0x90: {  	s1 =	sand.u32 $0xFF80, s0;
	s10 =	sadd.s32 s5, s10;
	[sflag:s19] =	ssyncset.done $0x0  }
.Ltmp6:
0x91: {  	_ = 	snop;
	(pc) =	sbr.rel .LBB2_5-.Ltmp6, $1  }
0x92: {  	_ =	sdelay $0x3  }
.LBB2_6:
0x93: {  	s1 =	rddreg [dreg:$0x4]  }
0x94: {  	[tilespmem:s0], [sflag:$0x3] =	stream.linear.gather [hbm4b:s1+s0], $0x1400, $0x38;
	[tilespmem:$0x1FD00] =	vst v63  }
0x95: {  	_ =	swait.ge [sflag:s19], $0x1400  }
0x96: {  	[sflag:s19] =	ssyncset.done $0x0  }
0x97: {  	s10 =	rddreg [dreg:$0x5];
	[sflag:s19] =	ssyncadd.s32 $0xFFFFEC00  }
0x98: {  	[tilespmem:s20], [sflag:$0x1] =	stream.linear.gather [hbm4b:s10+s0], $0x80, $0x38;
	[tilespmem:$0x1FD00] =	vst v63  }
0x99: {  	s1 =	simm.s32 $0x80  }
0x9a: {  	[tilespmem:s21], [sflag:$0x1] =	stream.indirect.gather [hbm4b:s4+s1], $0x80, s0, s1, $0xb8;
	[tilespmem:$0x1FD00] =	vst v63  }
0x9b: {  	s10 =	simm.s32 $0x10;
	s0 =	sadd.s32 $0x0, s6  }
0x9c: {  	s10 =	sand.u32 $0x70, s10;
	s11 =	sadd.s32 $0x7800, s0  }
0x9d: {  	s10 =	sadd.s32 s5, s10;
	s11 =	sand.u32 $0x1FF80, s11  }
0x9e: {  	s10 =	sadd.s32 s11, s10  }
0x9f: {  	[tilespmem:s22], [sflag:$0x2] =	stream.linear.gather [hbm4b:s10+s3], $0x80, $0x38;
	[tilespmem:$0x1FD00] =	vst v63  }
0xa0: {  	_ = 	snop  }
0xa1: {  	[tilespmem:s24], [sflag:$0x2] =	stream.indirect.gather [hbm4b:s4+s23], $0x80, s1, s23, $0xb8;
	[tilespmem:$0x1FD00] =	vst v63  }
0xa2: {  	_ =	swait.ge [sflag:s25], $0x80  }
0xa3: {  	[sflag:s25] =	ssyncset.done $0x0  }
0xa4: {  	[sflag:s25] =	ssyncadd.s32 $0xFFFFFF80  }
0xa5: {  	_ =	swait.ge [sflag:s25], $0x4000  }
0xa6: {  	[sflag:s25] =	ssyncset.done $0x0  }
0xa7: {  	s11 =	simm.s32 $0x20;
	[sflag:s25] =	ssyncadd.s32 $0xFFFFC000  }
0xa8: {  	[spmem:s2] =	stream.indirect.scatter.add.f32 [tilespmem:s21], [sflag:$0x3], $0x80, s20, s23, $0xb8;
	[tilespmem:$0x1FD00] =	vst v63  }
0xa9: {  	s0 =	sadd.s32 $0x7820, s0;
	s1 =	sand.u32 $0x60, s11;
	_ =	swait.ge [sflag:s19], $0x4000  }
0xaa: {  	s0 =	sand.u32 $0x1FF80, s0;
	s1 =	sadd.s32 s5, s1;
	[sflag:s19] =	ssyncset.done $0x0  }
0xab: {  	s0 =	sadd.s32 s0, s1;
	[sflag:s19] =	ssyncadd.s32 $0xFFFFC000  }
0xac: {  	[tilespmem:s20], [sflag:$0x1] =	stream.linear.gather [hbm4b:s0+s3], $0x80, $0x38;
	[tilespmem:$0x1FD00] =	vst v63  }
0xad: {  	s10 =	simm.s32 $0x100  }
0xae: {  	[tilespmem:s21], [sflag:$0x1] =	stream.indirect.gather [hbm4b:s4+s23], $0x80, s10, s23, $0xb8;
	[tilespmem:$0x1FD00] =	vst v63  }
0xaf: {  	_ =	swait.ge [sflag:s26], $0x80  }
0xb0: {  	[sflag:s26] =	ssyncset.done $0x0  }
0xb1: {  	[sflag:s26] =	ssyncadd.s32 $0xFFFFFF80  }
0xb2: {  	s31 =	simm.s32 $0x40;
	_ =	swait.ge [sflag:s26], $0x4000  }
0xb3: {  	s29 =	simm.s32 $0x180;
	s30 =	sand.u32 $0x60, s31;
	[sflag:s26] =	ssyncset.done $0x0  }
0xb4: {  	s11 =	simm.s32 $0x30;
	s0 =	sadd.s32 $0x20, s6;
	[sflag:s26] =	ssyncadd.s32 $0xFFFFC000  }
0xb5: {  	[spmem:s2] =	stream.indirect.scatter.add.f32 [tilespmem:s24], [sflag:$0x3], $0x80, s22, s23, $0xb8;
	[tilespmem:$0x1FD00] =	vst v63  }
0xb6: {  	s11 =	sand.u32 $0x70, s11;
	s10 =	sadd.s32 $0x7800, s0;
	_ =	swait.ge [sflag:s19], $0x4000  }
0xb7: {  	s1 =	sand.u32 $0x1FF80, s10;
	s10 =	sadd.s32 s5, s11;
	[sflag:s19] =	ssyncset.done $0x0  }
.LBB2_7:
0xb8: {  	s1 =	sadd.s32 s1, s10  }
0xb9: {  	s0 =	sadd.s32 $0x7820, s0;
	[sflag:s19] =	ssyncadd.s32 $0xFFFFC000;
	s10 =	smov.u32 s31  }
0xba: {  	[tilespmem:s22], [sflag:$0x2] =	stream.linear.gather [hbm4b:s1+s3], $0x80, $0x38;
	[tilespmem:$0x1FD00] =	vst v63  }
0xbb: {  	p1 =	sne.s32 s31, $0x240;
	s31 =	sadd.s32 $0x20, s31;
	s0 =	sand.u32 $0x1FF80, s0  }
0xbc: {  	[tilespmem:s24], [sflag:$0x2] =	stream.indirect.gather [hbm4b:s4+s23], $0x80, s29, s23, $0xb8;
	[tilespmem:$0x1FD00] =	vst v63  }
0xbd: {  	s1 =	sand.u32 $0x60, s31;
	_ =	swait.ge [sflag:s25], $0x80  }
0xbe: {  	[sflag:s25] =	ssyncset.done $0x0  }
0xbf: {  	[sflag:s25] =	ssyncadd.s32 $0xFFFFFF80  }
0xc0: {  	_ =	swait.ge [sflag:s25], $0x4000  }
0xc1: {  	[sflag:s25] =	ssyncset.done $0x0  }
0xc2: {  	[sflag:s25] =	ssyncadd.s32 $0xFFFFC000  }
0xc3: {  	[spmem:s2] =	stream.indirect.scatter.add.f32 [tilespmem:s21], [sflag:$0x3], $0x80, s20, s23, $0xb8;
	[tilespmem:$0x1FD00] =	vst v63  }
0xc4: {  	_ =	swait.ge [sflag:s19], $0x4000  }
0xc5: {  	s11 =	sadd.s32 s5, s30;
	s30 =	smov.u32 s1;
	[sflag:s19] =	ssyncset.done $0x0  }
0xc6: {  	s0 =	sadd.s32 s0, s11;
	[sflag:s19] =	ssyncadd.s32 $0xFFFFC000  }
0xc7: {  	[tilespmem:s20], [sflag:$0x1] =	stream.linear.gather [hbm4b:s0+s3], $0x80, $0x38;
	[tilespmem:$0x1FD00] =	vst v63  }
0xc8: {  	s0 =	sadd.s32 $0x80, s29  }
0xc9: {  	[tilespmem:s21], [sflag:$0x1] =	stream.indirect.gather [hbm4b:s4+s23], $0x80, s0, s23, $0xb8;
	[tilespmem:$0x1FD00] =	vst v63  }
0xca: {  	_ =	swait.ge [sflag:s26], $0x80  }
0xcb: {  	[sflag:s26] =	ssyncset.done $0x0  }
0xcc: {  	[sflag:s26] =	ssyncadd.s32 $0xFFFFFF80  }
0xcd: {  	_ =	swait.ge [sflag:s26], $0x4000  }
.Ltmp7:
0xce: {  	s29 =	sadd.s32 $0x100, s29;
	[sflag:s26] =	ssyncset.done $0x0;
	(pc) =	sbr.rel @p1 .LBB2_7-.Ltmp7, $4  }
0xcf: {  	s1 =	sadd.s32 $0x10, s10;
	s0 =	sadd.s32 s10, s6;
	[sflag:s26] =	ssyncadd.s32 $0xFFFFC000  }
0xd0: {  	[spmem:s2] =	stream.indirect.scatter.add.f32 [tilespmem:s24], [sflag:$0x3], $0x80, s22, s23, $0xb8;
	[tilespmem:$0x1FD00] =	vst v63  }
0xd1: {  	s11 =	sand.u32 $0x70, s1;
	s10 =	sadd.s32 $0x7800, s0;
	_ =	swait.ge [sflag:s19], $0x4000  }
0xd2: {  	s1 =	sand.u32 $0x1FF80, s10;
	s10 =	sadd.s32 s5, s11;
	[sflag:s19] =	ssyncset.done $0x0  }
0xd3: {  	s1 =	sadd.s32 s1, s10;
	[sflag:s19] =	ssyncadd.s32 $0xFFFFC000  }
0xd4: {  	[tilespmem:s22], [sflag:$0x2] =	stream.linear.gather [hbm4b:s1+s3], $0x80, $0x38;
	[tilespmem:$0x1FD00] =	vst v63  }
0xd5: {  	_ = 	snop  }
0xd6: {  	[tilespmem:s24], [sflag:$0x2] =	stream.indirect.gather [hbm4b:s4+s23], $0x80, s29, s23, $0xb8;
	[tilespmem:$0x1FD00] =	vst v63  }
0xd7: {  	_ =	swait.ge [sflag:s25], $0x80  }
0xd8: {  	[sflag:s25] =	ssyncset.done $0x0  }
0xd9: {  	[sflag:s25] =	ssyncadd.s32 $0xFFFFFF80  }
0xda: {  	_ =	swait.ge [sflag:s25], $0x4000  }
0xdb: {  	[sflag:s25] =	ssyncset.done $0x0  }
0xdc: {  	[sflag:s25] =	ssyncadd.s32 $0xFFFFC000  }
0xdd: {  	[spmem:s2] =	stream.indirect.scatter.add.f32 [tilespmem:s21], [sflag:$0x3], $0x80, s20, s23, $0xb8;
	[tilespmem:$0x1FD00] =	vst v63  }
0xde: {  	s0 =	sadd.s32 $0x7820, s0;
	_ =	swait.ge [sflag:s19], $0x4000  }
0xdf: {  	s30 =	sadd.s32 s5, s30;
	s0 =	sand.u32 $0x1FF80, s0;
	[sflag:s19] =	ssyncset.done $0x0  }
0xe0: {  	s0 =	sadd.s32 s0, s30;
	[sflag:s19] =	ssyncadd.s32 $0xFFFFC000  }
0xe1: {  	[tilespmem:s20], [sflag:$0x1] =	stream.linear.gather [hbm4b:s0+s3], $0x80, $0x38;
	[tilespmem:$0x1FD00] =	vst v63  }
0xe2: {  	s31 =	sadd.s32 $0x80, s29  }
0xe3: {  	[tilespmem:s21], [sflag:$0x1] =	stream.indirect.gather [hbm4b:s4+s23], $0x80, s31, s23, $0xb8;
	[tilespmem:$0x1FD00] =	vst v63  }
0xe4: {  	_ =	swait.ge [sflag:s26], $0x80  }
0xe5: {  	[sflag:s26] =	ssyncset.done $0x0  }
0xe6: {  	[sflag:s26] =	ssyncadd.s32 $0xFFFFFF80  }
0xe7: {  	_ =	swait.ge [sflag:s26], $0x4000  }
0xe8: {  	[sflag:s26] =	ssyncset.done $0x0  }
.Ltmp8:
0xe9: {  	[sflag:s26] =	ssyncadd.s32 $0xFFFFC000;
	(pc) =	sbr.rel .LBB2_9-.Ltmp8, $4  }
0xea: {  	[spmem:s2] =	stream.indirect.scatter.add.f32 [tilespmem:s24], [sflag:$0x3], $0x80, s22, s23, $0xb8;
	[tilespmem:$0x1FD00] =	vst v63  }
0xeb: {  	_ =	swait.ge [sflag:s19], $0x4000  }
0xec: {  	[sflag:s19] =	ssyncset.done $0x0  }
0xed: {  	s1 =	smov.u32 s16;
	s0 =	simm.s32 $0x1380;
	[sflag:s19] =	ssyncadd.s32 $0xFFFFC000  }
.LBB2_10:
0xee: {  	_ =	sfence.sel $0x180000  }
0xef: {  	[bflag:$0x0] =	sbarrier.arrive $0xFFFF  }
0xf0: {  	_ =	strace $0x9000004D  }
0xf1: {  	s0 =	stileid.u32;
	[bflag:$0x2] =	sbarrier.arrive $0xFFFF  }
0xf2: {  	p0 =	sne.s32 s0, $0x0;
	s0 =	rddreg [dreg:$0x3]  }
0xf3: {  	s0 =	sadd.s32 @!p0 $0x100000, s0  }
0xf4: {  	[sflag:s0] =	ssyncadd.tile.s32 @!p0 $0x1;
	_ =	shalt  }
.Lfunc_end2:
_tile_overlayer_lowered:
.L_overlay_start_2:
0xf5: {  	(tag) =	ssettag $0x2  }
0xf6: {  	s0 =	rddreg [dreg:$0x0];
	s2 =	stileid.u32  }
0xf7: {  	s1 =	rddreg [dreg:$0x1];
	p0 =	sne.s32 s2, $0x0  }
0xf8: {  	s3 =	rddreg [dreg:$0x2];
	[bflag:$0x3] =	sbarrier.arrive $0xFFFF;
	s2 =	simm.s32 @!p0 $0x1C03  }
0xf9: {  	[timem:s3], [sflag:s2] =	dma.local @!p0 [hbm:s0], s1  }
0xfa: {  	s0 =	simm.s32 @!p0 $0x3  }
0xfb: {  	_ =	swait.ge @!p0 [sflag:s0], s1  }
0xfc: {  	s1 =	ssub.s32 @!p0 $0x0, s1;
	[sflag:s0] =	ssyncset.done @!p0 $0x0  }
0xfd: {  	[sflag:s0] =	ssyncadd.s32 @!p0 s1  }
0xfe: {  	[bflag:$0x3] =	sbarrier.arrive $0xFFFF  }
0xff: {  	_ =	shalt  }

// kernel: kernel.8.cloned.1.call-start
scs
__scs_entry_jumppad:
0x0: {  	(pc) =	sbr.rel $0x88, $3  }
0x1: {  	(tag) =	ssettag $0x0;
	lr =	simm.s32 $0x1  }
0x2: {  	[smem:$0x3F9B] =	sst lr;
	_ =	strace $0xD0000000  }
0x3: {  	_ = 	snop  }
0x4: {  	_ = 	snop  }
0x5: {  	_ = 	snop  }
0x6: {  	_ = 	snop  }
0x7: {  	_ = 	snop  }
__scs_overlays_trampoline_lowered:
0x8: {  	[smem:$0x3FAA] =	sst s0  }
0x9: {  	[smem:$0x3FAB] =	sst s1  }
0xa: {  	[smem:$0x3FAC] =	sst s2  }
0xb: {  	[smem:$0x3FAD] =	sst s3  }
0xc: {  	[smem:$0x3FAE] =	sst s4  }
0xd: {  	[smem:$0x3FAF] =	sst s5  }
0xe: {  	[smem:$0x3FB0] =	sst s6  }
0xf: {  	[smem:$0x3FB1] =	sst s7  }
0x10: {  	[smem:$0x3FB2] =	sst s8  }
0x11: {  	[smem:$0x3FB3] =	sst s9;
	s0 =	simm.s32 @!p0 $0x0  }
0x12: {  	s1 =	sld [smem:$0x3F99];
	s0 =	simm.s32 @p0 $0x1  }
0x13: {  	[smem:$0x3FB4] =	sst s0;
	s0 =	simm.s32 @!p1 $0x0  }
0x14: {  	s2 =	sld [smem:$0x3F98];
	s0 =	simm.s32 @p1 $0x1  }
0x15: {  	[smem:$0x3FB5] =	sst s0;
	s0 =	simm.s32 @!p2 $0x0  }
0x16: {  	s3 =	sld [smem:$0x3FDB];
	s0 =	simm.s32 @p2 $0x1  }
0x17: {  	s4 =	simm.s32 $0x1BF5;
	[smem:$0x3FB7] =	sst s0  }
0x18: {  	s0 =	sld [smem:$0x3F9A];
	_ =	swait.ge [sflag:s4], $0x0  }
0x19: {  	s7 =	sld [smem:$0x3F9B]  }
0x1a: {  	s8 =	sadd.s32 $0xFFFFE003, lr  }
0x1b: {  	s9 =	sadd.s32 $0xFFFFFEF7, lr;
	s5 =	simm.s32 $0xFFFFFFFF;
	p2 =	slt.u32 s8, $0xFFFFF086  }
0x1c: {  	p1 =	slt.u32 s9, $0xF7A;
	s5 =	simm.s32 @!p2 $0x0  }
0x1d: {  	s5 =	simm.s32 @p1 $0x1;
	p0 =	seq.s32 s7, s2  }
0x1e: {  	s7 =	smul.u32 @!p0 $0xF7A, s2;
	p2 =	seq.s32 @!p0 s5, $0x0  }
0x1f: {  	s9 =	smul.u32 $0xF7A, s1;
	s8 =	simm.s32 @!p0 $0x1BF5;
	p2 =	por !p2, p0  }
0x20: {  	[sflag:s8] =	ssyncset.s32 @!p0 $0xFFFFF086;
	s6 =	sadd.s32 @!p0 s3, s7;
	s7 =	simm.s32 @!p0 $0x108  }
0x21: {  	s3 =	sadd.s32 s3, s9;
	s6 =	sadd.s32 @!p0 $0x88, s6;
	s7 =	simm.s32 @p2 $0x1082  }
0x22: {  	[simem:s7], [sflag:s8] =	dma.local @!p0 [hbm:s6], $0xF7A  }
0x23: {  	s9 =	sor.u32 $0xD0000000, s2;
	s6 =	simm.s32 $0x108;
	_ =	swait.ge @!p0 [sflag:s8], $0x0  }
0x24: {  	s3 =	sadd.s32 $0x88, s3;
	s6 =	simm.s32 @!p1 $0x1082;
	[sflag:s4] =	ssyncset.s32 $0xFFFFF086  }
0x25: {  	[simem:s6], [sflag:s4] =	dma.local [hbm:s3], $0xF7A  }
0x26: {  	[smem:$0x3F9B] =	sst s1;
	(tag) =	ssettag s2;
	_ =	strace s9  }
0x27: {  	s1 =	sld [smem:$0x3FAB]  }
0x28: {  	s2 =	sld [smem:$0x3FAC]  }
0x29: {  	s4 =	sld [smem:$0x3FAE]  }
0x2a: {  	p0 =	seq.s32 s5, $0x0;
	s5 =	sld [smem:$0x3FAF]  }
0x2b: {  	s6 =	sld [smem:$0x3FB0]  }
0x2c: {  	s7 =	sld [smem:$0x3FB1]  }
0x2d: {  	s3 =	simm.s32 $0x108;
	s8 =	sld [smem:$0x3FB2]  }
0x2e: {  	s3 =	simm.s32 @!p0 $0x1082;
	s9 =	sld [smem:$0x3FB3]  }
0x2f: {  	lr =	sadd.s32 s0, s3;
	s0 =	sld [smem:$0x3FAA]  }
0x30: {  	s3 =	sld [smem:$0x3FAD]  }
0x31: {  	[smem:$0x3FB6] =	sst s10  }
0x32: {  	s10 =	sld [smem:$0x3FB4];
	_ =	sdelay $0x3  }
0x33: {  	p0 =	seq.s32 s10, $0x1;
	s10 =	sld [smem:$0x3FB6];
	_ =	sdelay $0x3  }
0x34: {  	[smem:$0x3FB6] =	sst s10  }
0x35: {  	s10 =	sld [smem:$0x3FB5];
	_ =	sdelay $0x3  }
0x36: {  	p1 =	seq.s32 s10, $0x1;
	s10 =	sld [smem:$0x3FB6];
	_ =	sdelay $0x3  }
0x37: {  	[smem:$0x3FB6] =	sst s10  }
0x38: {  	s10 =	sld [smem:$0x3FB7]  }
0x39: {  	_ = 	snop;
	(pc) =	sbr.ind lr, $3  }
0x3a: {  	_ = 	snop  }
0x3b: {  	_ = 	snop  }
0x3c: {  	p2 =	seq.s32 s10, $0x1;
	s10 =	sld [smem:$0x3FB6]  }
0x3d: {  	_ =	shalt  }
0x3e: {  	_ =	shalt  }
0x3f: {  	_ =	shalt  }
0x40: {  	_ =	shalt  }
0x41: {  	_ =	shalt  }
0x42: {  	_ =	shalt  }
0x43: {  	_ =	shalt  }
0x44: {  	_ =	shalt  }
0x45: {  	_ =	shalt  }
0x46: {  	_ =	shalt  }
0x47: {  	_ =	shalt  }
0x48: {  	_ =	shalt  }
0x49: {  	_ =	shalt  }
0x4a: {  	_ =	shalt  }
0x4b: {  	_ =	shalt  }
0x4c: {  	_ =	shalt  }
0x4d: {  	_ =	shalt  }
0x4e: {  	_ =	shalt  }
0x4f: {  	_ =	shalt  }
0x50: {  	_ =	shalt  }
0x51: {  	_ =	shalt  }
0x52: {  	_ =	shalt  }
0x53: {  	_ =	shalt  }
0x54: {  	_ =	shalt  }
0x55: {  	_ =	shalt  }
0x56: {  	_ =	shalt  }
0x57: {  	_ =	shalt  }
0x58: {  	_ =	shalt  }
0x59: {  	_ =	shalt  }
0x5a: {  	_ =	shalt  }
0x5b: {  	_ =	shalt  }
0x5c: {  	_ =	shalt  }
0x5d: {  	_ =	shalt  }
0x5e: {  	_ =	shalt  }
0x5f: {  	_ =	shalt  }
0x60: {  	_ =	shalt  }
0x61: {  	_ =	shalt  }
0x62: {  	_ =	shalt  }
0x63: {  	_ =	shalt  }
0x64: {  	_ =	shalt  }
0x65: {  	_ =	shalt  }
0x66: {  	_ =	shalt  }
0x67: {  	_ =	shalt  }
0x68: {  	_ =	shalt  }
0x69: {  	_ =	shalt  }
0x6a: {  	_ =	shalt  }
0x6b: {  	_ =	shalt  }
0x6c: {  	_ =	shalt  }
0x6d: {  	_ =	shalt  }
0x6e: {  	_ =	shalt  }
0x6f: {  	_ =	shalt  }
0x70: {  	_ =	shalt  }
0x71: {  	_ =	shalt  }
0x72: {  	_ =	shalt  }
0x73: {  	_ =	shalt  }
0x74: {  	_ =	shalt  }
0x75: {  	_ =	shalt  }
0x76: {  	_ =	shalt  }
0x77: {  	_ =	shalt  }
0x78: {  	_ =	shalt  }
0x79: {  	_ =	shalt  }
0x7a: {  	_ =	shalt  }
0x7b: {  	_ =	shalt  }
0x7c: {  	_ =	shalt  }
0x7d: {  	_ =	shalt  }
0x7e: {  	_ =	shalt  }
0x7f: {  	_ =	shalt  }
0x80: {  	_ =	shalt  }
0x81: {  	_ =	shalt  }
0x82: {  	_ =	shalt  }
0x83: {  	_ =	shalt  }
0x84: {  	_ =	shalt  }
0x85: {  	_ =	shalt  }
0x86: {  	_ =	shalt  }
0x87: {  	_ =	shalt  }
.Lfunc_end0:
.L_simem_size_0:
called_computation_lowered:
.L_overlay_start_0:
0x88: {  	s2 =	sld [smem:$0x3FD9]  }
0x89: {  	s3 =	sld [smem:$0x3FFE];
	_ =	sdelay $0x1  }
0x8a: {  	s1 =	srdreg.scid  }
0x8b: {  	s0 =	sand.u32 $0x1, s1  }
0x8c: {  	s16 =	sshll.u32 s0, $0xA;
	s2 =	sadd.s32 s3, s2  }
0x8d: {  	s2 =	sadd.s32 s2, s16  }
0x8e: {  	[smem:$0x3FC2] =	sst s2  }
0x8f: {  	_ = 	snop  }
0x90: {  	(tm) =	ssettm $0x1  }
0x91: {  	s17 =	sld [smem:$0x3FFB];
	_ =	sdelay $0x3  }
0x92: {  	_ =	strace s17  }
0x93: {  	s2 =	sld [smem:$0x3FFC];
	_ =	sdelay $0x3  }
0x94: {  	_ =	strace s2  }
0x95: {  	s2 =	sld [smem:$0x3FFD];
	_ =	sdelay $0x3  }
0x96: {  	_ =	strace s2  }
0x97: {  	_ =	strace $0x8FFFFFFF  }
0x98: {  	s18 =	sld [smem:$0x3FDB];
	_ =	sdelay $0x1  }
0x99: {  	s19 =	simm.s32 $_scs_section_size  }
0x9a: {  	s4 =	simm.s32 $_size__tile_overlayer_lowered;
	s5 =	simm.s32 $_tile_overlayer_lowered  }
0x9b: {  	s22 =	simm.s32 $0x1BFF;
	s21 =	sshll.u32 s5, $0x1;
	s2 =	sadd.s32 s19, s18  }
0x9c: {  	s6 =	simm.s32 $0x0;
	s20 =	sshll.u32 s4, $0x1;
	s4 =	sadd.s32 s21, s2  }
0x9d: {  	[timem:s6], [sflag:s22] =	dma.local [hbm:s4], s20  }
0x9e: {  	_ =	swait.ge [sflag:s22], s20  }
0x9f: {  	s3 =	ssub.s32 $0x0, s20;
	[sflag:s22] =	ssyncset.done $0x0  }
0xa0: {  	[sflag:s22] =	ssyncadd.s32 s3;
	_ =	sdelay $0x1  }
0xa1: {  	s23 =	simm.s32 $0x1B8B  }
0xa2: {  	_ =	swait.ge [sflag:s23], $0x1  }
0xa3: {  	[sflag:s23] =	ssyncset.done $0x0  }
0xa4: {  	s25 =	simm.s32 $0x1B8E;
	s24 =	sld [smem:$0x3FFE];
	[sflag:s23] =	ssyncadd.s32 $0xFFFFFFFF  }
0xa5: {  	s26 =	simm.s32 $execute0_lowered;
	[smem:$0x3FD2] =	sst s25  }
0xa6: {  	s4 =	sshll.u32 s26, $0x1;
	_ =	strace $0x80000046;
	[dreg:$0x1] =	wrdreg $0xFFFFFFFF  }
0xa7: {  	s28 =	simm.s32 $_size_execute0_lowered;
	s2 =	sadd.s32 s2, s4;
	[dreg:$0x0] =	wrdreg $0x0  }
0xa8: {  	s4 =	sshll.u32 s28, $0x1;
	[dreg:$0x2] =	wrdreg s2  }
0xa9: {  	[dreg:$0x3] =	wrdreg s4  }
0xaa: {  	[dreg:$0x4] =	wrdreg $0xC0  }
0xab: {  	_ =	task [dreg:s6], $0x5FFFF  }
0xac: {  	[dreg:$0x1] =	wrdreg $0xFFFFFFFF  }
0xad: {  	[dreg:$0x0] =	wrdreg $0x60  }
0xae: {  	[dreg:$0x2] =	wrdreg s24  }
0xaf: {  	[dreg:$0x3] =	wrdreg $0x3C800  }
0xb0: {  	[dreg:$0x4] =	wrdreg $0x9  }
0xb1: {  	_ =	task.clear_ibuf [dreg:s6], $0x5FFFF;
	_ =	strace $0x90000046  }
0xb2: {  	s29 =	simm.s32 $0x9;
	_ =	strace $0x80000048  }
0xb3: {  	_ =	swait.ge [sflag:s29], $0x1  }
0xb4: {  	[sflag:s29] =	ssyncadd.s32 $0xFFFFFFFF  }
0xb5: {  	_ =	strace $0x90000048  }
0xb6: {  	_ =	sfence  }
0xb7: {  	s30 =	sld [smem:$0x0];
	_ =	sdelay $0x2  }
0xb8: {  	s31 =	sshll.u32 s1, $0xD;
	s1 =	sshrl.u32 s1, $0x2  }
0xb9: {  	s3 =	sand.u32 $0x4000, s31;
	s1 =	sadd.s32 s1, s30  }
0xba: {  	s0 =	sor.u32 s3, s0;
	s1 =	sshll.u32 s1, $0x11  }
0xbb: {  	s0 =	sor.u32 s1, s0  }
0xbc: {  	s0 =	sadd.s32 $0x8F2B, s0  }
0xbd: {  	[sflag:s0] =	ssyncadd.remote.s32 $0x1  }
0xbe: {  	_ =	sfence.sel $0xFFFF  }
0xbf: {  	[dreg:$0x0] =	wrdreg $0xFFFFFFFF;
	(pc) =	sbr.abs _section_cstart, $3  }
0xc0: {  	[dreg:$0x1] =	wrdreg $0xFFFFFFFF  }
0xc1: {  	_ =	task.clear_ibuf [dreg:s6], $0x2FFFF;
	_ =	strace $0x9FFFFFFF  }
0xc2: {  	(tm) =	ssettm $0x7FFFFFFF  }
0xc3: {  	_ =	shalt  }
tec
execute0_lowered:
.L_overlay_start_1:
0x0: {  	(tag) =	ssettag $0x1  }
0x1: {  	s0 =	rddreg [dreg:$0x0]  }
0x2: {  	s2 =	rddreg [dreg:$0x1];
	s3 =	simm.s32 $0x0;
	s12 =	stileid.u32  }
0x3: {  	s4 =	srdreg.scid;
	s13 =	simm.s32 $0x3C00;
	s14 =	simm.s32 $0x1  }
0x4: {  	s15 =	simm.s32 $0x20;
	s16 =	simm.s32 $0x10;
	s28 =	simm.s32 $0xE00  }
0x5: {  	s29 =	simm.s32 $0xE80;
	s30 =	simm.s32 $0xF00;
	s31 =	simm.s32 $0xF80  }
0x6: {  	s17 =	simm.s32 $0x1100;
	s18 =	simm.s32 $0x1180;
	s1 =	smul.u32 $0x280, s12  }
0x7: {  	s19 =	simm.s32 $0x1200;
	s20 =	simm.s32 $0x1280;
	s21 =	smul.u32 $0x500, s12  }
0x8: {  	[smem:$0x7FF] =	sst s3;
	s10 =	sand.u32 $0x1, s4;
	s9 =	smul.u32 $0x1400, s12  }
0x9: {  	s7 =	sadd.s32 $0x2400, s0;
	s23 =	sshll.u32 s12, $0x6;
	s25 =	smul.u32 $0x780, s12  }
0xa: {  	s12 =	simm.s32 $0x80;
	_ =	strace $0x80000047;
	s6 =	sshll.u32 s10, $0x7  }
0xb: {  	s22 =	ssub.s32 $0x2, s10;
	p0 =	sne.s32 s10, $0x0;
	s5 =	sshrl.u32 s1, $0x3  }
0xc: {  	s4 =	sor.u32 s6, s21;
	s8 =	sshrl.u32 s22, $0x1;
	s1 =	sadd.s32 s1, s2  }
0xd: {  	s24 =	sshrl.u32 s9, $0x3;
	s21 =	simm.s32 $0x1300;
	s5 =	sadd.s32 s5, s0  }
0xe: {  	s4 =	sshrl.u32 s4, $0x3;
	s11 =	ssub.s32 s22, s8;
	s26 =	sadd.s32 s7, s24  }
.Ltmp0:
0xf: {  	s7 =	sadd.s32 s7, s25;
	s10 =	sshrl.u32 s1, $0x3;
	(pc) =	sbr.rel .LBB2_1-.Ltmp0, $4  }
0x10: {  	s1 =	simm.s32 $0x1080;
	s22 =	simm.s32 $0x1380;
	s0 =	sadd.s32 s4, s0  }
0x11: {  	s4 =	sadd.s32 $0xC400, s5;
	s5 =	sor.u32 $0x1C02, s23;
	s6 =	sadd.s32 $0x7800, s26  }
0x12: {  	s9 =	smax.u32 s11, $0x1;
	s11 =	simm.s32 $0x2;
	s26 =	simm.s32 $0xD80  }
0x13: {  	v0 =	vimm.f32 $1.000000000e+00;
	s23 =	simm.s32 $0x0;
	s8 =	sadd.s32 $0xCA00, s0;
	s0 =	simm.s32 $0x1000  }
.LBB2_9:
0x14: {  	[sflag:s14] =	ssyncadd.s32 $0xFFFFFF80  }
.LBB2_10:
0x15: {  	s23 =	sadd.s32 $0x1, s23  }
0x16: {  	p1 =	sne.s32 s23, s9  }
.Ltmp1:
0x17: {  	[bflag:$0x0] =	sbarrier.arrive $0xFFFF;
	(pc) =	sbr.rel @!p1 .LBB2_11-.Ltmp1, $4  }
0x18: {  	[hbm:s8@s15], [sflag:s5] =	dma.strided [spmem:s10@s16], $0x50, s14, $0x10   }
0x19: {  	_ =	swait.ge [sflag:s11], $0x50  }
0x1a: {  	[sflag:s11] =	ssyncset.done $0x0  }
0x1b: {  	[sflag:s11] =	ssyncadd.s32 $0xFFFFFFB0  }
.LBB2_1:
0x1c: {  	[spmem:s10], [sflag:s5] =	dma.local [hbm:s4], $0x50  }
0x1d: {  	_ =	swait.ge [sflag:s11], $0x50  }
0x1e: {  	[sflag:s11] =	ssyncset.done $0x0  }
0x1f: {  	[sflag:s11] =	ssyncadd.s32 $0xFFFFFFB0  }
0x20: {  	[tilespmem:$0x3C00] =	vst v0  }
0x21: {  	[tilespmem:$0x3C10] =	vst v0  }
0x22: {  	[tilespmem:$0x3C20] =	vst v0  }
0x23: {  	[tilespmem:$0x3C30] =	vst v0  }
0x24: {  	[tilespmem:$0x3C40] =	vst v0  }
.Ltmp2:
0x25: {  	[tilespmem:$0x3C50] =	vst v0;
	(pc) =	sbr.rel @p0 .LBB2_7-.Ltmp2, $3  }
0x26: {  	[tilespmem:$0x3C60] =	vst v0  }
0x27: {  	[tilespmem:$0x3C70] =	vst v0  }
0x28: {  	[bflag:$0x0] =	sbarrier.arrive $0xFFFF;
	_ =	sdelay $0x1  }
0x29: {  	s24 =	simm.s32 $0x0  }
0x2a: {  	[tilespmem:s24], [sflag:$0x2] =	stream.linear.gather [hbm4b:s7+s24], $0x3C00, $0x38;
	[tilespmem:$0x3F00] =	vst v63  }
0x2b: {  	_ =	swait.ge [sflag:s11], $0x3C00  }
0x2c: {  	[sflag:s11] =	ssyncset.done $0x0  }
0x2d: {  	[sflag:s11] =	ssyncadd.s32 $0xFFFFC400  }
.LBB2_3:
0x2e: {  	p1 =	sne.s32 s24, $0xEE00  }
.Ltmp3:
0x2f: {  	_ = 	snop;
	(pc) =	sbr.rel @p1 .LBB2_3-.Ltmp3, $3  }
0x30: {  	_ =	sdelay $0x1  }
0x31: {  	s25 =	sshra.s32 s24, $0x2;
	s24 =	sadd.s32 $0x200, s24  }
0x32: {  	[spmem:s2] =	stream.indirect.scatter.add.f32 [tilespmem:s13], [sflag:$0x1], $0x1, s25, s12, $0xb8;
	[tilespmem:$0x3F00] =	vst v63  }
0x33: {  	_ =	swait.ge [sflag:s14], $0x80  }
0x34: {  	s24 =	simm.s32 $0x77;
	[sflag:s14] =	ssyncset.done $0x0  }
.LBB2_5:
0x35: {  	p1 =	seq.s32 s24, $0x1;
	s24 =	sadd.s32 $0xFFFFFFFF, s24;
	[sflag:s14] =	ssyncadd.s32 $0xFFFFFF80  }
.Ltmp4:
0x36: {  	(pc) =	sbr.rel @!p1 .LBB2_5-.Ltmp4, $3  }
0x37: {  	_ =	sdelay $0x1  }
0x38: {  	_ =	swait.ge [sflag:s14], $0x80  }
0x39: {  	[sflag:s14] =	ssyncset.done $0x0  }
.Ltmp5:
0x3a: {  	(pc) =	sbr.rel .LBB2_10-.Ltmp5, $2  }
0x3b: {  	_ =	sdelay $0x2  }
0x3c: {  	[sflag:s14] =	ssyncadd.s32 $0xFFFFFF80  }
.LBB2_7:
0x3d: {  	[tilespmem:s3], [sflag:$0x2] =	stream.linear.gather [hbm4b:s6+s3], $0x1400, $0x38;
	[tilespmem:$0x3F00] =	vst v63  }
0x3e: {  	_ =	swait.ge [sflag:s11], $0x1400  }
0x3f: {  	[sflag:s11] =	ssyncset.done $0x0  }
0x40: {  	[sflag:s11] =	ssyncadd.s32 $0xFFFFEC00  }
0x41: {  	[spmem:s2] =	stream.indirect.scatter.add.f32 [tilespmem:s13], [sflag:$0x1], $0x1, s3, s12, $0xb8;
	[tilespmem:$0x3F00] =	vst v63  }
0x42: {  	_ = 	snop  }
0x43: {  	[spmem:s2] =	stream.indirect.scatter.add.f32 [tilespmem:s13], [sflag:$0x1], $0x1, s12, s12, $0xb8;
	[tilespmem:$0x3F00] =	vst v63  }
0x44: {  	s24 =	simm.s32 $0x100  }
0x45: {  	[spmem:s2] =	stream.indirect.scatter.add.f32 [tilespmem:s13], [sflag:$0x1], $0x1, s24, s12, $0xb8;
	[tilespmem:$0x3F00] =	vst v63  }
0x46: {  	s25 =	simm.s32 $0x180  }
0x47: {  	[spmem:s2] =	stream.indirect.scatter.add.f32 [tilespmem:s13], [sflag:$0x1], $0x1, s25, s12, $0xb8;
	[tilespmem:$0x3F00] =	vst v63  }
0x48: {  	s25 =	simm.s32 $0x200  }
0x49: {  	[spmem:s2] =	stream.indirect.scatter.add.f32 [tilespmem:s13], [sflag:$0x1], $0x1, s25, s12, $0xb8;
	[tilespmem:$0x3F00] =	vst v63  }
0x4a: {  	s25 =	simm.s32 $0x280  }
0x4b: {  	[spmem:s2] =	stream.indirect.scatter.add.f32 [tilespmem:s13], [sflag:$0x1], $0x1, s25, s12, $0xb8;
	[tilespmem:$0x3F00] =	vst v63  }
0x4c: {  	s25 =	simm.s32 $0x300  }
0x4d: {  	[spmem:s2] =	stream.indirect.scatter.add.f32 [tilespmem:s13], [sflag:$0x1], $0x1, s25, s12, $0xb8;
	[tilespmem:$0x3F00] =	vst v63  }
0x4e: {  	s25 =	simm.s32 $0x380  }
0x4f: {  	[spmem:s2] =	stream.indirect.scatter.add.f32 [tilespmem:s13], [sflag:$0x1], $0x1, s25, s12, $0xb8;
	[tilespmem:$0x3F00] =	vst v63  }
0x50: {  	s25 =	simm.s32 $0x400  }
0x51: {  	[spmem:s2] =	stream.indirect.scatter.add.f32 [tilespmem:s13], [sflag:$0x1], $0x1, s25, s12, $0xb8;
	[tilespmem:$0x3F00] =	vst v63  }
0x52: {  	s25 =	simm.s32 $0x480  }
0x53: {  	[spmem:s2] =	stream.indirect.scatter.add.f32 [tilespmem:s13], [sflag:$0x1], $0x1, s25, s12, $0xb8;
	[tilespmem:$0x3F00] =	vst v63  }
0x54: {  	s25 =	simm.s32 $0x500  }
0x55: {  	[spmem:s2] =	stream.indirect.scatter.add.f32 [tilespmem:s13], [sflag:$0x1], $0x1, s25, s12, $0xb8;
	[tilespmem:$0x3F00] =	vst v63  }
0x56: {  	s25 =	simm.s32 $0x580  }
0x57: {  	[spmem:s2] =	stream.indirect.scatter.add.f32 [tilespmem:s13], [sflag:$0x1], $0x1, s25, s12, $0xb8;
	[tilespmem:$0x3F00] =	vst v63  }
0x58: {  	s25 =	simm.s32 $0x600  }
0x59: {  	[spmem:s2] =	stream.indirect.scatter.add.f32 [tilespmem:s13], [sflag:$0x1], $0x1, s25, s12, $0xb8;
	[tilespmem:$0x3F00] =	vst v63  }
0x5a: {  	s25 =	simm.s32 $0x680  }
0x5b: {  	[spmem:s2] =	stream.indirect.scatter.add.f32 [tilespmem:s13], [sflag:$0x1], $0x1, s25, s12, $0xb8;
	[tilespmem:$0x3F00] =	vst v63  }
0x5c: {  	s25 =	simm.s32 $0x700  }
0x5d: {  	[spmem:s2] =	stream.indirect.scatter.add.f32 [tilespmem:s13], [sflag:$0x1], $0x1, s25, s12, $0xb8;
	[tilespmem:$0x3F00] =	vst v63  }
0x5e: {  	s25 =	simm.s32 $0x780  }
0x5f: {  	[spmem:s2] =	stream.indirect.scatter.add.f32 [tilespmem:s13], [sflag:$0x1], $0x1, s25, s12, $0xb8;
	[tilespmem:$0x3F00] =	vst v63  }
0x60: {  	s25 =	simm.s32 $0x800  }
0x61: {  	[spmem:s2] =	stream.indirect.scatter.add.f32 [tilespmem:s13], [sflag:$0x1], $0x1, s25, s12, $0xb8;
	[tilespmem:$0x3F00] =	vst v63  }
0x62: {  	s25 =	simm.s32 $0x880  }
0x63: {  	[spmem:s2] =	stream.indirect.scatter.add.f32 [tilespmem:s13], [sflag:$0x1], $0x1, s25, s12, $0xb8;
	[tilespmem:$0x3F00] =	vst v63  }
0x64: {  	s25 =	simm.s32 $0x900  }
0x65: {  	[spmem:s2] =	stream.indirect.scatter.add.f32 [tilespmem:s13], [sflag:$0x1], $0x1, s25, s12, $0xb8;
	[tilespmem:$0x3F00] =	vst v63  }
0x66: {  	s25 =	simm.s32 $0x980  }
0x67: {  	[spmem:s2] =	stream.indirect.scatter.add.f32 [tilespmem:s13], [sflag:$0x1], $0x1, s25, s12, $0xb8;
	[tilespmem:$0x3F00] =	vst v63  }
0x68: {  	s25 =	simm.s32 $0xA00  }
0x69: {  	[spmem:s2] =	stream.indirect.scatter.add.f32 [tilespmem:s13], [sflag:$0x1], $0x1, s25, s12, $0xb8;
	[tilespmem:$0x3F00] =	vst v63  }
0x6a: {  	s25 =	simm.s32 $0xA80  }
0x6b: {  	[spmem:s2] =	stream.indirect.scatter.add.f32 [tilespmem:s13], [sflag:$0x1], $0x1, s25, s12, $0xb8;
	[tilespmem:$0x3F00] =	vst v63  }
0x6c: {  	s25 =	simm.s32 $0xB00  }
0x6d: {  	[spmem:s2] =	stream.indirect.scatter.add.f32 [tilespmem:s13], [sflag:$0x1], $0x1, s25, s12, $0xb8;
	[tilespmem:$0x3F00] =	vst v63  }
0x6e: {  	s25 =	simm.s32 $0xB80  }
0x6f: {  	[spmem:s2] =	stream.indirect.scatter.add.f32 [tilespmem:s13], [sflag:$0x1], $0x1, s25, s12, $0xb8;
	[tilespmem:$0x3F00] =	vst v63  }
0x70: {  	s25 =	simm.s32 $0xC00  }
0x71: {  	[spmem:s2] =	stream.indirect.scatter.add.f32 [tilespmem:s13], [sflag:$0x1], $0x1, s25, s12, $0xb8;
	[tilespmem:$0x3F00] =	vst v63  }
0x72: {  	s25 =	simm.s32 $0xC80  }
0x73: {  	[spmem:s2] =	stream.indirect.scatter.add.f32 [tilespmem:s13], [sflag:$0x1], $0x1, s25, s12, $0xb8;
	[tilespmem:$0x3F00] =	vst v63  }
0x74: {  	s25 =	simm.s32 $0xD00  }
0x75: {  	[spmem:s2] =	stream.indirect.scatter.add.f32 [tilespmem:s13], [sflag:$0x1], $0x1, s25, s12, $0xb8;
	[tilespmem:$0x3F00] =	vst v63  }
0x76: {  	_ = 	snop  }
0x77: {  	[spmem:s2] =	stream.indirect.scatter.add.f32 [tilespmem:s13], [sflag:$0x1], $0x1, s26, s12, $0xb8;
	[tilespmem:$0x3F00] =	vst v63  }
0x78: {  	_ = 	snop  }
0x79: {  	[spmem:s2] =	stream.indirect.scatter.add.f32 [tilespmem:s13], [sflag:$0x1], $0x1, s28, s12, $0xb8;
	[tilespmem:$0x3F00] =	vst v63  }
0x7a: {  	_ = 	snop  }
0x7b: {  	[spmem:s2] =	stream.indirect.scatter.add.f32 [tilespmem:s13], [sflag:$0x1], $0x1, s29, s12, $0xb8;
	[tilespmem:$0x3F00] =	vst v63  }
0x7c: {  	_ = 	snop  }
0x7d: {  	[spmem:s2] =	stream.indirect.scatter.add.f32 [tilespmem:s13], [sflag:$0x1], $0x1, s30, s12, $0xb8;
	[tilespmem:$0x3F00] =	vst v63  }
0x7e: {  	_ = 	snop  }
0x7f: {  	[spmem:s2] =	stream.indirect.scatter.add.f32 [tilespmem:s13], [sflag:$0x1], $0x1, s31, s12, $0xb8;
	[tilespmem:$0x3F00] =	vst v63  }
0x80: {  	_ = 	snop  }
0x81: {  	[spmem:s2] =	stream.indirect.scatter.add.f32 [tilespmem:s13], [sflag:$0x1], $0x1, s0, s12, $0xb8;
	[tilespmem:$0x3F00] =	vst v63  }
0x82: {  	_ = 	snop  }
0x83: {  	[spmem:s2] =	stream.indirect.scatter.add.f32 [tilespmem:s13], [sflag:$0x1], $0x1, s1, s12, $0xb8;
	[tilespmem:$0x3F00] =	vst v63  }
0x84: {  	_ = 	snop  }
0x85: {  	[spmem:s2] =	stream.indirect.scatter.add.f32 [tilespmem:s13], [sflag:$0x1], $0x1, s17, s12, $0xb8;
	[tilespmem:$0x3F00] =	vst v63  }
0x86: {  	_ = 	snop  }
0x87: {  	[spmem:s2] =	stream.indirect.scatter.add.f32 [tilespmem:s13], [sflag:$0x1], $0x1, s18, s12, $0xb8;
	[tilespmem:$0x3F00] =	vst v63  }
0x88: {  	_ = 	snop  }
0x89: {  	[spmem:s2] =	stream.indirect.scatter.add.f32 [tilespmem:s13], [sflag:$0x1], $0x1, s19, s12, $0xb8;
	[tilespmem:$0x3F00] =	vst v63  }
0x8a: {  	_ = 	snop  }
0x8b: {  	[spmem:s2] =	stream.indirect.scatter.add.f32 [tilespmem:s13], [sflag:$0x1], $0x1, s20, s12, $0xb8;
	[tilespmem:$0x3F00] =	vst v63  }
0x8c: {  	_ = 	snop  }
0x8d: {  	[spmem:s2] =	stream.indirect.scatter.add.f32 [tilespmem:s13], [sflag:$0x1], $0x1, s21, s12, $0xb8;
	[tilespmem:$0x3F00] =	vst v63  }
0x8e: {  	_ = 	snop  }
0x8f: {  	[spmem:s2] =	stream.indirect.scatter.add.f32 [tilespmem:s13], [sflag:$0x1], $0x1, s22, s12, $0xb8;
	[tilespmem:$0x3F00] =	vst v63  }
0x90: {  	_ =	swait.ge [sflag:s14], $0x80  }
0x91: {  	s24 =	simm.s32 $0x27;
	[sflag:s14] =	ssyncset.done $0x0  }
.LBB2_8:
0x92: {  	p1 =	sne.s32 s24, $0x1;
	s24 =	sadd.s32 $0xFFFFFFFF, s24;
	[sflag:s14] =	ssyncadd.s32 $0xFFFFFF80  }
.Ltmp6:
0x93: {  	(pc) =	sbr.rel @p1 .LBB2_8-.Ltmp6, $3  }
0x94: {  	_ =	sdelay $0x1  }
0x95: {  	_ =	swait.ge [sflag:s14], $0x80  }
0x96: {  	[sflag:s14] =	ssyncset.done $0x0  }
.Ltmp7:
0x97: {  	_ = 	snop;
	(pc) =	sbr.rel .LBB2_9-.Ltmp7, $1  }
0x98: {  	_ =	sdelay $0x3  }
.LBB2_11:
0x99: {  	_ =	sfence.sel $0x180000  }
0x9a: {  	[bflag:$0x0] =	sbarrier.arrive $0xFFFF  }
0x9b: {  	_ =	strace $0x90000047  }
0x9c: {  	s0 =	stileid.u32;
	[bflag:$0x2] =	sbarrier.arrive $0xFFFF  }
0x9d: {  	p0 =	sne.s32 s0, $0x0;
	s0 =	rddreg [dreg:$0x2]  }
0x9e: {  	s0 =	sadd.s32 @!p0 $0x100000, s0  }
0x9f: {  	[sflag:s0] =	ssyncadd.tile.s32 @!p0 $0x1;
	_ =	shalt  }
.Lfunc_end2:
_tile_overlayer_lowered:
.L_overlay_start_2:
0xa0: {  	(tag) =	ssettag $0x2  }
0xa1: {  	s0 =	rddreg [dreg:$0x0];
	s2 =	stileid.u32  }
0xa2: {  	s1 =	rddreg [dreg:$0x1];
	p0 =	sne.s32 s2, $0x0  }
0xa3: {  	s3 =	rddreg [dreg:$0x2];
	[bflag:$0x3] =	sbarrier.arrive $0xFFFF;
	s2 =	simm.s32 @!p0 $0x1C02  }
0xa4: {  	[timem:s3], [sflag:s2] =	dma.local @!p0 [hbm:s0], s1  }
0xa5: {  	s0 =	simm.s32 @!p0 $0x2  }
0xa6: {  	_ =	swait.ge @!p0 [sflag:s0], s1  }
0xa7: {  	s1 =	ssub.s32 @!p0 $0x0, s1;
	[sflag:s0] =	ssyncset.done @!p0 $0x0  }
0xa8: {  	[sflag:s0] =	ssyncadd.s32 @!p0 s1  }
0xa9: {  	[bflag:$0x3] =	sbarrier.arrive $0xFFFF  }
0xaa: {  	_ =	shalt  }

</sc_bundles>
